<compile_context>
chip_gen: v7x
topology: tpu7x:2x2x1
jax: 0.10.2.dev20260603
libtpu: 0.0.44.dev20260713+nightly
codegen_flags: <defaults>
</compile_context>

<pallas_src>
import functools

import jax
import jax.numpy as jnp
from jax import lax
from jax.experimental import pallas as pl
from jax.experimental.pallas import tpu as pltpu
from jax.experimental.pallas import tpu_sc as plsc

N_NODES = 10000
N_PAD = 10240
N_EDGES = 320000
N_GRAPHS = 64
DEGW = 16

NC = 2
NS = 16
NW = NC * NS
CHUNK = 128
ROWS_PER_TILE = 80
E_PAD = NW * ROWS_PER_TILE * CHUNK
NODES_PER_TILE = N_PAD // NS

_HP = lax.Precision.HIGHEST


def _sc_mesh():
    return plsc.VectorSubcoreMesh(core_axis_name="c", subcore_axis_name="s")



@functools.partial(
    pl.kernel,
    mesh=_sc_mesh(),
    out_type=jax.ShapeDtypeStruct((NC, N_PAD, DEGW), jnp.float32),
    scratch_types=[
        pltpu.VMEM((ROWS_PER_TILE, CHUNK), jnp.int32),
        pltpu.VMEM((CHUNK, DEGW), jnp.float32),
        pltpu.VMEM_SHARED((N_PAD, DEGW), jnp.float32),
        pltpu.SemaphoreType.DMA,
    ],
    compiler_params=pltpu.CompilerParams(use_tc_tiling_on_sc=False),
)
def _deg_kernel(dst_hbm, zeros_hbm, ones_hbm, out_hbm, dst_v, ones_v, acc_sh, sem):
    cid = lax.axis_index("c")
    sid = lax.axis_index("s")
    wid = cid * NS + sid
    nslice = pl.ds(sid * NODES_PER_TILE, NODES_PER_TILE)
    pltpu.sync_copy(zeros_hbm, acc_sh.at[nslice])
    pltpu.sync_copy(dst_hbm.at[wid], dst_v)
    pltpu.sync_copy(ones_hbm, ones_v)
    plsc.subcore_barrier()

    WIN = 8

    def body(c, carry):
        pltpu.make_async_copy(
            ones_v, acc_sh.at[dst_v.at[c]], sem).start(add=True)

        @pl.when(c >= WIN)
        def _():
            pltpu.make_async_copy(ones_v, acc_sh.at[dst_v.at[0]], sem).wait()
        return carry

    lax.fori_loop(0, ROWS_PER_TILE, body, 0)

    def drain(c, carry):
        pltpu.make_async_copy(ones_v, acc_sh.at[dst_v.at[0]], sem).wait()
        return carry

    lax.fori_loop(0, WIN, drain, 0)
    plsc.subcore_barrier()
    pltpu.sync_copy(acc_sh.at[nslice], out_hbm.at[cid, nslice])


def _make_edge_kernel(D):
    @functools.partial(
        pl.kernel,
        mesh=_sc_mesh(),
        out_type=jax.ShapeDtypeStruct((NC, N_PAD, D), jnp.bfloat16),
        scratch_types=[
            pltpu.VMEM((ROWS_PER_TILE, CHUNK), jnp.int32),
            pltpu.VMEM((ROWS_PER_TILE, CHUNK), jnp.int32),
            pltpu.VMEM((4, CHUNK, D), jnp.bfloat16),
            pltpu.VMEM_SHARED((N_PAD, D), jnp.bfloat16),
            pltpu.SemaphoreType.DMA,
            pltpu.SemaphoreType.DMA,
            pltpu.SemaphoreType.DMA,
            pltpu.SemaphoreType.DMA,
            pltpu.SemaphoreType.DMA,
        ],
        compiler_params=pltpu.CompilerParams(use_tc_tiling_on_sc=False),
    )
    def _edge_kernel(src_hbm, dst_hbm, g_hbm, zeros_hbm, out_hbm,
                     src_v, dst_v, rows_v, acc_sh, g0, g1, g2, g3, ss):
        semg = (g0, g1, g2, g3)
        cid = lax.axis_index("c")
        sid = lax.axis_index("s")
        wid = cid * NS + sid
        nslice = pl.ds(sid * NODES_PER_TILE, NODES_PER_TILE)
        pltpu.sync_copy(zeros_hbm, acc_sh.at[nslice])
        pltpu.sync_copy(src_hbm.at[wid], src_v)
        pltpu.sync_copy(dst_hbm.at[wid], dst_v)
        plsc.subcore_barrier()

        for k in range(4):
            pltpu.make_async_copy(
                g_hbm.at[src_v.at[k]], rows_v.at[k], semg[k]).start()

        def body(i, carry):
            c0 = i * 4
            for k in range(4):
                pltpu.make_async_copy(
                    g_hbm.at[src_v.at[c0 + k]], rows_v.at[k], semg[k]).wait()
                pltpu.make_async_copy(
                    rows_v.at[k], acc_sh.at[dst_v.at[c0 + k]], ss).start(add=True)
            for k in range(4):
                pltpu.make_async_copy(
                    rows_v.at[k], acc_sh.at[dst_v.at[0]], ss).wait()

                @pl.when(c0 + 4 + k < ROWS_PER_TILE)
                def _():
                    pltpu.make_async_copy(
                        g_hbm.at[src_v.at[c0 + 4 + k]], rows_v.at[k],
                        semg[k]).start()
            return carry

        lax.fori_loop(0, ROWS_PER_TILE // 4, body, 0)
        plsc.subcore_barrier()
        pltpu.sync_copy(acc_sh.at[nslice], out_hbm.at[cid, nslice])

    return _edge_kernel


_edge96 = _make_edge_kernel(96)
_edge64 = _make_edge_kernel(64)
_edge32 = _make_edge_kernel(32)



def _dinv_from(deg_ref):
    deg = deg_ref[0, :, 0:1] + deg_ref[1, :, 0:1] + 1.0
    return lax.rsqrt(deg)


def _b_body(x_ref, w_ref, deg_ref, g_ref):
    dinv = _dinv_from(deg_ref)
    h = jnp.dot(x_ref[...], w_ref[...], precision=_HP,
                preferred_element_type=jnp.float32)
    g_ref[0:N_NODES, :] = (h * dinv[0:N_NODES]).astype(jnp.bfloat16)
    g_ref[N_NODES:N_PAD, :] = jnp.zeros(
        (N_PAD - N_NODES, 96), jnp.bfloat16)


_tc_b = pl.pallas_call(
    _b_body, out_shape=jax.ShapeDtypeStruct((N_PAD, 96), jnp.bfloat16))


def _make_tc_d(Dt, Dn):
    def body(acc_ref, g_ref, deg_ref, b_ref, w_ref, out_ref):
        dinv = _dinv_from(deg_ref)
        t = (acc_ref[0].astype(jnp.float32) + acc_ref[1].astype(jnp.float32)
             + g_ref[...].astype(jnp.float32)) * dinv
        t = jnp.maximum(t[:, :Dt] + b_ref[...], 0.0)
        out_ref[...] = (jnp.dot(t, w_ref[...], precision=_HP,
                                preferred_element_type=jnp.float32)
                        * dinv).astype(jnp.bfloat16)

    return pl.pallas_call(
        body, out_shape=jax.ShapeDtypeStruct((N_PAD, Dn), jnp.bfloat16))


_tc_d1 = _make_tc_d(84, 64)
_tc_d2 = _make_tc_d(64, 32)


def _d3_body(acc_ref, g_ref, deg_ref, b_ref, batch_ref, wl_ref, bl_ref, out_ref):
    dinv = _dinv_from(deg_ref)
    h = (acc_ref[0].astype(jnp.float32) + acc_ref[1].astype(jnp.float32)
         + g_ref[...].astype(jnp.float32)) * dinv
    h = jnp.maximum(h + b_ref[...], 0.0)
    gid = batch_ref[...]
    oh = (gid == lax.broadcasted_iota(jnp.int32, (1, N_GRAPHS), 1))
    oh = oh.astype(jnp.float32)
    sums = lax.dot_general(oh, h, (((0,), (0,)), ((), ())),
                           precision=_HP, preferred_element_type=jnp.float32)
    cnt = jnp.sum(oh, axis=0).reshape(N_GRAPHS, 1)
    pooled = sums / jnp.maximum(cnt, 1.0)
    out_ref[...] = jnp.dot(pooled, wl_ref[...], precision=_HP,
                           preferred_element_type=jnp.float32) + bl_ref[...]


_tc_d3 = pl.pallas_call(
    _d3_body, out_shape=jax.ShapeDtypeStruct((N_GRAPHS, 10), jnp.float32))



@jax.jit
def kernel(x, edge_index, batch, W1, b1, W2, b2, W3, b3, Wl, bl):
    ei = edge_index.astype(jnp.int32)
    fill = N_NODES + jnp.arange(E_PAD - N_EDGES, dtype=jnp.int32) % (
        N_PAD - N_NODES)
    ei = jnp.concatenate(
        [ei, jnp.broadcast_to(fill, (2, E_PAD - N_EDGES))], axis=1)
    src = ei[0].reshape(NW, ROWS_PER_TILE, CHUNK)
    dst = ei[1].reshape(NW, ROWS_PER_TILE, CHUNK)
    batch2 = jnp.pad(batch.astype(jnp.int32), (0, N_PAD - N_NODES),
                     constant_values=-1).reshape(N_PAD, 1)

    zdeg = jnp.zeros((NODES_PER_TILE, DEGW), jnp.float32)
    ones = jnp.ones((CHUNK, DEGW), jnp.float32)
    W1p = jnp.pad(W1, ((0, 0), (0, 96 - 84)))
    deg2 = _deg_kernel(dst, zdeg, ones)
    g1 = _tc_b(x, W1p, deg2)
    acc1 = _edge96(src, dst, g1, jnp.zeros((NODES_PER_TILE, 96), jnp.bfloat16))
    g2 = _tc_d1(acc1, g1, deg2, b1.reshape(1, 84), W2)
    acc2 = _edge64(src, dst, g2, jnp.zeros((NODES_PER_TILE, 64), jnp.bfloat16))
    g3 = _tc_d2(acc2, g2, deg2, b2.reshape(1, 64), W3)
    acc3 = _edge32(src, dst, g3, jnp.zeros((NODES_PER_TILE, 32), jnp.bfloat16))
    return _tc_d3(acc3, g3, deg2, b3.reshape(1, 32), batch2,
                  Wl, bl.reshape(1, 10))

# --- scband reference (transcript-rebuilt; emitter-appended) ---
"""Pipeline reference for scband-gcn-74036646248595 (READ-ONLY COPY).

The authoritative reference and input builder live on the scoring server;
editing this copy changes nothing except your own understanding.
"""

import jax, jax.numpy as jnp
import numpy as np

N_NODES = 10000
N_EDGES = 320000
NUM_GRAPHS = 64


def gcn_conv(x, src, dst, W, b, n_nodes):
    # PyG GCNConv: add self-loops, symmetric normalization, linear transform, scatter-add
    loop = jnp.arange(n_nodes, dtype=src.dtype)
    s = jnp.concatenate([src, loop])
    d = jnp.concatenate([dst, loop])
    h = x @ W
    deg = jnp.zeros((n_nodes,), dtype=h.dtype).at[d].add(1.0)
    dinv = jnp.where(deg > 0, jax.lax.rsqrt(deg), 0.0)
    norm = dinv[s] * dinv[d]
    msg = h[s] * norm[:, None]
    out = jnp.zeros((n_nodes, h.shape[1]), dtype=h.dtype).at[d].add(msg)
    return out + b


def setup_inputs(seed: int = 0) -> dict:
    key = jax.random.key(seed)
    ks = jax.random.split(key, 12)
    x = jax.random.normal(ks[0], (N_NODES, 128), dtype=jnp.float32)
    edge_index = jax.random.randint(ks[1], (2, N_EDGES), 0, N_NODES, dtype=jnp.int64)
    batch = jnp.sort(jax.random.randint(ks[2], (N_NODES,), 0, NUM_GRAPHS, dtype=jnp.int64))
    def glorot(k, fi, fo):
        lim = np.sqrt(6.0 / (fi + fo))
        return jax.random.uniform(k, (fi, fo), dtype=jnp.float32, minval=-lim, maxval=lim)
    W1 = glorot(ks[3], 128, 84); b1 = jnp.zeros((84,), jnp.float32)
    W2 = glorot(ks[4], 84, 64);  b2 = jnp.zeros((64,), jnp.float32)
    W3 = glorot(ks[5], 64, 32);  b3 = jnp.zeros((32,), jnp.float32)
    Wl = glorot(ks[6], 32, 10);  bl = jnp.zeros((10,), jnp.float32)
    return {"x": x, "edge_index": edge_index, "batch": batch,
            "W1": W1, "b1": b1, "W2": W2, "b2": b2, "W3": W3, "b3": b3,
            "Wl": Wl, "bl": bl}


def reference(x, edge_index, batch, W1, b1, W2, b2, W3, b3, Wl, bl):
    n_nodes = x.shape[0]
    src = edge_index[0]
    dst = edge_index[1]
    h = jax.nn.relu(gcn_conv(x, src, dst, W1, b1, n_nodes))
    h = jax.nn.relu(gcn_conv(h, src, dst, W2, b2, n_nodes))
    h = jax.nn.relu(gcn_conv(h, src, dst, W3, b3, n_nodes))
    # global_mean_pool over graphs
    sums = jax.ops.segment_sum(h, batch, num_segments=NUM_GRAPHS)
    cnt = jax.ops.segment_sum(jnp.ones((n_nodes,), h.dtype), batch, num_segments=NUM_GRAPHS)
    pooled = sums / jnp.maximum(cnt, 1.0)[:, None]
    # dropout is identity in eval mode
    return pooled @ Wl + bl

if __name__ == "__main__":
    import jax
    _d = setup_inputs()
    print(jax.jit(kernel)(*tuple(_d.values())))

</pallas_src>

<mosaic_0001>
#map = affine_map<(d0, d1) -> (0, 0, 0)>
#map1 = affine_map<(d0, d1) -> (0, 0)>
module attributes {stable_mosaic.version = 14 : i64} {
  func.func @_edge_kernel(%arg0: i32, %arg1: i32, %arg2: memref<32x80x128xi32, #tpu.memory_space<hbm>>, %arg3: memref<32x80x128xi32, #tpu.memory_space<hbm>>, %arg4: memref<10240x32xbf16, #tpu.memory_space<hbm>>, %arg5: memref<640x32xbf16, #tpu.memory_space<hbm>>, %arg6: memref<2x10240x32xbf16, #tpu.memory_space<hbm>>, %arg7: memref<80x128xi32, #tpu.memory_space<vmem>>, %arg8: memref<80x128xi32, #tpu.memory_space<vmem>>, %arg9: memref<4x128x32xbf16, #tpu.memory_space<vmem>>, %arg10: memref<10240x32xbf16, #tpu.memory_space<vmem_shared>>, %arg11: memref<!tpu.dma_semaphore, #tpu.memory_space<semaphore_mem>>, %arg12: memref<!tpu.dma_semaphore, #tpu.memory_space<semaphore_mem>>, %arg13: memref<!tpu.dma_semaphore, #tpu.memory_space<semaphore_mem>>, %arg14: memref<!tpu.dma_semaphore, #tpu.memory_space<semaphore_mem>>, %arg15: memref<!tpu.dma_semaphore, #tpu.memory_space<semaphore_mem>>) attributes {dimension_semantics = [#tpu.dimension_semantics<core_parallel>, #tpu.dimension_semantics<subcore_parallel>], iteration_bounds = array<i64: 2, 16>, scalar_prefetch = 0 : i64, scratch_operands = 9 : i64, tpu.core_type = #tpu.core_type<sc_vector_subcore>, window_params = [{transform_indices = #map}, {transform_indices = #map}, {transform_indices = #map1}, {transform_indices = #map1}, {transform_indices = #map}]} {
    %mul3A = arith.constant 16 : i32
    %mul3A_0 = arith.muli %arg0, %mul3A : i32
    %add3A = arith.addi %mul3A_0, %arg1 : i32
    %mul3A_1 = arith.constant 640 : i32
    %mul3A_2 = arith.muli %arg1, %mul3A_1 : i32
    "tpu.region"() ({
      %run_scoped3A = tpu.sem_alloc : memref<!tpu.dma_semaphore, #tpu.memory_space<semaphore_mem>>
      %dma_start3A_56 = arith.constant 0 : i32
      %dma_start3A_57 = tpu.memref_slice %arg10[%mul3A_2, %dma_start3A_56] : memref<10240x32xbf16, #tpu.memory_space<vmem_shared>> -> memref<640x32xbf16, #tpu.memory_space<vmem_shared>>
      tpu.enqueue_dma source(%arg5 : memref<640x32xbf16, #tpu.memory_space<hbm>>) target(%dma_start3A_57 : memref<640x32xbf16, #tpu.memory_space<vmem_shared>>) target_semaphore(%run_scoped3A : memref<!tpu.dma_semaphore, #tpu.memory_space<semaphore_mem>>)
      %dma_wait3A = arith.constant 0 : i32
      %dma_wait3A_58 = tpu.memref_slice %arg10[%mul3A_2, %dma_wait3A] : memref<10240x32xbf16, #tpu.memory_space<vmem_shared>> -> memref<640x32xbf16, #tpu.memory_space<vmem_shared>>
      tpu.wait_dma2 semaphore(%run_scoped3A : memref<!tpu.dma_semaphore, #tpu.memory_space<semaphore_mem>>) src(%arg5 : memref<640x32xbf16, #tpu.memory_space<hbm>>) dst(%dma_wait3A_58 : memref<640x32xbf16, #tpu.memory_space<vmem_shared>>)
      tpu.yield
    }) : () -> ()
    "tpu.region"() ({
      %run_scoped3A = tpu.sem_alloc : memref<!tpu.dma_semaphore, #tpu.memory_space<semaphore_mem>>
      %dma_start3A_56 = arith.constant 0 : i32
      %dma_start3A_57 = arith.constant 0 : i32
      %dma_start3A_58 = tpu.memref_slice %arg2[%add3A, %dma_start3A_56, %dma_start3A_57] : memref<32x80x128xi32, #tpu.memory_space<hbm>> -> memref<1x80x128xi32, #tpu.memory_space<hbm>>
      %dma_start3A_59 = tpu.memref_squeeze %dma_start3A_58 : memref<1x80x128xi32, #tpu.memory_space<hbm>> -> memref<80x128xi32, #tpu.memory_space<hbm>>
      %dma_start3A_60 = arith.constant 0 : i32
      %dma_start3A_61 = arith.constant 0 : i32
      %dma_start3A_62 = tpu.memref_slice %arg2[%add3A, %dma_start3A_60, %dma_start3A_61] : memref<32x80x128xi32, #tpu.memory_space<hbm>> -> memref<1x80x128xi32, #tpu.memory_space<hbm>>
      %dma_start3A_63 = tpu.memref_squeeze %dma_start3A_62 : memref<1x80x128xi32, #tpu.memory_space<hbm>> -> memref<80x128xi32, #tpu.memory_space<hbm>>
      tpu.enqueue_dma source(%dma_start3A_63 : memref<80x128xi32, #tpu.memory_space<hbm>>) target(%arg7 : memref<80x128xi32, #tpu.memory_space<vmem>>) target_semaphore(%run_scoped3A : memref<!tpu.dma_semaphore, #tpu.memory_space<semaphore_mem>>)
      %dma_wait3A = arith.constant 0 : i32
      %dma_wait3A_64 = arith.constant 0 : i32
      %dma_wait3A_65 = tpu.memref_slice %arg2[%add3A, %dma_wait3A, %dma_wait3A_64] : memref<32x80x128xi32, #tpu.memory_space<hbm>> -> memref<1x80x128xi32, #tpu.memory_space<hbm>>
      %dma_wait3A_66 = tpu.memref_squeeze %dma_wait3A_65 : memref<1x80x128xi32, #tpu.memory_space<hbm>> -> memref<80x128xi32, #tpu.memory_space<hbm>>
      %dma_wait3A_67 = arith.constant 0 : i32
      %dma_wait3A_68 = arith.constant 0 : i32
      %dma_wait3A_69 = tpu.memref_slice %arg2[%add3A, %dma_wait3A_67, %dma_wait3A_68] : memref<32x80x128xi32, #tpu.memory_space<hbm>> -> memref<1x80x128xi32, #tpu.memory_space<hbm>>
      %dma_wait3A_70 = tpu.memref_squeeze %dma_wait3A_69 : memref<1x80x128xi32, #tpu.memory_space<hbm>> -> memref<80x128xi32, #tpu.memory_space<hbm>>
      tpu.wait_dma2 semaphore(%run_scoped3A : memref<!tpu.dma_semaphore, #tpu.memory_space<semaphore_mem>>) src(%dma_wait3A_70 : memref<80x128xi32, #tpu.memory_space<hbm>>) dst(%arg7 : memref<80x128xi32, #tpu.memory_space<vmem>>)
      tpu.yield
    }) : () -> ()
    "tpu.region"() ({
      %run_scoped3A = tpu.sem_alloc : memref<!tpu.dma_semaphore, #tpu.memory_space<semaphore_mem>>
      %dma_start3A_56 = arith.constant 0 : i32
      %dma_start3A_57 = arith.constant 0 : i32
      %dma_start3A_58 = tpu.memref_slice %arg3[%add3A, %dma_start3A_56, %dma_start3A_57] : memref<32x80x128xi32, #tpu.memory_space<hbm>> -> memref<1x80x128xi32, #tpu.memory_space<hbm>>
      %dma_start3A_59 = tpu.memref_squeeze %dma_start3A_58 : memref<1x80x128xi32, #tpu.memory_space<hbm>> -> memref<80x128xi32, #tpu.memory_space<hbm>>
      %dma_start3A_60 = arith.constant 0 : i32
      %dma_start3A_61 = arith.constant 0 : i32
      %dma_start3A_62 = tpu.memref_slice %arg3[%add3A, %dma_start3A_60, %dma_start3A_61] : memref<32x80x128xi32, #tpu.memory_space<hbm>> -> memref<1x80x128xi32, #tpu.memory_space<hbm>>
      %dma_start3A_63 = tpu.memref_squeeze %dma_start3A_62 : memref<1x80x128xi32, #tpu.memory_space<hbm>> -> memref<80x128xi32, #tpu.memory_space<hbm>>
      tpu.enqueue_dma source(%dma_start3A_63 : memref<80x128xi32, #tpu.memory_space<hbm>>) target(%arg8 : memref<80x128xi32, #tpu.memory_space<vmem>>) target_semaphore(%run_scoped3A : memref<!tpu.dma_semaphore, #tpu.memory_space<semaphore_mem>>)
      %dma_wait3A = arith.constant 0 : i32
      %dma_wait3A_64 = arith.constant 0 : i32
      %dma_wait3A_65 = tpu.memref_slice %arg3[%add3A, %dma_wait3A, %dma_wait3A_64] : memref<32x80x128xi32, #tpu.memory_space<hbm>> -> memref<1x80x128xi32, #tpu.memory_space<hbm>>
      %dma_wait3A_66 = tpu.memref_squeeze %dma_wait3A_65 : memref<1x80x128xi32, #tpu.memory_space<hbm>> -> memref<80x128xi32, #tpu.memory_space<hbm>>
      %dma_wait3A_67 = arith.constant 0 : i32
      %dma_wait3A_68 = arith.constant 0 : i32
      %dma_wait3A_69 = tpu.memref_slice %arg3[%add3A, %dma_wait3A_67, %dma_wait3A_68] : memref<32x80x128xi32, #tpu.memory_space<hbm>> -> memref<1x80x128xi32, #tpu.memory_space<hbm>>
      %dma_wait3A_70 = tpu.memref_squeeze %dma_wait3A_69 : memref<1x80x128xi32, #tpu.memory_space<hbm>> -> memref<80x128xi32, #tpu.memory_space<hbm>>
      tpu.wait_dma2 semaphore(%run_scoped3A : memref<!tpu.dma_semaphore, #tpu.memory_space<semaphore_mem>>) src(%dma_wait3A_70 : memref<80x128xi32, #tpu.memory_space<hbm>>) dst(%arg8 : memref<80x128xi32, #tpu.memory_space<vmem>>)
      tpu.yield
    }) : () -> ()
    %barrier3A = arith.constant 0 : index
    tpu.barrier barrier_id(%barrier3A)
    %dma_start3A = arith.constant 0 : i32
    %dma_start3A_3 = arith.constant 0 : i32
    %dma_start3A_4 = arith.constant 0 : i32
    %dma_start3A_5 = arith.constant 0 : i32
    %dma_start3A_6 = tpu.memref_slice %arg9[%dma_start3A_3, %dma_start3A_4, %dma_start3A_5] : memref<4x128x32xbf16, #tpu.memory_space<vmem>> -> memref<1x128x32xbf16, #tpu.memory_space<vmem>>
    %dma_start3A_7 = tpu.memref_squeeze %dma_start3A_6 : memref<1x128x32xbf16, #tpu.memory_space<vmem>> -> memref<128x32xbf16, #tpu.memory_space<vmem>>
    %dma_start3A_8 = arith.constant 0 : i32
    %dma_start3A_9 = tpu.memref_slice %arg7[%dma_start3A, %dma_start3A_8] : memref<80x128xi32, #tpu.memory_space<vmem>> -> memref<1x128xi32, #tpu.memory_space<vmem>>
    %dma_start3A_10 = tpu.memref_squeeze %dma_start3A_9 : memref<1x128xi32, #tpu.memory_space<vmem>> -> memref<128xi32, #tpu.memory_space<vmem>>
    %dma_start3A_11 = arith.constant 0 : i32
    %dma_start3A_12 = arith.constant 0 : i32
    %dma_start3A_13 = tpu.memref_slice %arg4[%dma_start3A_11, %dma_start3A_12] : memref<10240x32xbf16, #tpu.memory_space<hbm>> -> memref<10240x32xbf16, #tpu.memory_space<hbm>>
    tpu.enqueue_indirect_dma source(%dma_start3A_13 : memref<10240x32xbf16, #tpu.memory_space<hbm>>) target(%dma_start3A_7 : memref<128x32xbf16, #tpu.memory_space<vmem>>) offsets(%dma_start3A_10 : memref<128xi32, #tpu.memory_space<vmem>>) semaphore(%arg11 : memref<!tpu.dma_semaphore, #tpu.memory_space<semaphore_mem>>)
    %dma_start3A_14 = arith.constant 1 : i32
    %dma_start3A_15 = arith.constant 1 : i32
    %dma_start3A_16 = arith.constant 0 : i32
    %dma_start3A_17 = arith.constant 0 : i32
    %dma_start3A_18 = tpu.memref_slice %arg9[%dma_start3A_15, %dma_start3A_16, %dma_start3A_17] : memref<4x128x32xbf16, #tpu.memory_space<vmem>> -> memref<1x128x32xbf16, #tpu.memory_space<vmem>>
    %dma_start3A_19 = tpu.memref_squeeze %dma_start3A_18 : memref<1x128x32xbf16, #tpu.memory_space<vmem>> -> memref<128x32xbf16, #tpu.memory_space<vmem>>
    %dma_start3A_20 = arith.constant 0 : i32
    %dma_start3A_21 = tpu.memref_slice %arg7[%dma_start3A_14, %dma_start3A_20] : memref<80x128xi32, #tpu.memory_space<vmem>> -> memref<1x128xi32, #tpu.memory_space<vmem>>
    %dma_start3A_22 = tpu.memref_squeeze %dma_start3A_21 : memref<1x128xi32, #tpu.memory_space<vmem>> -> memref<128xi32, #tpu.memory_space<vmem>>
    %dma_start3A_23 = arith.constant 0 : i32
    %dma_start3A_24 = arith.constant 0 : i32
    %dma_start3A_25 = tpu.memref_slice %arg4[%dma_start3A_23, %dma_start3A_24] : memref<10240x32xbf16, #tpu.memory_space<hbm>> -> memref<10240x32xbf16, #tpu.memory_space<hbm>>
    tpu.enqueue_indirect_dma source(%dma_start3A_25 : memref<10240x32xbf16, #tpu.memory_space<hbm>>) target(%dma_start3A_19 : memref<128x32xbf16, #tpu.memory_space<vmem>>) offsets(%dma_start3A_22 : memref<128xi32, #tpu.memory_space<vmem>>) semaphore(%arg12 : memref<!tpu.dma_semaphore, #tpu.memory_space<semaphore_mem>>)
    %dma_start3A_26 = arith.constant 2 : i32
    %dma_start3A_27 = arith.constant 2 : i32
    %dma_start3A_28 = arith.constant 0 : i32
    %dma_start3A_29 = arith.constant 0 : i32
    %dma_start3A_30 = tpu.memref_slice %arg9[%dma_start3A_27, %dma_start3A_28, %dma_start3A_29] : memref<4x128x32xbf16, #tpu.memory_space<vmem>> -> memref<1x128x32xbf16, #tpu.memory_space<vmem>>
    %dma_start3A_31 = tpu.memref_squeeze %dma_start3A_30 : memref<1x128x32xbf16, #tpu.memory_space<vmem>> -> memref<128x32xbf16, #tpu.memory_space<vmem>>
    %dma_start3A_32 = arith.constant 0 : i32
    %dma_start3A_33 = tpu.memref_slice %arg7[%dma_start3A_26, %dma_start3A_32] : memref<80x128xi32, #tpu.memory_space<vmem>> -> memref<1x128xi32, #tpu.memory_space<vmem>>
    %dma_start3A_34 = tpu.memref_squeeze %dma_start3A_33 : memref<1x128xi32, #tpu.memory_space<vmem>> -> memref<128xi32, #tpu.memory_space<vmem>>
    %dma_start3A_35 = arith.constant 0 : i32
    %dma_start3A_36 = arith.constant 0 : i32
    %dma_start3A_37 = tpu.memref_slice %arg4[%dma_start3A_35, %dma_start3A_36] : memref<10240x32xbf16, #tpu.memory_space<hbm>> -> memref<10240x32xbf16, #tpu.memory_space<hbm>>
    tpu.enqueue_indirect_dma source(%dma_start3A_37 : memref<10240x32xbf16, #tpu.memory_space<hbm>>) target(%dma_start3A_31 : memref<128x32xbf16, #tpu.memory_space<vmem>>) offsets(%dma_start3A_34 : memref<128xi32, #tpu.memory_space<vmem>>) semaphore(%arg13 : memref<!tpu.dma_semaphore, #tpu.memory_space<semaphore_mem>>)
    %dma_start3A_38 = arith.constant 3 : i32
    %dma_start3A_39 = arith.constant 3 : i32
    %dma_start3A_40 = arith.constant 0 : i32
    %dma_start3A_41 = arith.constant 0 : i32
    %dma_start3A_42 = tpu.memref_slice %arg9[%dma_start3A_39, %dma_start3A_40, %dma_start3A_41] : memref<4x128x32xbf16, #tpu.memory_space<vmem>> -> memref<1x128x32xbf16, #tpu.memory_space<vmem>>
    %dma_start3A_43 = tpu.memref_squeeze %dma_start3A_42 : memref<1x128x32xbf16, #tpu.memory_space<vmem>> -> memref<128x32xbf16, #tpu.memory_space<vmem>>
    %dma_start3A_44 = arith.constant 0 : i32
    %dma_start3A_45 = tpu.memref_slice %arg7[%dma_start3A_38, %dma_start3A_44] : memref<80x128xi32, #tpu.memory_space<vmem>> -> memref<1x128xi32, #tpu.memory_space<vmem>>
    %dma_start3A_46 = tpu.memref_squeeze %dma_start3A_45 : memref<1x128xi32, #tpu.memory_space<vmem>> -> memref<128xi32, #tpu.memory_space<vmem>>
    %dma_start3A_47 = arith.constant 0 : i32
    %dma_start3A_48 = arith.constant 0 : i32
    %dma_start3A_49 = tpu.memref_slice %arg4[%dma_start3A_47, %dma_start3A_48] : memref<10240x32xbf16, #tpu.memory_space<hbm>> -> memref<10240x32xbf16, #tpu.memory_space<hbm>>
    tpu.enqueue_indirect_dma source(%dma_start3A_49 : memref<10240x32xbf16, #tpu.memory_space<hbm>>) target(%dma_start3A_43 : memref<128x32xbf16, #tpu.memory_space<vmem>>) offsets(%dma_start3A_46 : memref<128xi32, #tpu.memory_space<vmem>>) semaphore(%arg14 : memref<!tpu.dma_semaphore, #tpu.memory_space<semaphore_mem>>)
    %scan3A = arith.constant 0 : i32
    %scan3A_50 = arith.constant 0 : i32
    %scan3A_51 = arith.constant 20 : i32
    %scan3A_52 = arith.addi %scan3A_50, %scan3A_51 : i32
    %scan3A_53 = arith.constant 1 : i32
    scf.for %scan3A_56 = %scan3A_50 to %scan3A_52 step %scan3A_53  : i32 {
      %mul3A_57 = arith.constant 4 : i32
      %mul3A_58 = arith.muli %scan3A_56, %mul3A_57 : i32
      %add3A_59 = arith.constant 0 : i32
      %add3A_60 = arith.addi %mul3A_58, %add3A_59 : i32
      %dma_wait3A = arith.constant 0 : i32
      %dma_wait3A_61 = arith.constant 0 : i32
      %dma_wait3A_62 = arith.constant 0 : i32
      %dma_wait3A_63 = tpu.memref_slice %arg9[%dma_wait3A, %dma_wait3A_61, %dma_wait3A_62] : memref<4x128x32xbf16, #tpu.memory_space<vmem>> -> memref<1x128x32xbf16, #tpu.memory_space<vmem>>
      %dma_wait3A_64 = tpu.memref_squeeze %dma_wait3A_63 : memref<1x128x32xbf16, #tpu.memory_space<vmem>> -> memref<128x32xbf16, #tpu.memory_space<vmem>>
      %dma_wait3A_65 = arith.constant 0 : i32
      %dma_wait3A_66 = tpu.memref_slice %arg7[%add3A_60, %dma_wait3A_65] : memref<80x128xi32, #tpu.memory_space<vmem>> -> memref<1x128xi32, #tpu.memory_space<vmem>>
      %dma_wait3A_67 = tpu.memref_squeeze %dma_wait3A_66 : memref<1x128xi32, #tpu.memory_space<vmem>> -> memref<128xi32, #tpu.memory_space<vmem>>
      %dma_wait3A_68 = arith.constant 0 : i32
      %dma_wait3A_69 = arith.constant 0 : i32
      %dma_wait3A_70 = tpu.memref_slice %arg4[%dma_wait3A_68, %dma_wait3A_69] : memref<10240x32xbf16, #tpu.memory_space<hbm>> -> memref<10240x32xbf16, #tpu.memory_space<hbm>>
      tpu.wait_indirect_dma semaphore(%arg11 : memref<!tpu.dma_semaphore, #tpu.memory_space<semaphore_mem>>) src(%dma_wait3A_70 : memref<10240x32xbf16, #tpu.memory_space<hbm>>) dst(%dma_wait3A_64 : memref<128x32xbf16, #tpu.memory_space<vmem>>)
      %add3A_71 = arith.constant 0 : i32
      %add3A_72 = arith.addi %mul3A_58, %add3A_71 : i32
      %dma_start3A_73 = arith.constant 0 : i32
      %dma_start3A_74 = arith.constant 0 : i32
      %dma_start3A_75 = arith.constant 0 : i32
      %dma_start3A_76 = tpu.memref_slice %arg9[%dma_start3A_73, %dma_start3A_74, %dma_start3A_75] : memref<4x128x32xbf16, #tpu.memory_space<vmem>> -> memref<1x128x32xbf16, #tpu.memory_space<vmem>>
      %dma_start3A_77 = tpu.memref_squeeze %dma_start3A_76 : memref<1x128x32xbf16, #tpu.memory_space<vmem>> -> memref<128x32xbf16, #tpu.memory_space<vmem>>
      %dma_start3A_78 = arith.constant 0 : i32
      %dma_start3A_79 = tpu.memref_slice %arg8[%add3A_72, %dma_start3A_78] : memref<80x128xi32, #tpu.memory_space<vmem>> -> memref<1x128xi32, #tpu.memory_space<vmem>>
      %dma_start3A_80 = tpu.memref_squeeze %dma_start3A_79 : memref<1x128xi32, #tpu.memory_space<vmem>> -> memref<128xi32, #tpu.memory_space<vmem>>
      %dma_start3A_81 = arith.constant 0 : i32
      %dma_start3A_82 = arith.constant 0 : i32
      %dma_start3A_83 = tpu.memref_slice %arg10[%dma_start3A_81, %dma_start3A_82] : memref<10240x32xbf16, #tpu.memory_space<vmem_shared>> -> memref<10240x32xbf16, #tpu.memory_space<vmem_shared>>
      tpu.enqueue_indirect_dma source(%dma_start3A_77 : memref<128x32xbf16, #tpu.memory_space<vmem>>) target(%dma_start3A_83 : memref<10240x32xbf16, #tpu.memory_space<vmem_shared>>) offsets(%dma_start3A_80 : memref<128xi32, #tpu.memory_space<vmem>>) semaphore(%arg15 : memref<!tpu.dma_semaphore, #tpu.memory_space<semaphore_mem>>) {add = true}
      %add3A_84 = arith.constant 1 : i32
      %add3A_85 = arith.addi %mul3A_58, %add3A_84 : i32
      %dma_wait3A_86 = arith.constant 1 : i32
      %dma_wait3A_87 = arith.constant 0 : i32
      %dma_wait3A_88 = arith.constant 0 : i32
      %dma_wait3A_89 = tpu.memref_slice %arg9[%dma_wait3A_86, %dma_wait3A_87, %dma_wait3A_88] : memref<4x128x32xbf16, #tpu.memory_space<vmem>> -> memref<1x128x32xbf16, #tpu.memory_space<vmem>>
      %dma_wait3A_90 = tpu.memref_squeeze %dma_wait3A_89 : memref<1x128x32xbf16, #tpu.memory_space<vmem>> -> memref<128x32xbf16, #tpu.memory_space<vmem>>
      %dma_wait3A_91 = arith.constant 0 : i32
      %dma_wait3A_92 = tpu.memref_slice %arg7[%add3A_85, %dma_wait3A_91] : memref<80x128xi32, #tpu.memory_space<vmem>> -> memref<1x128xi32, #tpu.memory_space<vmem>>
      %dma_wait3A_93 = tpu.memref_squeeze %dma_wait3A_92 : memref<1x128xi32, #tpu.memory_space<vmem>> -> memref<128xi32, #tpu.memory_space<vmem>>
      %dma_wait3A_94 = arith.constant 0 : i32
      %dma_wait3A_95 = arith.constant 0 : i32
      %dma_wait3A_96 = tpu.memref_slice %arg4[%dma_wait3A_94, %dma_wait3A_95] : memref<10240x32xbf16, #tpu.memory_space<hbm>> -> memref<10240x32xbf16, #tpu.memory_space<hbm>>
      tpu.wait_indirect_dma semaphore(%arg12 : memref<!tpu.dma_semaphore, #tpu.memory_space<semaphore_mem>>) src(%dma_wait3A_96 : memref<10240x32xbf16, #tpu.memory_space<hbm>>) dst(%dma_wait3A_90 : memref<128x32xbf16, #tpu.memory_space<vmem>>)
      %add3A_97 = arith.constant 1 : i32
      %add3A_98 = arith.addi %mul3A_58, %add3A_97 : i32
      %dma_start3A_99 = arith.constant 1 : i32
      %dma_start3A_100 = arith.constant 0 : i32
      %dma_start3A_101 = arith.constant 0 : i32
      %dma_start3A_102 = tpu.memref_slice %arg9[%dma_start3A_99, %dma_start3A_100, %dma_start3A_101] : memref<4x128x32xbf16, #tpu.memory_space<vmem>> -> memref<1x128x32xbf16, #tpu.memory_space<vmem>>
      %dma_start3A_103 = tpu.memref_squeeze %dma_start3A_102 : memref<1x128x32xbf16, #tpu.memory_space<vmem>> -> memref<128x32xbf16, #tpu.memory_space<vmem>>
      %dma_start3A_104 = arith.constant 0 : i32
      %dma_start3A_105 = tpu.memref_slice %arg8[%add3A_98, %dma_start3A_104] : memref<80x128xi32, #tpu.memory_space<vmem>> -> memref<1x128xi32, #tpu.memory_space<vmem>>
      %dma_start3A_106 = tpu.memref_squeeze %dma_start3A_105 : memref<1x128xi32, #tpu.memory_space<vmem>> -> memref<128xi32, #tpu.memory_space<vmem>>
      %dma_start3A_107 = arith.constant 0 : i32
      %dma_start3A_108 = arith.constant 0 : i32
      %dma_start3A_109 = tpu.memref_slice %arg10[%dma_start3A_107, %dma_start3A_108] : memref<10240x32xbf16, #tpu.memory_space<vmem_shared>> -> memref<10240x32xbf16, #tpu.memory_space<vmem_shared>>
      tpu.enqueue_indirect_dma source(%dma_start3A_103 : memref<128x32xbf16, #tpu.memory_space<vmem>>) target(%dma_start3A_109 : memref<10240x32xbf16, #tpu.memory_space<vmem_shared>>) offsets(%dma_start3A_106 : memref<128xi32, #tpu.memory_space<vmem>>) semaphore(%arg15 : memref<!tpu.dma_semaphore, #tpu.memory_space<semaphore_mem>>) {add = true}
      %add3A_110 = arith.constant 2 : i32
      %add3A_111 = arith.addi %mul3A_58, %add3A_110 : i32
      %dma_wait3A_112 = arith.constant 2 : i32
      %dma_wait3A_113 = arith.constant 0 : i32
      %dma_wait3A_114 = arith.constant 0 : i32
      %dma_wait3A_115 = tpu.memref_slice %arg9[%dma_wait3A_112, %dma_wait3A_113, %dma_wait3A_114] : memref<4x128x32xbf16, #tpu.memory_space<vmem>> -> memref<1x128x32xbf16, #tpu.memory_space<vmem>>
      %dma_wait3A_116 = tpu.memref_squeeze %dma_wait3A_115 : memref<1x128x32xbf16, #tpu.memory_space<vmem>> -> memref<128x32xbf16, #tpu.memory_space<vmem>>
      %dma_wait3A_117 = arith.constant 0 : i32
      %dma_wait3A_118 = tpu.memref_slice %arg7[%add3A_111, %dma_wait3A_117] : memref<80x128xi32, #tpu.memory_space<vmem>> -> memref<1x128xi32, #tpu.memory_space<vmem>>
      %dma_wait3A_119 = tpu.memref_squeeze %dma_wait3A_118 : memref<1x128xi32, #tpu.memory_space<vmem>> -> memref<128xi32, #tpu.memory_space<vmem>>
      %dma_wait3A_120 = arith.constant 0 : i32
      %dma_wait3A_121 = arith.constant 0 : i32
      %dma_wait3A_122 = tpu.memref_slice %arg4[%dma_wait3A_120, %dma_wait3A_121] : memref<10240x32xbf16, #tpu.memory_space<hbm>> -> memref<10240x32xbf16, #tpu.memory_space<hbm>>
      tpu.wait_indirect_dma semaphore(%arg13 : memref<!tpu.dma_semaphore, #tpu.memory_space<semaphore_mem>>) src(%dma_wait3A_122 : memref<10240x32xbf16, #tpu.memory_space<hbm>>) dst(%dma_wait3A_116 : memref<128x32xbf16, #tpu.memory_space<vmem>>)
      %add3A_123 = arith.constant 2 : i32
      %add3A_124 = arith.addi %mul3A_58, %add3A_123 : i32
      %dma_start3A_125 = arith.constant 2 : i32
      %dma_start3A_126 = arith.constant 0 : i32
      %dma_start3A_127 = arith.constant 0 : i32
      %dma_start3A_128 = tpu.memref_slice %arg9[%dma_start3A_125, %dma_start3A_126, %dma_start3A_127] : memref<4x128x32xbf16, #tpu.memory_space<vmem>> -> memref<1x128x32xbf16, #tpu.memory_space<vmem>>
      %dma_start3A_129 = tpu.memref_squeeze %dma_start3A_128 : memref<1x128x32xbf16, #tpu.memory_space<vmem>> -> memref<128x32xbf16, #tpu.memory_space<vmem>>
      %dma_start3A_130 = arith.constant 0 : i32
      %dma_start3A_131 = tpu.memref_slice %arg8[%add3A_124, %dma_start3A_130] : memref<80x128xi32, #tpu.memory_space<vmem>> -> memref<1x128xi32, #tpu.memory_space<vmem>>
      %dma_start3A_132 = tpu.memref_squeeze %dma_start3A_131 : memref<1x128xi32, #tpu.memory_space<vmem>> -> memref<128xi32, #tpu.memory_space<vmem>>
      %dma_start3A_133 = arith.constant 0 : i32
      %dma_start3A_134 = arith.constant 0 : i32
      %dma_start3A_135 = tpu.memref_slice %arg10[%dma_start3A_133, %dma_start3A_134] : memref<10240x32xbf16, #tpu.memory_space<vmem_shared>> -> memref<10240x32xbf16, #tpu.memory_space<vmem_shared>>
      tpu.enqueue_indirect_dma source(%dma_start3A_129 : memref<128x32xbf16, #tpu.memory_space<vmem>>) target(%dma_start3A_135 : memref<10240x32xbf16, #tpu.memory_space<vmem_shared>>) offsets(%dma_start3A_132 : memref<128xi32, #tpu.memory_space<vmem>>) semaphore(%arg15 : memref<!tpu.dma_semaphore, #tpu.memory_space<semaphore_mem>>) {add = true}
      %add3A_136 = arith.constant 3 : i32
      %add3A_137 = arith.addi %mul3A_58, %add3A_136 : i32
      %dma_wait3A_138 = arith.constant 3 : i32
      %dma_wait3A_139 = arith.constant 0 : i32
      %dma_wait3A_140 = arith.constant 0 : i32
      %dma_wait3A_141 = tpu.memref_slice %arg9[%dma_wait3A_138, %dma_wait3A_139, %dma_wait3A_140] : memref<4x128x32xbf16, #tpu.memory_space<vmem>> -> memref<1x128x32xbf16, #tpu.memory_space<vmem>>
      %dma_wait3A_142 = tpu.memref_squeeze %dma_wait3A_141 : memref<1x128x32xbf16, #tpu.memory_space<vmem>> -> memref<128x32xbf16, #tpu.memory_space<vmem>>
      %dma_wait3A_143 = arith.constant 0 : i32
      %dma_wait3A_144 = tpu.memref_slice %arg7[%add3A_137, %dma_wait3A_143] : memref<80x128xi32, #tpu.memory_space<vmem>> -> memref<1x128xi32, #tpu.memory_space<vmem>>
      %dma_wait3A_145 = tpu.memref_squeeze %dma_wait3A_144 : memref<1x128xi32, #tpu.memory_space<vmem>> -> memref<128xi32, #tpu.memory_space<vmem>>
      %dma_wait3A_146 = arith.constant 0 : i32
      %dma_wait3A_147 = arith.constant 0 : i32
      %dma_wait3A_148 = tpu.memref_slice %arg4[%dma_wait3A_146, %dma_wait3A_147] : memref<10240x32xbf16, #tpu.memory_space<hbm>> -> memref<10240x32xbf16, #tpu.memory_space<hbm>>
      tpu.wait_indirect_dma semaphore(%arg14 : memref<!tpu.dma_semaphore, #tpu.memory_space<semaphore_mem>>) src(%dma_wait3A_148 : memref<10240x32xbf16, #tpu.memory_space<hbm>>) dst(%dma_wait3A_142 : memref<128x32xbf16, #tpu.memory_space<vmem>>)
      %add3A_149 = arith.constant 3 : i32
      %add3A_150 = arith.addi %mul3A_58, %add3A_149 : i32
      %dma_start3A_151 = arith.constant 3 : i32
      %dma_start3A_152 = arith.constant 0 : i32
      %dma_start3A_153 = arith.constant 0 : i32
      %dma_start3A_154 = tpu.memref_slice %arg9[%dma_start3A_151, %dma_start3A_152, %dma_start3A_153] : memref<4x128x32xbf16, #tpu.memory_space<vmem>> -> memref<1x128x32xbf16, #tpu.memory_space<vmem>>
      %dma_start3A_155 = tpu.memref_squeeze %dma_start3A_154 : memref<1x128x32xbf16, #tpu.memory_space<vmem>> -> memref<128x32xbf16, #tpu.memory_space<vmem>>
      %dma_start3A_156 = arith.constant 0 : i32
      %dma_start3A_157 = tpu.memref_slice %arg8[%add3A_150, %dma_start3A_156] : memref<80x128xi32, #tpu.memory_space<vmem>> -> memref<1x128xi32, #tpu.memory_space<vmem>>
      %dma_start3A_158 = tpu.memref_squeeze %dma_start3A_157 : memref<1x128xi32, #tpu.memory_space<vmem>> -> memref<128xi32, #tpu.memory_space<vmem>>
      %dma_start3A_159 = arith.constant 0 : i32
      %dma_start3A_160 = arith.constant 0 : i32
      %dma_start3A_161 = tpu.memref_slice %arg10[%dma_start3A_159, %dma_start3A_160] : memref<10240x32xbf16, #tpu.memory_space<vmem_shared>> -> memref<10240x32xbf16, #tpu.memory_space<vmem_shared>>
      tpu.enqueue_indirect_dma source(%dma_start3A_155 : memref<128x32xbf16, #tpu.memory_space<vmem>>) target(%dma_start3A_161 : memref<10240x32xbf16, #tpu.memory_space<vmem_shared>>) offsets(%dma_start3A_158 : memref<128xi32, #tpu.memory_space<vmem>>) semaphore(%arg15 : memref<!tpu.dma_semaphore, #tpu.memory_space<semaphore_mem>>) {add = true}
      %dma_wait3A_162 = arith.constant 0 : i32
      %dma_wait3A_163 = arith.constant 0 : i32
      %dma_wait3A_164 = arith.constant 0 : i32
      %dma_wait3A_165 = arith.constant 0 : i32
      %dma_wait3A_166 = tpu.memref_slice %arg9[%dma_wait3A_162, %dma_wait3A_164, %dma_wait3A_165] : memref<4x128x32xbf16, #tpu.memory_space<vmem>> -> memref<1x128x32xbf16, #tpu.memory_space<vmem>>
      %dma_wait3A_167 = tpu.memref_squeeze %dma_wait3A_166 : memref<1x128x32xbf16, #tpu.memory_space<vmem>> -> memref<128x32xbf16, #tpu.memory_space<vmem>>
      %dma_wait3A_168 = arith.constant 0 : i32
      %dma_wait3A_169 = tpu.memref_slice %arg8[%dma_wait3A_163, %dma_wait3A_168] : memref<80x128xi32, #tpu.memory_space<vmem>> -> memref<1x128xi32, #tpu.memory_space<vmem>>
      %dma_wait3A_170 = tpu.memref_squeeze %dma_wait3A_169 : memref<1x128xi32, #tpu.memory_space<vmem>> -> memref<128xi32, #tpu.memory_space<vmem>>
      %dma_wait3A_171 = arith.constant 0 : i32
      %dma_wait3A_172 = arith.constant 0 : i32
      %dma_wait3A_173 = tpu.memref_slice %arg10[%dma_wait3A_171, %dma_wait3A_172] : memref<10240x32xbf16, #tpu.memory_space<vmem_shared>> -> memref<10240x32xbf16, #tpu.memory_space<vmem_shared>>
      tpu.wait_indirect_dma semaphore(%arg15 : memref<!tpu.dma_semaphore, #tpu.memory_space<semaphore_mem>>) src(%dma_wait3A_167 : memref<128x32xbf16, #tpu.memory_space<vmem>>) dst(%dma_wait3A_173 : memref<10240x32xbf16, #tpu.memory_space<vmem_shared>>)
      %add3A_174 = arith.constant 4 : i32
      %add3A_175 = arith.addi %mul3A_58, %add3A_174 : i32
      %add3A_176 = arith.constant 0 : i32
      %add3A_177 = arith.addi %add3A_175, %add3A_176 : i32
      %lt3A = arith.constant 80 : i32
      %lt3A_178 = arith.cmpi slt, %add3A_177, %lt3A : i32
      %convert_element_type3A = arith.extui %lt3A_178 : i1 to i32
      %cond3A = arith.constant 0 : i32
      %cond3A_179 = arith.cmpi ne, %convert_element_type3A, %cond3A : i32
      scf.if %cond3A_179 {
        %add3A_243 = arith.constant 4 : i32
        %add3A_244 = arith.addi %mul3A_58, %add3A_243 : i32
        %add3A_245 = arith.constant 0 : i32
        %add3A_246 = arith.addi %add3A_244, %add3A_245 : i32
        %dma_start3A_247 = arith.constant 0 : i32
        %dma_start3A_248 = arith.constant 0 : i32
        %dma_start3A_249 = arith.constant 0 : i32
        %dma_start3A_250 = tpu.memref_slice %arg9[%dma_start3A_247, %dma_start3A_248, %dma_start3A_249] : memref<4x128x32xbf16, #tpu.memory_space<vmem>> -> memref<1x128x32xbf16, #tpu.memory_space<vmem>>
        %dma_start3A_251 = tpu.memref_squeeze %dma_start3A_250 : memref<1x128x32xbf16, #tpu.memory_space<vmem>> -> memref<128x32xbf16, #tpu.memory_space<vmem>>
        %dma_start3A_252 = arith.constant 0 : i32
        %dma_start3A_253 = tpu.memref_slice %arg7[%add3A_246, %dma_start3A_252] : memref<80x128xi32, #tpu.memory_space<vmem>> -> memref<1x128xi32, #tpu.memory_space<vmem>>
        %dma_start3A_254 = tpu.memref_squeeze %dma_start3A_253 : memref<1x128xi32, #tpu.memory_space<vmem>> -> memref<128xi32, #tpu.memory_space<vmem>>
        %dma_start3A_255 = arith.constant 0 : i32
        %dma_start3A_256 = arith.constant 0 : i32
        %dma_start3A_257 = tpu.memref_slice %arg4[%dma_start3A_255, %dma_start3A_256] : memref<10240x32xbf16, #tpu.memory_space<hbm>> -> memref<10240x32xbf16, #tpu.memory_space<hbm>>
        tpu.enqueue_indirect_dma source(%dma_start3A_257 : memref<10240x32xbf16, #tpu.memory_space<hbm>>) target(%dma_start3A_251 : memref<128x32xbf16, #tpu.memory_space<vmem>>) offsets(%dma_start3A_254 : memref<128xi32, #tpu.memory_space<vmem>>) semaphore(%arg11 : memref<!tpu.dma_semaphore, #tpu.memory_space<semaphore_mem>>)
      } else {
      }
      %dma_wait3A_180 = arith.constant 1 : i32
      %dma_wait3A_181 = arith.constant 0 : i32
      %dma_wait3A_182 = arith.constant 0 : i32
      %dma_wait3A_183 = arith.constant 0 : i32
      %dma_wait3A_184 = tpu.memref_slice %arg9[%dma_wait3A_180, %dma_wait3A_182, %dma_wait3A_183] : memref<4x128x32xbf16, #tpu.memory_space<vmem>> -> memref<1x128x32xbf16, #tpu.memory_space<vmem>>
      %dma_wait3A_185 = tpu.memref_squeeze %dma_wait3A_184 : memref<1x128x32xbf16, #tpu.memory_space<vmem>> -> memref<128x32xbf16, #tpu.memory_space<vmem>>
      %dma_wait3A_186 = arith.constant 0 : i32
      %dma_wait3A_187 = tpu.memref_slice %arg8[%dma_wait3A_181, %dma_wait3A_186] : memref<80x128xi32, #tpu.memory_space<vmem>> -> memref<1x128xi32, #tpu.memory_space<vmem>>
      %dma_wait3A_188 = tpu.memref_squeeze %dma_wait3A_187 : memref<1x128xi32, #tpu.memory_space<vmem>> -> memref<128xi32, #tpu.memory_space<vmem>>
      %dma_wait3A_189 = arith.constant 0 : i32
      %dma_wait3A_190 = arith.constant 0 : i32
      %dma_wait3A_191 = tpu.memref_slice %arg10[%dma_wait3A_189, %dma_wait3A_190] : memref<10240x32xbf16, #tpu.memory_space<vmem_shared>> -> memref<10240x32xbf16, #tpu.memory_space<vmem_shared>>
      tpu.wait_indirect_dma semaphore(%arg15 : memref<!tpu.dma_semaphore, #tpu.memory_space<semaphore_mem>>) src(%dma_wait3A_185 : memref<128x32xbf16, #tpu.memory_space<vmem>>) dst(%dma_wait3A_191 : memref<10240x32xbf16, #tpu.memory_space<vmem_shared>>)
      %add3A_192 = arith.constant 4 : i32
      %add3A_193 = arith.addi %mul3A_58, %add3A_192 : i32
      %add3A_194 = arith.constant 1 : i32
      %add3A_195 = arith.addi %add3A_193, %add3A_194 : i32
      %lt3A_196 = arith.constant 80 : i32
      %lt3A_197 = arith.cmpi slt, %add3A_195, %lt3A_196 : i32
      %convert_element_type3A_198 = arith.extui %lt3A_197 : i1 to i32
      %cond3A_199 = arith.constant 0 : i32
      %cond3A_200 = arith.cmpi ne, %convert_element_type3A_198, %cond3A_199 : i32
      scf.if %cond3A_200 {
        %add3A_243 = arith.constant 4 : i32
        %add3A_244 = arith.addi %mul3A_58, %add3A_243 : i32
        %add3A_245 = arith.constant 1 : i32
        %add3A_246 = arith.addi %add3A_244, %add3A_245 : i32
        %dma_start3A_247 = arith.constant 1 : i32
        %dma_start3A_248 = arith.constant 0 : i32
        %dma_start3A_249 = arith.constant 0 : i32
        %dma_start3A_250 = tpu.memref_slice %arg9[%dma_start3A_247, %dma_start3A_248, %dma_start3A_249] : memref<4x128x32xbf16, #tpu.memory_space<vmem>> -> memref<1x128x32xbf16, #tpu.memory_space<vmem>>
        %dma_start3A_251 = tpu.memref_squeeze %dma_start3A_250 : memref<1x128x32xbf16, #tpu.memory_space<vmem>> -> memref<128x32xbf16, #tpu.memory_space<vmem>>
        %dma_start3A_252 = arith.constant 0 : i32
        %dma_start3A_253 = tpu.memref_slice %arg7[%add3A_246, %dma_start3A_252] : memref<80x128xi32, #tpu.memory_space<vmem>> -> memref<1x128xi32, #tpu.memory_space<vmem>>
        %dma_start3A_254 = tpu.memref_squeeze %dma_start3A_253 : memref<1x128xi32, #tpu.memory_space<vmem>> -> memref<128xi32, #tpu.memory_space<vmem>>
        %dma_start3A_255 = arith.constant 0 : i32
        %dma_start3A_256 = arith.constant 0 : i32
        %dma_start3A_257 = tpu.memref_slice %arg4[%dma_start3A_255, %dma_start3A_256] : memref<10240x32xbf16, #tpu.memory_space<hbm>> -> memref<10240x32xbf16, #tpu.memory_space<hbm>>
        tpu.enqueue_indirect_dma source(%dma_start3A_257 : memref<10240x32xbf16, #tpu.memory_space<hbm>>) target(%dma_start3A_251 : memref<128x32xbf16, #tpu.memory_space<vmem>>) offsets(%dma_start3A_254 : memref<128xi32, #tpu.memory_space<vmem>>) semaphore(%arg12 : memref<!tpu.dma_semaphore, #tpu.memory_space<semaphore_mem>>)
      } else {
      }
      %dma_wait3A_201 = arith.constant 2 : i32
      %dma_wait3A_202 = arith.constant 0 : i32
      %dma_wait3A_203 = arith.constant 0 : i32
      %dma_wait3A_204 = arith.constant 0 : i32
      %dma_wait3A_205 = tpu.memref_slice %arg9[%dma_wait3A_201, %dma_wait3A_203, %dma_wait3A_204] : memref<4x128x32xbf16, #tpu.memory_space<vmem>> -> memref<1x128x32xbf16, #tpu.memory_space<vmem>>
      %dma_wait3A_206 = tpu.memref_squeeze %dma_wait3A_205 : memref<1x128x32xbf16, #tpu.memory_space<vmem>> -> memref<128x32xbf16, #tpu.memory_space<vmem>>
      %dma_wait3A_207 = arith.constant 0 : i32
      %dma_wait3A_208 = tpu.memref_slice %arg8[%dma_wait3A_202, %dma_wait3A_207] : memref<80x128xi32, #tpu.memory_space<vmem>> -> memref<1x128xi32, #tpu.memory_space<vmem>>
      %dma_wait3A_209 = tpu.memref_squeeze %dma_wait3A_208 : memref<1x128xi32, #tpu.memory_space<vmem>> -> memref<128xi32, #tpu.memory_space<vmem>>
      %dma_wait3A_210 = arith.constant 0 : i32
      %dma_wait3A_211 = arith.constant 0 : i32
      %dma_wait3A_212 = tpu.memref_slice %arg10[%dma_wait3A_210, %dma_wait3A_211] : memref<10240x32xbf16, #tpu.memory_space<vmem_shared>> -> memref<10240x32xbf16, #tpu.memory_space<vmem_shared>>
      tpu.wait_indirect_dma semaphore(%arg15 : memref<!tpu.dma_semaphore, #tpu.memory_space<semaphore_mem>>) src(%dma_wait3A_206 : memref<128x32xbf16, #tpu.memory_space<vmem>>) dst(%dma_wait3A_212 : memref<10240x32xbf16, #tpu.memory_space<vmem_shared>>)
      %add3A_213 = arith.constant 4 : i32
      %add3A_214 = arith.addi %mul3A_58, %add3A_213 : i32
      %add3A_215 = arith.constant 2 : i32
      %add3A_216 = arith.addi %add3A_214, %add3A_215 : i32
      %lt3A_217 = arith.constant 80 : i32
      %lt3A_218 = arith.cmpi slt, %add3A_216, %lt3A_217 : i32
      %convert_element_type3A_219 = arith.extui %lt3A_218 : i1 to i32
      %cond3A_220 = arith.constant 0 : i32
      %cond3A_221 = arith.cmpi ne, %convert_element_type3A_219, %cond3A_220 : i32
      scf.if %cond3A_221 {
        %add3A_243 = arith.constant 4 : i32
        %add3A_244 = arith.addi %mul3A_58, %add3A_243 : i32
        %add3A_245 = arith.constant 2 : i32
        %add3A_246 = arith.addi %add3A_244, %add3A_245 : i32
        %dma_start3A_247 = arith.constant 2 : i32
        %dma_start3A_248 = arith.constant 0 : i32
        %dma_start3A_249 = arith.constant 0 : i32
        %dma_start3A_250 = tpu.memref_slice %arg9[%dma_start3A_247, %dma_start3A_248, %dma_start3A_249] : memref<4x128x32xbf16, #tpu.memory_space<vmem>> -> memref<1x128x32xbf16, #tpu.memory_space<vmem>>
        %dma_start3A_251 = tpu.memref_squeeze %dma_start3A_250 : memref<1x128x32xbf16, #tpu.memory_space<vmem>> -> memref<128x32xbf16, #tpu.memory_space<vmem>>
        %dma_start3A_252 = arith.constant 0 : i32
        %dma_start3A_253 = tpu.memref_slice %arg7[%add3A_246, %dma_start3A_252] : memref<80x128xi32, #tpu.memory_space<vmem>> -> memref<1x128xi32, #tpu.memory_space<vmem>>
        %dma_start3A_254 = tpu.memref_squeeze %dma_start3A_253 : memref<1x128xi32, #tpu.memory_space<vmem>> -> memref<128xi32, #tpu.memory_space<vmem>>
        %dma_start3A_255 = arith.constant 0 : i32
        %dma_start3A_256 = arith.constant 0 : i32
        %dma_start3A_257 = tpu.memref_slice %arg4[%dma_start3A_255, %dma_start3A_256] : memref<10240x32xbf16, #tpu.memory_space<hbm>> -> memref<10240x32xbf16, #tpu.memory_space<hbm>>
        tpu.enqueue_indirect_dma source(%dma_start3A_257 : memref<10240x32xbf16, #tpu.memory_space<hbm>>) target(%dma_start3A_251 : memref<128x32xbf16, #tpu.memory_space<vmem>>) offsets(%dma_start3A_254 : memref<128xi32, #tpu.memory_space<vmem>>) semaphore(%arg13 : memref<!tpu.dma_semaphore, #tpu.memory_space<semaphore_mem>>)
      } else {
      }
      %dma_wait3A_222 = arith.constant 3 : i32
      %dma_wait3A_223 = arith.constant 0 : i32
      %dma_wait3A_224 = arith.constant 0 : i32
      %dma_wait3A_225 = arith.constant 0 : i32
      %dma_wait3A_226 = tpu.memref_slice %arg9[%dma_wait3A_222, %dma_wait3A_224, %dma_wait3A_225] : memref<4x128x32xbf16, #tpu.memory_space<vmem>> -> memref<1x128x32xbf16, #tpu.memory_space<vmem>>
      %dma_wait3A_227 = tpu.memref_squeeze %dma_wait3A_226 : memref<1x128x32xbf16, #tpu.memory_space<vmem>> -> memref<128x32xbf16, #tpu.memory_space<vmem>>
      %dma_wait3A_228 = arith.constant 0 : i32
      %dma_wait3A_229 = tpu.memref_slice %arg8[%dma_wait3A_223, %dma_wait3A_228] : memref<80x128xi32, #tpu.memory_space<vmem>> -> memref<1x128xi32, #tpu.memory_space<vmem>>
      %dma_wait3A_230 = tpu.memref_squeeze %dma_wait3A_229 : memref<1x128xi32, #tpu.memory_space<vmem>> -> memref<128xi32, #tpu.memory_space<vmem>>
      %dma_wait3A_231 = arith.constant 0 : i32
      %dma_wait3A_232 = arith.constant 0 : i32
      %dma_wait3A_233 = tpu.memref_slice %arg10[%dma_wait3A_231, %dma_wait3A_232] : memref<10240x32xbf16, #tpu.memory_space<vmem_shared>> -> memref<10240x32xbf16, #tpu.memory_space<vmem_shared>>
      tpu.wait_indirect_dma semaphore(%arg15 : memref<!tpu.dma_semaphore, #tpu.memory_space<semaphore_mem>>) src(%dma_wait3A_227 : memref<128x32xbf16, #tpu.memory_space<vmem>>) dst(%dma_wait3A_233 : memref<10240x32xbf16, #tpu.memory_space<vmem_shared>>)
      %add3A_234 = arith.constant 4 : i32
      %add3A_235 = arith.addi %mul3A_58, %add3A_234 : i32
      %add3A_236 = arith.constant 3 : i32
      %add3A_237 = arith.addi %add3A_235, %add3A_236 : i32
      %lt3A_238 = arith.constant 80 : i32
      %lt3A_239 = arith.cmpi slt, %add3A_237, %lt3A_238 : i32
      %convert_element_type3A_240 = arith.extui %lt3A_239 : i1 to i32
      %cond3A_241 = arith.constant 0 : i32
      %cond3A_242 = arith.cmpi ne, %convert_element_type3A_240, %cond3A_241 : i32
      scf.if %cond3A_242 {
        %add3A_243 = arith.constant 4 : i32
        %add3A_244 = arith.addi %mul3A_58, %add3A_243 : i32
        %add3A_245 = arith.constant 3 : i32
        %add3A_246 = arith.addi %add3A_244, %add3A_245 : i32
        %dma_start3A_247 = arith.constant 3 : i32
        %dma_start3A_248 = arith.constant 0 : i32
        %dma_start3A_249 = arith.constant 0 : i32
        %dma_start3A_250 = tpu.memref_slice %arg9[%dma_start3A_247, %dma_start3A_248, %dma_start3A_249] : memref<4x128x32xbf16, #tpu.memory_space<vmem>> -> memref<1x128x32xbf16, #tpu.memory_space<vmem>>
        %dma_start3A_251 = tpu.memref_squeeze %dma_start3A_250 : memref<1x128x32xbf16, #tpu.memory_space<vmem>> -> memref<128x32xbf16, #tpu.memory_space<vmem>>
        %dma_start3A_252 = arith.constant 0 : i32
        %dma_start3A_253 = tpu.memref_slice %arg7[%add3A_246, %dma_start3A_252] : memref<80x128xi32, #tpu.memory_space<vmem>> -> memref<1x128xi32, #tpu.memory_space<vmem>>
        %dma_start3A_254 = tpu.memref_squeeze %dma_start3A_253 : memref<1x128xi32, #tpu.memory_space<vmem>> -> memref<128xi32, #tpu.memory_space<vmem>>
        %dma_start3A_255 = arith.constant 0 : i32
        %dma_start3A_256 = arith.constant 0 : i32
        %dma_start3A_257 = tpu.memref_slice %arg4[%dma_start3A_255, %dma_start3A_256] : memref<10240x32xbf16, #tpu.memory_space<hbm>> -> memref<10240x32xbf16, #tpu.memory_space<hbm>>
        tpu.enqueue_indirect_dma source(%dma_start3A_257 : memref<10240x32xbf16, #tpu.memory_space<hbm>>) target(%dma_start3A_251 : memref<128x32xbf16, #tpu.memory_space<vmem>>) offsets(%dma_start3A_254 : memref<128xi32, #tpu.memory_space<vmem>>) semaphore(%arg14 : memref<!tpu.dma_semaphore, #tpu.memory_space<semaphore_mem>>)
      } else {
      }
    }
    %scan3A_54 = arith.constant 20 : i32
    %barrier3A_55 = arith.constant 0 : index
    tpu.barrier barrier_id(%barrier3A_55)
    "tpu.region"() ({
      %run_scoped3A = tpu.sem_alloc : memref<!tpu.dma_semaphore, #tpu.memory_space<semaphore_mem>>
      %dma_start3A_56 = arith.constant 0 : i32
      %dma_start3A_57 = tpu.memref_slice %arg6[%arg0, %mul3A_2, %dma_start3A_56] : memref<2x10240x32xbf16, #tpu.memory_space<hbm>> -> memref<1x640x32xbf16, #tpu.memory_space<hbm>>
      %dma_start3A_58 = tpu.memref_squeeze %dma_start3A_57 : memref<1x640x32xbf16, #tpu.memory_space<hbm>> -> memref<640x32xbf16, #tpu.memory_space<hbm>>
      %dma_start3A_59 = arith.constant 0 : i32
      %dma_start3A_60 = tpu.memref_slice %arg10[%mul3A_2, %dma_start3A_59] : memref<10240x32xbf16, #tpu.memory_space<vmem_shared>> -> memref<640x32xbf16, #tpu.memory_space<vmem_shared>>
      tpu.enqueue_dma source(%dma_start3A_60 : memref<640x32xbf16, #tpu.memory_space<vmem_shared>>) target(%dma_start3A_58 : memref<640x32xbf16, #tpu.memory_space<hbm>>) target_semaphore(%run_scoped3A : memref<!tpu.dma_semaphore, #tpu.memory_space<semaphore_mem>>)
      %dma_wait3A = arith.constant 0 : i32
      %dma_wait3A_61 = tpu.memref_slice %arg6[%arg0, %mul3A_2, %dma_wait3A] : memref<2x10240x32xbf16, #tpu.memory_space<hbm>> -> memref<1x640x32xbf16, #tpu.memory_space<hbm>>
      %dma_wait3A_62 = tpu.memref_squeeze %dma_wait3A_61 : memref<1x640x32xbf16, #tpu.memory_space<hbm>> -> memref<640x32xbf16, #tpu.memory_space<hbm>>
      %dma_wait3A_63 = arith.constant 0 : i32
      %dma_wait3A_64 = tpu.memref_slice %arg10[%mul3A_2, %dma_wait3A_63] : memref<10240x32xbf16, #tpu.memory_space<vmem_shared>> -> memref<640x32xbf16, #tpu.memory_space<vmem_shared>>
      tpu.wait_dma2 semaphore(%run_scoped3A : memref<!tpu.dma_semaphore, #tpu.memory_space<semaphore_mem>>) src(%dma_wait3A_64 : memref<640x32xbf16, #tpu.memory_space<vmem_shared>>) dst(%dma_wait3A_62 : memref<640x32xbf16, #tpu.memory_space<hbm>>)
      tpu.yield
    }) : () -> ()
    return
  }
}

#map = affine_map<(d0, d1) -> (0, 0, 0)>
#map1 = affine_map<(d0, d1) -> (0, 0)>
module attributes {stable_mosaic.version = 14 : i64} {
  func.func @_deg_kernel(%arg0: i32, %arg1: i32, %arg2: memref<32x80x128xi32, #tpu.memory_space<hbm>>, %arg3: memref<640x16xf32, #tpu.memory_space<hbm>>, %arg4: memref<128x16xf32, #tpu.memory_space<hbm>>, %arg5: memref<2x10240x16xf32, #tpu.memory_space<hbm>>, %arg6: memref<80x128xi32, #tpu.memory_space<vmem>>, %arg7: memref<128x16xf32, #tpu.memory_space<vmem>>, %arg8: memref<10240x16xf32, #tpu.memory_space<vmem_shared>>, %arg9: memref<!tpu.dma_semaphore, #tpu.memory_space<semaphore_mem>>) attributes {dimension_semantics = [#tpu.dimension_semantics<core_parallel>, #tpu.dimension_semantics<subcore_parallel>], iteration_bounds = array<i64: 2, 16>, scalar_prefetch = 0 : i64, scratch_operands = 4 : i64, tpu.core_type = #tpu.core_type<sc_vector_subcore>, window_params = [{transform_indices = #map}, {transform_indices = #map1}, {transform_indices = #map1}, {transform_indices = #map}]} {
    %mul3A = arith.constant 16 : i32
    %mul3A_0 = arith.muli %arg0, %mul3A : i32
    %add3A = arith.addi %mul3A_0, %arg1 : i32
    %mul3A_1 = arith.constant 640 : i32
    %mul3A_2 = arith.muli %arg1, %mul3A_1 : i32
    "tpu.region"() ({
      %run_scoped3A = tpu.sem_alloc : memref<!tpu.dma_semaphore, #tpu.memory_space<semaphore_mem>>
      %dma_start3A = arith.constant 0 : i32
      %dma_start3A_15 = tpu.memref_slice %arg8[%mul3A_2, %dma_start3A] : memref<10240x16xf32, #tpu.memory_space<vmem_shared>> -> memref<640x16xf32, #tpu.memory_space<vmem_shared>>
      tpu.enqueue_dma source(%arg3 : memref<640x16xf32, #tpu.memory_space<hbm>>) target(%dma_start3A_15 : memref<640x16xf32, #tpu.memory_space<vmem_shared>>) target_semaphore(%run_scoped3A : memref<!tpu.dma_semaphore, #tpu.memory_space<semaphore_mem>>)
      %dma_wait3A = arith.constant 0 : i32
      %dma_wait3A_16 = tpu.memref_slice %arg8[%mul3A_2, %dma_wait3A] : memref<10240x16xf32, #tpu.memory_space<vmem_shared>> -> memref<640x16xf32, #tpu.memory_space<vmem_shared>>
      tpu.wait_dma2 semaphore(%run_scoped3A : memref<!tpu.dma_semaphore, #tpu.memory_space<semaphore_mem>>) src(%arg3 : memref<640x16xf32, #tpu.memory_space<hbm>>) dst(%dma_wait3A_16 : memref<640x16xf32, #tpu.memory_space<vmem_shared>>)
      tpu.yield
    }) : () -> ()
    "tpu.region"() ({
      %run_scoped3A = tpu.sem_alloc : memref<!tpu.dma_semaphore, #tpu.memory_space<semaphore_mem>>
      %dma_start3A = arith.constant 0 : i32
      %dma_start3A_15 = arith.constant 0 : i32
      %dma_start3A_16 = tpu.memref_slice %arg2[%add3A, %dma_start3A, %dma_start3A_15] : memref<32x80x128xi32, #tpu.memory_space<hbm>> -> memref<1x80x128xi32, #tpu.memory_space<hbm>>
      %dma_start3A_17 = tpu.memref_squeeze %dma_start3A_16 : memref<1x80x128xi32, #tpu.memory_space<hbm>> -> memref<80x128xi32, #tpu.memory_space<hbm>>
      %dma_start3A_18 = arith.constant 0 : i32
      %dma_start3A_19 = arith.constant 0 : i32
      %dma_start3A_20 = tpu.memref_slice %arg2[%add3A, %dma_start3A_18, %dma_start3A_19] : memref<32x80x128xi32, #tpu.memory_space<hbm>> -> memref<1x80x128xi32, #tpu.memory_space<hbm>>
      %dma_start3A_21 = tpu.memref_squeeze %dma_start3A_20 : memref<1x80x128xi32, #tpu.memory_space<hbm>> -> memref<80x128xi32, #tpu.memory_space<hbm>>
      tpu.enqueue_dma source(%dma_start3A_21 : memref<80x128xi32, #tpu.memory_space<hbm>>) target(%arg6 : memref<80x128xi32, #tpu.memory_space<vmem>>) target_semaphore(%run_scoped3A : memref<!tpu.dma_semaphore, #tpu.memory_space<semaphore_mem>>)
      %dma_wait3A = arith.constant 0 : i32
      %dma_wait3A_22 = arith.constant 0 : i32
      %dma_wait3A_23 = tpu.memref_slice %arg2[%add3A, %dma_wait3A, %dma_wait3A_22] : memref<32x80x128xi32, #tpu.memory_space<hbm>> -> memref<1x80x128xi32, #tpu.memory_space<hbm>>
      %dma_wait3A_24 = tpu.memref_squeeze %dma_wait3A_23 : memref<1x80x128xi32, #tpu.memory_space<hbm>> -> memref<80x128xi32, #tpu.memory_space<hbm>>
      %dma_wait3A_25 = arith.constant 0 : i32
      %dma_wait3A_26 = arith.constant 0 : i32
      %dma_wait3A_27 = tpu.memref_slice %arg2[%add3A, %dma_wait3A_25, %dma_wait3A_26] : memref<32x80x128xi32, #tpu.memory_space<hbm>> -> memref<1x80x128xi32, #tpu.memory_space<hbm>>
      %dma_wait3A_28 = tpu.memref_squeeze %dma_wait3A_27 : memref<1x80x128xi32, #tpu.memory_space<hbm>> -> memref<80x128xi32, #tpu.memory_space<hbm>>
      tpu.wait_dma2 semaphore(%run_scoped3A : memref<!tpu.dma_semaphore, #tpu.memory_space<semaphore_mem>>) src(%dma_wait3A_28 : memref<80x128xi32, #tpu.memory_space<hbm>>) dst(%arg6 : memref<80x128xi32, #tpu.memory_space<vmem>>)
      tpu.yield
    }) : () -> ()
    "tpu.region"() ({
      %run_scoped3A = tpu.sem_alloc : memref<!tpu.dma_semaphore, #tpu.memory_space<semaphore_mem>>
      tpu.enqueue_dma source(%arg4 : memref<128x16xf32, #tpu.memory_space<hbm>>) target(%arg7 : memref<128x16xf32, #tpu.memory_space<vmem>>) target_semaphore(%run_scoped3A : memref<!tpu.dma_semaphore, #tpu.memory_space<semaphore_mem>>)
      tpu.wait_dma2 semaphore(%run_scoped3A : memref<!tpu.dma_semaphore, #tpu.memory_space<semaphore_mem>>) src(%arg4 : memref<128x16xf32, #tpu.memory_space<hbm>>) dst(%arg7 : memref<128x16xf32, #tpu.memory_space<vmem>>)
      tpu.yield
    }) : () -> ()
    %barrier3A = arith.constant 0 : index
    tpu.barrier barrier_id(%barrier3A)
    %scan3A = arith.constant 0 : i32
    %scan3A_3 = arith.constant 0 : i32
    %scan3A_4 = arith.constant 80 : i32
    %scan3A_5 = arith.addi %scan3A_3, %scan3A_4 : i32
    %scan3A_6 = arith.constant 1 : i32
    scf.for %scan3A_15 = %scan3A_3 to %scan3A_5 step %scan3A_6  : i32 {
      %dma_start3A = arith.constant 0 : i32
      %dma_start3A_16 = tpu.memref_slice %arg6[%scan3A_15, %dma_start3A] : memref<80x128xi32, #tpu.memory_space<vmem>> -> memref<1x128xi32, #tpu.memory_space<vmem>>
      %dma_start3A_17 = tpu.memref_squeeze %dma_start3A_16 : memref<1x128xi32, #tpu.memory_space<vmem>> -> memref<128xi32, #tpu.memory_space<vmem>>
      %dma_start3A_18 = arith.constant 0 : i32
      %dma_start3A_19 = arith.constant 0 : i32
      %dma_start3A_20 = tpu.memref_slice %arg8[%dma_start3A_18, %dma_start3A_19] : memref<10240x16xf32, #tpu.memory_space<vmem_shared>> -> memref<10240x16xf32, #tpu.memory_space<vmem_shared>>
      tpu.enqueue_indirect_dma source(%arg7 : memref<128x16xf32, #tpu.memory_space<vmem>>) target(%dma_start3A_20 : memref<10240x16xf32, #tpu.memory_space<vmem_shared>>) offsets(%dma_start3A_17 : memref<128xi32, #tpu.memory_space<vmem>>) semaphore(%arg9 : memref<!tpu.dma_semaphore, #tpu.memory_space<semaphore_mem>>) {add = true}
      %ge3A = arith.constant 8 : i32
      %ge3A_21 = arith.cmpi sge, %scan3A_15, %ge3A : i32
      %convert_element_type3A = arith.extui %ge3A_21 : i1 to i32
      %cond3A = arith.constant 0 : i32
      %cond3A_22 = arith.cmpi ne, %convert_element_type3A, %cond3A : i32
      scf.if %cond3A_22 {
        %dma_wait3A = arith.constant 0 : i32
        %dma_wait3A_23 = arith.constant 0 : i32
        %dma_wait3A_24 = tpu.memref_slice %arg6[%dma_wait3A, %dma_wait3A_23] : memref<80x128xi32, #tpu.memory_space<vmem>> -> memref<1x128xi32, #tpu.memory_space<vmem>>
        %dma_wait3A_25 = tpu.memref_squeeze %dma_wait3A_24 : memref<1x128xi32, #tpu.memory_space<vmem>> -> memref<128xi32, #tpu.memory_space<vmem>>
        %dma_wait3A_26 = arith.constant 0 : i32
        %dma_wait3A_27 = arith.constant 0 : i32
        %dma_wait3A_28 = tpu.memref_slice %arg8[%dma_wait3A_26, %dma_wait3A_27] : memref<10240x16xf32, #tpu.memory_space<vmem_shared>> -> memref<10240x16xf32, #tpu.memory_space<vmem_shared>>
        tpu.wait_indirect_dma semaphore(%arg9 : memref<!tpu.dma_semaphore, #tpu.memory_space<semaphore_mem>>) src(%arg7 : memref<128x16xf32, #tpu.memory_space<vmem>>) dst(%dma_wait3A_28 : memref<10240x16xf32, #tpu.memory_space<vmem_shared>>)
      } else {
      }
    }
    %scan3A_7 = arith.constant 80 : i32
    %scan3A_8 = arith.constant 0 : i32
    %scan3A_9 = arith.constant 0 : i32
    %scan3A_10 = arith.constant 8 : i32
    %scan3A_11 = arith.addi %scan3A_9, %scan3A_10 : i32
    %scan3A_12 = arith.constant 1 : i32
    scf.for %scan3A_15 = %scan3A_9 to %scan3A_11 step %scan3A_12  : i32 {
      %dma_wait3A = arith.constant 0 : i32
      %dma_wait3A_16 = arith.constant 0 : i32
      %dma_wait3A_17 = tpu.memref_slice %arg6[%dma_wait3A, %dma_wait3A_16] : memref<80x128xi32, #tpu.memory_space<vmem>> -> memref<1x128xi32, #tpu.memory_space<vmem>>
      %dma_wait3A_18 = tpu.memref_squeeze %dma_wait3A_17 : memref<1x128xi32, #tpu.memory_space<vmem>> -> memref<128xi32, #tpu.memory_space<vmem>>
      %dma_wait3A_19 = arith.constant 0 : i32
      %dma_wait3A_20 = arith.constant 0 : i32
      %dma_wait3A_21 = tpu.memref_slice %arg8[%dma_wait3A_19, %dma_wait3A_20] : memref<10240x16xf32, #tpu.memory_space<vmem_shared>> -> memref<10240x16xf32, #tpu.memory_space<vmem_shared>>
      tpu.wait_indirect_dma semaphore(%arg9 : memref<!tpu.dma_semaphore, #tpu.memory_space<semaphore_mem>>) src(%arg7 : memref<128x16xf32, #tpu.memory_space<vmem>>) dst(%dma_wait3A_21 : memref<10240x16xf32, #tpu.memory_space<vmem_shared>>)
    }
    %scan3A_13 = arith.constant 8 : i32
    %barrier3A_14 = arith.constant 0 : index
    tpu.barrier barrier_id(%barrier3A_14)
    "tpu.region"() ({
      %run_scoped3A = tpu.sem_alloc : memref<!tpu.dma_semaphore, #tpu.memory_space<semaphore_mem>>
      %dma_start3A = arith.constant 0 : i32
      %dma_start3A_15 = tpu.memref_slice %arg5[%arg0, %mul3A_2, %dma_start3A] : memref<2x10240x16xf32, #tpu.memory_space<hbm>> -> memref<1x640x16xf32, #tpu.memory_space<hbm>>
      %dma_start3A_16 = tpu.memref_squeeze %dma_start3A_15 : memref<1x640x16xf32, #tpu.memory_space<hbm>> -> memref<640x16xf32, #tpu.memory_space<hbm>>
      %dma_start3A_17 = arith.constant 0 : i32
      %dma_start3A_18 = tpu.memref_slice %arg8[%mul3A_2, %dma_start3A_17] : memref<10240x16xf32, #tpu.memory_space<vmem_shared>> -> memref<640x16xf32, #tpu.memory_space<vmem_shared>>
      tpu.enqueue_dma source(%dma_start3A_18 : memref<640x16xf32, #tpu.memory_space<vmem_shared>>) target(%dma_start3A_16 : memref<640x16xf32, #tpu.memory_space<hbm>>) target_semaphore(%run_scoped3A : memref<!tpu.dma_semaphore, #tpu.memory_space<semaphore_mem>>)
      %dma_wait3A = arith.constant 0 : i32
      %dma_wait3A_19 = tpu.memref_slice %arg5[%arg0, %mul3A_2, %dma_wait3A] : memref<2x10240x16xf32, #tpu.memory_space<hbm>> -> memref<1x640x16xf32, #tpu.memory_space<hbm>>
      %dma_wait3A_20 = tpu.memref_squeeze %dma_wait3A_19 : memref<1x640x16xf32, #tpu.memory_space<hbm>> -> memref<640x16xf32, #tpu.memory_space<hbm>>
      %dma_wait3A_21 = arith.constant 0 : i32
      %dma_wait3A_22 = tpu.memref_slice %arg8[%mul3A_2, %dma_wait3A_21] : memref<10240x16xf32, #tpu.memory_space<vmem_shared>> -> memref<640x16xf32, #tpu.memory_space<vmem_shared>>
      tpu.wait_dma2 semaphore(%run_scoped3A : memref<!tpu.dma_semaphore, #tpu.memory_space<semaphore_mem>>) src(%dma_wait3A_22 : memref<640x16xf32, #tpu.memory_space<vmem_shared>>) dst(%dma_wait3A_20 : memref<640x16xf32, #tpu.memory_space<hbm>>)
      tpu.yield
    }) : () -> ()
    return
  }
}

#map = affine_map<(d0, d1) -> (0, 0, 0)>
#map1 = affine_map<(d0, d1) -> (0, 0)>
module attributes {stable_mosaic.version = 14 : i64} {
  func.func @_edge_kernel(%arg0: i32, %arg1: i32, %arg2: memref<32x80x128xi32, #tpu.memory_space<hbm>>, %arg3: memref<32x80x128xi32, #tpu.memory_space<hbm>>, %arg4: memref<10240x96xbf16, #tpu.memory_space<hbm>>, %arg5: memref<640x96xbf16, #tpu.memory_space<hbm>>, %arg6: memref<2x10240x96xbf16, #tpu.memory_space<hbm>>, %arg7: memref<80x128xi32, #tpu.memory_space<vmem>>, %arg8: memref<80x128xi32, #tpu.memory_space<vmem>>, %arg9: memref<4x128x96xbf16, #tpu.memory_space<vmem>>, %arg10: memref<10240x96xbf16, #tpu.memory_space<vmem_shared>>, %arg11: memref<!tpu.dma_semaphore, #tpu.memory_space<semaphore_mem>>, %arg12: memref<!tpu.dma_semaphore, #tpu.memory_space<semaphore_mem>>, %arg13: memref<!tpu.dma_semaphore, #tpu.memory_space<semaphore_mem>>, %arg14: memref<!tpu.dma_semaphore, #tpu.memory_space<semaphore_mem>>, %arg15: memref<!tpu.dma_semaphore, #tpu.memory_space<semaphore_mem>>) attributes {dimension_semantics = [#tpu.dimension_semantics<core_parallel>, #tpu.dimension_semantics<subcore_parallel>], iteration_bounds = array<i64: 2, 16>, scalar_prefetch = 0 : i64, scratch_operands = 9 : i64, tpu.core_type = #tpu.core_type<sc_vector_subcore>, window_params = [{transform_indices = #map}, {transform_indices = #map}, {transform_indices = #map1}, {transform_indices = #map1}, {transform_indices = #map}]} {
    %mul3A = arith.constant 16 : i32
    %mul3A_0 = arith.muli %arg0, %mul3A : i32
    %add3A = arith.addi %mul3A_0, %arg1 : i32
    %mul3A_1 = arith.constant 640 : i32
    %mul3A_2 = arith.muli %arg1, %mul3A_1 : i32
    "tpu.region"() ({
      %run_scoped3A = tpu.sem_alloc : memref<!tpu.dma_semaphore, #tpu.memory_space<semaphore_mem>>
      %dma_start3A_56 = arith.constant 0 : i32
      %dma_start3A_57 = tpu.memref_slice %arg10[%mul3A_2, %dma_start3A_56] : memref<10240x96xbf16, #tpu.memory_space<vmem_shared>> -> memref<640x96xbf16, #tpu.memory_space<vmem_shared>>
      tpu.enqueue_dma source(%arg5 : memref<640x96xbf16, #tpu.memory_space<hbm>>) target(%dma_start3A_57 : memref<640x96xbf16, #tpu.memory_space<vmem_shared>>) target_semaphore(%run_scoped3A : memref<!tpu.dma_semaphore, #tpu.memory_space<semaphore_mem>>)
      %dma_wait3A = arith.constant 0 : i32
      %dma_wait3A_58 = tpu.memref_slice %arg10[%mul3A_2, %dma_wait3A] : memref<10240x96xbf16, #tpu.memory_space<vmem_shared>> -> memref<640x96xbf16, #tpu.memory_space<vmem_shared>>
      tpu.wait_dma2 semaphore(%run_scoped3A : memref<!tpu.dma_semaphore, #tpu.memory_space<semaphore_mem>>) src(%arg5 : memref<640x96xbf16, #tpu.memory_space<hbm>>) dst(%dma_wait3A_58 : memref<640x96xbf16, #tpu.memory_space<vmem_shared>>)
      tpu.yield
    }) : () -> ()
    "tpu.region"() ({
      %run_scoped3A = tpu.sem_alloc : memref<!tpu.dma_semaphore, #tpu.memory_space<semaphore_mem>>
      %dma_start3A_56 = arith.constant 0 : i32
      %dma_start3A_57 = arith.constant 0 : i32
      %dma_start3A_58 = tpu.memref_slice %arg2[%add3A, %dma_start3A_56, %dma_start3A_57] : memref<32x80x128xi32, #tpu.memory_space<hbm>> -> memref<1x80x128xi32, #tpu.memory_space<hbm>>
      %dma_start3A_59 = tpu.memref_squeeze %dma_start3A_58 : memref<1x80x128xi32, #tpu.memory_space<hbm>> -> memref<80x128xi32, #tpu.memory_space<hbm>>
      %dma_start3A_60 = arith.constant 0 : i32
      %dma_start3A_61 = arith.constant 0 : i32
      %dma_start3A_62 = tpu.memref_slice %arg2[%add3A, %dma_start3A_60, %dma_start3A_61] : memref<32x80x128xi32, #tpu.memory_space<hbm>> -> memref<1x80x128xi32, #tpu.memory_space<hbm>>
      %dma_start3A_63 = tpu.memref_squeeze %dma_start3A_62 : memref<1x80x128xi32, #tpu.memory_space<hbm>> -> memref<80x128xi32, #tpu.memory_space<hbm>>
      tpu.enqueue_dma source(%dma_start3A_63 : memref<80x128xi32, #tpu.memory_space<hbm>>) target(%arg7 : memref<80x128xi32, #tpu.memory_space<vmem>>) target_semaphore(%run_scoped3A : memref<!tpu.dma_semaphore, #tpu.memory_space<semaphore_mem>>)
      %dma_wait3A = arith.constant 0 : i32
      %dma_wait3A_64 = arith.constant 0 : i32
      %dma_wait3A_65 = tpu.memref_slice %arg2[%add3A, %dma_wait3A, %dma_wait3A_64] : memref<32x80x128xi32, #tpu.memory_space<hbm>> -> memref<1x80x128xi32, #tpu.memory_space<hbm>>
      %dma_wait3A_66 = tpu.memref_squeeze %dma_wait3A_65 : memref<1x80x128xi32, #tpu.memory_space<hbm>> -> memref<80x128xi32, #tpu.memory_space<hbm>>
      %dma_wait3A_67 = arith.constant 0 : i32
      %dma_wait3A_68 = arith.constant 0 : i32
      %dma_wait3A_69 = tpu.memref_slice %arg2[%add3A, %dma_wait3A_67, %dma_wait3A_68] : memref<32x80x128xi32, #tpu.memory_space<hbm>> -> memref<1x80x128xi32, #tpu.memory_space<hbm>>
      %dma_wait3A_70 = tpu.memref_squeeze %dma_wait3A_69 : memref<1x80x128xi32, #tpu.memory_space<hbm>> -> memref<80x128xi32, #tpu.memory_space<hbm>>
      tpu.wait_dma2 semaphore(%run_scoped3A : memref<!tpu.dma_semaphore, #tpu.memory_space<semaphore_mem>>) src(%dma_wait3A_70 : memref<80x128xi32, #tpu.memory_space<hbm>>) dst(%arg7 : memref<80x128xi32, #tpu.memory_space<vmem>>)
      tpu.yield
    }) : () -> ()
    "tpu.region"() ({
      %run_scoped3A = tpu.sem_alloc : memref<!tpu.dma_semaphore, #tpu.memory_space<semaphore_mem>>
      %dma_start3A_56 = arith.constant 0 : i32
      %dma_start3A_57 = arith.constant 0 : i32
      %dma_start3A_58 = tpu.memref_slice %arg3[%add3A, %dma_start3A_56, %dma_start3A_57] : memref<32x80x128xi32, #tpu.memory_space<hbm>> -> memref<1x80x128xi32, #tpu.memory_space<hbm>>
      %dma_start3A_59 = tpu.memref_squeeze %dma_start3A_58 : memref<1x80x128xi32, #tpu.memory_space<hbm>> -> memref<80x128xi32, #tpu.memory_space<hbm>>
      %dma_start3A_60 = arith.constant 0 : i32
      %dma_start3A_61 = arith.constant 0 : i32
      %dma_start3A_62 = tpu.memref_slice %arg3[%add3A, %dma_start3A_60, %dma_start3A_61] : memref<32x80x128xi32, #tpu.memory_space<hbm>> -> memref<1x80x128xi32, #tpu.memory_space<hbm>>
      %dma_start3A_63 = tpu.memref_squeeze %dma_start3A_62 : memref<1x80x128xi32, #tpu.memory_space<hbm>> -> memref<80x128xi32, #tpu.memory_space<hbm>>
      tpu.enqueue_dma source(%dma_start3A_63 : memref<80x128xi32, #tpu.memory_space<hbm>>) target(%arg8 : memref<80x128xi32, #tpu.memory_space<vmem>>) target_semaphore(%run_scoped3A : memref<!tpu.dma_semaphore, #tpu.memory_space<semaphore_mem>>)
      %dma_wait3A = arith.constant 0 : i32
      %dma_wait3A_64 = arith.constant 0 : i32
      %dma_wait3A_65 = tpu.memref_slice %arg3[%add3A, %dma_wait3A, %dma_wait3A_64] : memref<32x80x128xi32, #tpu.memory_space<hbm>> -> memref<1x80x128xi32, #tpu.memory_space<hbm>>
      %dma_wait3A_66 = tpu.memref_squeeze %dma_wait3A_65 : memref<1x80x128xi32, #tpu.memory_space<hbm>> -> memref<80x128xi32, #tpu.memory_space<hbm>>
      %dma_wait3A_67 = arith.constant 0 : i32
      %dma_wait3A_68 = arith.constant 0 : i32
      %dma_wait3A_69 = tpu.memref_slice %arg3[%add3A, %dma_wait3A_67, %dma_wait3A_68] : memref<32x80x128xi32, #tpu.memory_space<hbm>> -> memref<1x80x128xi32, #tpu.memory_space<hbm>>
      %dma_wait3A_70 = tpu.memref_squeeze %dma_wait3A_69 : memref<1x80x128xi32, #tpu.memory_space<hbm>> -> memref<80x128xi32, #tpu.memory_space<hbm>>
      tpu.wait_dma2 semaphore(%run_scoped3A : memref<!tpu.dma_semaphore, #tpu.memory_space<semaphore_mem>>) src(%dma_wait3A_70 : memref<80x128xi32, #tpu.memory_space<hbm>>) dst(%arg8 : memref<80x128xi32, #tpu.memory_space<vmem>>)
      tpu.yield
    }) : () -> ()
    %barrier3A = arith.constant 0 : index
    tpu.barrier barrier_id(%barrier3A)
    %dma_start3A = arith.constant 0 : i32
    %dma_start3A_3 = arith.constant 0 : i32
    %dma_start3A_4 = arith.constant 0 : i32
    %dma_start3A_5 = arith.constant 0 : i32
    %dma_start3A_6 = tpu.memref_slice %arg9[%dma_start3A_3, %dma_start3A_4, %dma_start3A_5] : memref<4x128x96xbf16, #tpu.memory_space<vmem>> -> memref<1x128x96xbf16, #tpu.memory_space<vmem>>
    %dma_start3A_7 = tpu.memref_squeeze %dma_start3A_6 : memref<1x128x96xbf16, #tpu.memory_space<vmem>> -> memref<128x96xbf16, #tpu.memory_space<vmem>>
    %dma_start3A_8 = arith.constant 0 : i32
    %dma_start3A_9 = tpu.memref_slice %arg7[%dma_start3A, %dma_start3A_8] : memref<80x128xi32, #tpu.memory_space<vmem>> -> memref<1x128xi32, #tpu.memory_space<vmem>>
    %dma_start3A_10 = tpu.memref_squeeze %dma_start3A_9 : memref<1x128xi32, #tpu.memory_space<vmem>> -> memref<128xi32, #tpu.memory_space<vmem>>
    %dma_start3A_11 = arith.constant 0 : i32
    %dma_start3A_12 = arith.constant 0 : i32
    %dma_start3A_13 = tpu.memref_slice %arg4[%dma_start3A_11, %dma_start3A_12] : memref<10240x96xbf16, #tpu.memory_space<hbm>> -> memref<10240x96xbf16, #tpu.memory_space<hbm>>
    tpu.enqueue_indirect_dma source(%dma_start3A_13 : memref<10240x96xbf16, #tpu.memory_space<hbm>>) target(%dma_start3A_7 : memref<128x96xbf16, #tpu.memory_space<vmem>>) offsets(%dma_start3A_10 : memref<128xi32, #tpu.memory_space<vmem>>) semaphore(%arg11 : memref<!tpu.dma_semaphore, #tpu.memory_space<semaphore_mem>>)
    %dma_start3A_14 = arith.constant 1 : i32
    %dma_start3A_15 = arith.constant 1 : i32
    %dma_start3A_16 = arith.constant 0 : i32
    %dma_start3A_17 = arith.constant 0 : i32
    %dma_start3A_18 = tpu.memref_slice %arg9[%dma_start3A_15, %dma_start3A_16, %dma_start3A_17] : memref<4x128x96xbf16, #tpu.memory_space<vmem>> -> memref<1x128x96xbf16, #tpu.memory_space<vmem>>
    %dma_start3A_19 = tpu.memref_squeeze %dma_start3A_18 : memref<1x128x96xbf16, #tpu.memory_space<vmem>> -> memref<128x96xbf16, #tpu.memory_space<vmem>>
    %dma_start3A_20 = arith.constant 0 : i32
    %dma_start3A_21 = tpu.memref_slice %arg7[%dma_start3A_14, %dma_start3A_20] : memref<80x128xi32, #tpu.memory_space<vmem>> -> memref<1x128xi32, #tpu.memory_space<vmem>>
    %dma_start3A_22 = tpu.memref_squeeze %dma_start3A_21 : memref<1x128xi32, #tpu.memory_space<vmem>> -> memref<128xi32, #tpu.memory_space<vmem>>
    %dma_start3A_23 = arith.constant 0 : i32
    %dma_start3A_24 = arith.constant 0 : i32
    %dma_start3A_25 = tpu.memref_slice %arg4[%dma_start3A_23, %dma_start3A_24] : memref<10240x96xbf16, #tpu.memory_space<hbm>> -> memref<10240x96xbf16, #tpu.memory_space<hbm>>
    tpu.enqueue_indirect_dma source(%dma_start3A_25 : memref<10240x96xbf16, #tpu.memory_space<hbm>>) target(%dma_start3A_19 : memref<128x96xbf16, #tpu.memory_space<vmem>>) offsets(%dma_start3A_22 : memref<128xi32, #tpu.memory_space<vmem>>) semaphore(%arg12 : memref<!tpu.dma_semaphore, #tpu.memory_space<semaphore_mem>>)
    %dma_start3A_26 = arith.constant 2 : i32
    %dma_start3A_27 = arith.constant 2 : i32
    %dma_start3A_28 = arith.constant 0 : i32
    %dma_start3A_29 = arith.constant 0 : i32
    %dma_start3A_30 = tpu.memref_slice %arg9[%dma_start3A_27, %dma_start3A_28, %dma_start3A_29] : memref<4x128x96xbf16, #tpu.memory_space<vmem>> -> memref<1x128x96xbf16, #tpu.memory_space<vmem>>
    %dma_start3A_31 = tpu.memref_squeeze %dma_start3A_30 : memref<1x128x96xbf16, #tpu.memory_space<vmem>> -> memref<128x96xbf16, #tpu.memory_space<vmem>>
    %dma_start3A_32 = arith.constant 0 : i32
    %dma_start3A_33 = tpu.memref_slice %arg7[%dma_start3A_26, %dma_start3A_32] : memref<80x128xi32, #tpu.memory_space<vmem>> -> memref<1x128xi32, #tpu.memory_space<vmem>>
    %dma_start3A_34 = tpu.memref_squeeze %dma_start3A_33 : memref<1x128xi32, #tpu.memory_space<vmem>> -> memref<128xi32, #tpu.memory_space<vmem>>
    %dma_start3A_35 = arith.constant 0 : i32
    %dma_start3A_36 = arith.constant 0 : i32
    %dma_start3A_37 = tpu.memref_slice %arg4[%dma_start3A_35, %dma_start3A_36] : memref<10240x96xbf16, #tpu.memory_space<hbm>> -> memref<10240x96xbf16, #tpu.memory_space<hbm>>
    tpu.enqueue_indirect_dma source(%dma_start3A_37 : memref<10240x96xbf16, #tpu.memory_space<hbm>>) target(%dma_start3A_31 : memref<128x96xbf16, #tpu.memory_space<vmem>>) offsets(%dma_start3A_34 : memref<128xi32, #tpu.memory_space<vmem>>) semaphore(%arg13 : memref<!tpu.dma_semaphore, #tpu.memory_space<semaphore_mem>>)
    %dma_start3A_38 = arith.constant 3 : i32
    %dma_start3A_39 = arith.constant 3 : i32
    %dma_start3A_40 = arith.constant 0 : i32
    %dma_start3A_41 = arith.constant 0 : i32
    %dma_start3A_42 = tpu.memref_slice %arg9[%dma_start3A_39, %dma_start3A_40, %dma_start3A_41] : memref<4x128x96xbf16, #tpu.memory_space<vmem>> -> memref<1x128x96xbf16, #tpu.memory_space<vmem>>
    %dma_start3A_43 = tpu.memref_squeeze %dma_start3A_42 : memref<1x128x96xbf16, #tpu.memory_space<vmem>> -> memref<128x96xbf16, #tpu.memory_space<vmem>>
    %dma_start3A_44 = arith.constant 0 : i32
    %dma_start3A_45 = tpu.memref_slice %arg7[%dma_start3A_38, %dma_start3A_44] : memref<80x128xi32, #tpu.memory_space<vmem>> -> memref<1x128xi32, #tpu.memory_space<vmem>>
    %dma_start3A_46 = tpu.memref_squeeze %dma_start3A_45 : memref<1x128xi32, #tpu.memory_space<vmem>> -> memref<128xi32, #tpu.memory_space<vmem>>
    %dma_start3A_47 = arith.constant 0 : i32
    %dma_start3A_48 = arith.constant 0 : i32
    %dma_start3A_49 = tpu.memref_slice %arg4[%dma_start3A_47, %dma_start3A_48] : memref<10240x96xbf16, #tpu.memory_space<hbm>> -> memref<10240x96xbf16, #tpu.memory_space<hbm>>
    tpu.enqueue_indirect_dma source(%dma_start3A_49 : memref<10240x96xbf16, #tpu.memory_space<hbm>>) target(%dma_start3A_43 : memref<128x96xbf16, #tpu.memory_space<vmem>>) offsets(%dma_start3A_46 : memref<128xi32, #tpu.memory_space<vmem>>) semaphore(%arg14 : memref<!tpu.dma_semaphore, #tpu.memory_space<semaphore_mem>>)
    %scan3A = arith.constant 0 : i32
    %scan3A_50 = arith.constant 0 : i32
    %scan3A_51 = arith.constant 20 : i32
    %scan3A_52 = arith.addi %scan3A_50, %scan3A_51 : i32
    %scan3A_53 = arith.constant 1 : i32
    scf.for %scan3A_56 = %scan3A_50 to %scan3A_52 step %scan3A_53  : i32 {
      %mul3A_57 = arith.constant 4 : i32
      %mul3A_58 = arith.muli %scan3A_56, %mul3A_57 : i32
      %add3A_59 = arith.constant 0 : i32
      %add3A_60 = arith.addi %mul3A_58, %add3A_59 : i32
      %dma_wait3A = arith.constant 0 : i32
      %dma_wait3A_61 = arith.constant 0 : i32
      %dma_wait3A_62 = arith.constant 0 : i32
      %dma_wait3A_63 = tpu.memref_slice %arg9[%dma_wait3A, %dma_wait3A_61, %dma_wait3A_62] : memref<4x128x96xbf16, #tpu.memory_space<vmem>> -> memref<1x128x96xbf16, #tpu.memory_space<vmem>>
      %dma_wait3A_64 = tpu.memref_squeeze %dma_wait3A_63 : memref<1x128x96xbf16, #tpu.memory_space<vmem>> -> memref<128x96xbf16, #tpu.memory_space<vmem>>
      %dma_wait3A_65 = arith.constant 0 : i32
      %dma_wait3A_66 = tpu.memref_slice %arg7[%add3A_60, %dma_wait3A_65] : memref<80x128xi32, #tpu.memory_space<vmem>> -> memref<1x128xi32, #tpu.memory_space<vmem>>
      %dma_wait3A_67 = tpu.memref_squeeze %dma_wait3A_66 : memref<1x128xi32, #tpu.memory_space<vmem>> -> memref<128xi32, #tpu.memory_space<vmem>>
      %dma_wait3A_68 = arith.constant 0 : i32
      %dma_wait3A_69 = arith.constant 0 : i32
      %dma_wait3A_70 = tpu.memref_slice %arg4[%dma_wait3A_68, %dma_wait3A_69] : memref<10240x96xbf16, #tpu.memory_space<hbm>> -> memref<10240x96xbf16, #tpu.memory_space<hbm>>
      tpu.wait_indirect_dma semaphore(%arg11 : memref<!tpu.dma_semaphore, #tpu.memory_space<semaphore_mem>>) src(%dma_wait3A_70 : memref<10240x96xbf16, #tpu.memory_space<hbm>>) dst(%dma_wait3A_64 : memref<128x96xbf16, #tpu.memory_space<vmem>>)
      %add3A_71 = arith.constant 0 : i32
      %add3A_72 = arith.addi %mul3A_58, %add3A_71 : i32
      %dma_start3A_73 = arith.constant 0 : i32
      %dma_start3A_74 = arith.constant 0 : i32
      %dma_start3A_75 = arith.constant 0 : i32
      %dma_start3A_76 = tpu.memref_slice %arg9[%dma_start3A_73, %dma_start3A_74, %dma_start3A_75] : memref<4x128x96xbf16, #tpu.memory_space<vmem>> -> memref<1x128x96xbf16, #tpu.memory_space<vmem>>
      %dma_start3A_77 = tpu.memref_squeeze %dma_start3A_76 : memref<1x128x96xbf16, #tpu.memory_space<vmem>> -> memref<128x96xbf16, #tpu.memory_space<vmem>>
      %dma_start3A_78 = arith.constant 0 : i32
      %dma_start3A_79 = tpu.memref_slice %arg8[%add3A_72, %dma_start3A_78] : memref<80x128xi32, #tpu.memory_space<vmem>> -> memref<1x128xi32, #tpu.memory_space<vmem>>
      %dma_start3A_80 = tpu.memref_squeeze %dma_start3A_79 : memref<1x128xi32, #tpu.memory_space<vmem>> -> memref<128xi32, #tpu.memory_space<vmem>>
      %dma_start3A_81 = arith.constant 0 : i32
      %dma_start3A_82 = arith.constant 0 : i32
      %dma_start3A_83 = tpu.memref_slice %arg10[%dma_start3A_81, %dma_start3A_82] : memref<10240x96xbf16, #tpu.memory_space<vmem_shared>> -> memref<10240x96xbf16, #tpu.memory_space<vmem_shared>>
      tpu.enqueue_indirect_dma source(%dma_start3A_77 : memref<128x96xbf16, #tpu.memory_space<vmem>>) target(%dma_start3A_83 : memref<10240x96xbf16, #tpu.memory_space<vmem_shared>>) offsets(%dma_start3A_80 : memref<128xi32, #tpu.memory_space<vmem>>) semaphore(%arg15 : memref<!tpu.dma_semaphore, #tpu.memory_space<semaphore_mem>>) {add = true}
      %add3A_84 = arith.constant 1 : i32
      %add3A_85 = arith.addi %mul3A_58, %add3A_84 : i32
      %dma_wait3A_86 = arith.constant 1 : i32
      %dma_wait3A_87 = arith.constant 0 : i32
      %dma_wait3A_88 = arith.constant 0 : i32
      %dma_wait3A_89 = tpu.memref_slice %arg9[%dma_wait3A_86, %dma_wait3A_87, %dma_wait3A_88] : memref<4x128x96xbf16, #tpu.memory_space<vmem>> -> memref<1x128x96xbf16, #tpu.memory_space<vmem>>
      %dma_wait3A_90 = tpu.memref_squeeze %dma_wait3A_89 : memref<1x128x96xbf16, #tpu.memory_space<vmem>> -> memref<128x96xbf16, #tpu.memory_space<vmem>>
      %dma_wait3A_91 = arith.constant 0 : i32
      %dma_wait3A_92 = tpu.memref_slice %arg7[%add3A_85, %dma_wait3A_91] : memref<80x128xi32, #tpu.memory_space<vmem>> -> memref<1x128xi32, #tpu.memory_space<vmem>>
      %dma_wait3A_93 = tpu.memref_squeeze %dma_wait3A_92 : memref<1x128xi32, #tpu.memory_space<vmem>> -> memref<128xi32, #tpu.memory_space<vmem>>
      %dma_wait3A_94 = arith.constant 0 : i32
      %dma_wait3A_95 = arith.constant 0 : i32
      %dma_wait3A_96 = tpu.memref_slice %arg4[%dma_wait3A_94, %dma_wait3A_95] : memref<10240x96xbf16, #tpu.memory_space<hbm>> -> memref<10240x96xbf16, #tpu.memory_space<hbm>>
      tpu.wait_indirect_dma semaphore(%arg12 : memref<!tpu.dma_semaphore, #tpu.memory_space<semaphore_mem>>) src(%dma_wait3A_96 : memref<10240x96xbf16, #tpu.memory_space<hbm>>) dst(%dma_wait3A_90 : memref<128x96xbf16, #tpu.memory_space<vmem>>)
      %add3A_97 = arith.constant 1 : i32
      %add3A_98 = arith.addi %mul3A_58, %add3A_97 : i32
      %dma_start3A_99 = arith.constant 1 : i32
      %dma_start3A_100 = arith.constant 0 : i32
      %dma_start3A_101 = arith.constant 0 : i32
      %dma_start3A_102 = tpu.memref_slice %arg9[%dma_start3A_99, %dma_start3A_100, %dma_start3A_101] : memref<4x128x96xbf16, #tpu.memory_space<vmem>> -> memref<1x128x96xbf16, #tpu.memory_space<vmem>>
      %dma_start3A_103 = tpu.memref_squeeze %dma_start3A_102 : memref<1x128x96xbf16, #tpu.memory_space<vmem>> -> memref<128x96xbf16, #tpu.memory_space<vmem>>
      %dma_start3A_104 = arith.constant 0 : i32
      %dma_start3A_105 = tpu.memref_slice %arg8[%add3A_98, %dma_start3A_104] : memref<80x128xi32, #tpu.memory_space<vmem>> -> memref<1x128xi32, #tpu.memory_space<vmem>>
      %dma_start3A_106 = tpu.memref_squeeze %dma_start3A_105 : memref<1x128xi32, #tpu.memory_space<vmem>> -> memref<128xi32, #tpu.memory_space<vmem>>
      %dma_start3A_107 = arith.constant 0 : i32
      %dma_start3A_108 = arith.constant 0 : i32
      %dma_start3A_109 = tpu.memref_slice %arg10[%dma_start3A_107, %dma_start3A_108] : memref<10240x96xbf16, #tpu.memory_space<vmem_shared>> -> memref<10240x96xbf16, #tpu.memory_space<vmem_shared>>
      tpu.enqueue_indirect_dma source(%dma_start3A_103 : memref<128x96xbf16, #tpu.memory_space<vmem>>) target(%dma_start3A_109 : memref<10240x96xbf16, #tpu.memory_space<vmem_shared>>) offsets(%dma_start3A_106 : memref<128xi32, #tpu.memory_space<vmem>>) semaphore(%arg15 : memref<!tpu.dma_semaphore, #tpu.memory_space<semaphore_mem>>) {add = true}
      %add3A_110 = arith.constant 2 : i32
      %add3A_111 = arith.addi %mul3A_58, %add3A_110 : i32
      %dma_wait3A_112 = arith.constant 2 : i32
      %dma_wait3A_113 = arith.constant 0 : i32
      %dma_wait3A_114 = arith.constant 0 : i32
      %dma_wait3A_115 = tpu.memref_slice %arg9[%dma_wait3A_112, %dma_wait3A_113, %dma_wait3A_114] : memref<4x128x96xbf16, #tpu.memory_space<vmem>> -> memref<1x128x96xbf16, #tpu.memory_space<vmem>>
      %dma_wait3A_116 = tpu.memref_squeeze %dma_wait3A_115 : memref<1x128x96xbf16, #tpu.memory_space<vmem>> -> memref<128x96xbf16, #tpu.memory_space<vmem>>
      %dma_wait3A_117 = arith.constant 0 : i32
      %dma_wait3A_118 = tpu.memref_slice %arg7[%add3A_111, %dma_wait3A_117] : memref<80x128xi32, #tpu.memory_space<vmem>> -> memref<1x128xi32, #tpu.memory_space<vmem>>
      %dma_wait3A_119 = tpu.memref_squeeze %dma_wait3A_118 : memref<1x128xi32, #tpu.memory_space<vmem>> -> memref<128xi32, #tpu.memory_space<vmem>>
      %dma_wait3A_120 = arith.constant 0 : i32
      %dma_wait3A_121 = arith.constant 0 : i32
      %dma_wait3A_122 = tpu.memref_slice %arg4[%dma_wait3A_120, %dma_wait3A_121] : memref<10240x96xbf16, #tpu.memory_space<hbm>> -> memref<10240x96xbf16, #tpu.memory_space<hbm>>
      tpu.wait_indirect_dma semaphore(%arg13 : memref<!tpu.dma_semaphore, #tpu.memory_space<semaphore_mem>>) src(%dma_wait3A_122 : memref<10240x96xbf16, #tpu.memory_space<hbm>>) dst(%dma_wait3A_116 : memref<128x96xbf16, #tpu.memory_space<vmem>>)
      %add3A_123 = arith.constant 2 : i32
      %add3A_124 = arith.addi %mul3A_58, %add3A_123 : i32
      %dma_start3A_125 = arith.constant 2 : i32
      %dma_start3A_126 = arith.constant 0 : i32
      %dma_start3A_127 = arith.constant 0 : i32
      %dma_start3A_128 = tpu.memref_slice %arg9[%dma_start3A_125, %dma_start3A_126, %dma_start3A_127] : memref<4x128x96xbf16, #tpu.memory_space<vmem>> -> memref<1x128x96xbf16, #tpu.memory_space<vmem>>
      %dma_start3A_129 = tpu.memref_squeeze %dma_start3A_128 : memref<1x128x96xbf16, #tpu.memory_space<vmem>> -> memref<128x96xbf16, #tpu.memory_space<vmem>>
      %dma_start3A_130 = arith.constant 0 : i32
      %dma_start3A_131 = tpu.memref_slice %arg8[%add3A_124, %dma_start3A_130] : memref<80x128xi32, #tpu.memory_space<vmem>> -> memref<1x128xi32, #tpu.memory_space<vmem>>
      %dma_start3A_132 = tpu.memref_squeeze %dma_start3A_131 : memref<1x128xi32, #tpu.memory_space<vmem>> -> memref<128xi32, #tpu.memory_space<vmem>>
      %dma_start3A_133 = arith.constant 0 : i32
      %dma_start3A_134 = arith.constant 0 : i32
      %dma_start3A_135 = tpu.memref_slice %arg10[%dma_start3A_133, %dma_start3A_134] : memref<10240x96xbf16, #tpu.memory_space<vmem_shared>> -> memref<10240x96xbf16, #tpu.memory_space<vmem_shared>>
      tpu.enqueue_indirect_dma source(%dma_start3A_129 : memref<128x96xbf16, #tpu.memory_space<vmem>>) target(%dma_start3A_135 : memref<10240x96xbf16, #tpu.memory_space<vmem_shared>>) offsets(%dma_start3A_132 : memref<128xi32, #tpu.memory_space<vmem>>) semaphore(%arg15 : memref<!tpu.dma_semaphore, #tpu.memory_space<semaphore_mem>>) {add = true}
      %add3A_136 = arith.constant 3 : i32
      %add3A_137 = arith.addi %mul3A_58, %add3A_136 : i32
      %dma_wait3A_138 = arith.constant 3 : i32
      %dma_wait3A_139 = arith.constant 0 : i32
      %dma_wait3A_140 = arith.constant 0 : i32
      %dma_wait3A_141 = tpu.memref_slice %arg9[%dma_wait3A_138, %dma_wait3A_139, %dma_wait3A_140] : memref<4x128x96xbf16, #tpu.memory_space<vmem>> -> memref<1x128x96xbf16, #tpu.memory_space<vmem>>
      %dma_wait3A_142 = tpu.memref_squeeze %dma_wait3A_141 : memref<1x128x96xbf16, #tpu.memory_space<vmem>> -> memref<128x96xbf16, #tpu.memory_space<vmem>>
      %dma_wait3A_143 = arith.constant 0 : i32
      %dma_wait3A_144 = tpu.memref_slice %arg7[%add3A_137, %dma_wait3A_143] : memref<80x128xi32, #tpu.memory_space<vmem>> -> memref<1x128xi32, #tpu.memory_space<vmem>>
      %dma_wait3A_145 = tpu.memref_squeeze %dma_wait3A_144 : memref<1x128xi32, #tpu.memory_space<vmem>> -> memref<128xi32, #tpu.memory_space<vmem>>
      %dma_wait3A_146 = arith.constant 0 : i32
      %dma_wait3A_147 = arith.constant 0 : i32
      %dma_wait3A_148 = tpu.memref_slice %arg4[%dma_wait3A_146, %dma_wait3A_147] : memref<10240x96xbf16, #tpu.memory_space<hbm>> -> memref<10240x96xbf16, #tpu.memory_space<hbm>>
      tpu.wait_indirect_dma semaphore(%arg14 : memref<!tpu.dma_semaphore, #tpu.memory_space<semaphore_mem>>) src(%dma_wait3A_148 : memref<10240x96xbf16, #tpu.memory_space<hbm>>) dst(%dma_wait3A_142 : memref<128x96xbf16, #tpu.memory_space<vmem>>)
      %add3A_149 = arith.constant 3 : i32
      %add3A_150 = arith.addi %mul3A_58, %add3A_149 : i32
      %dma_start3A_151 = arith.constant 3 : i32
      %dma_start3A_152 = arith.constant 0 : i32
      %dma_start3A_153 = arith.constant 0 : i32
      %dma_start3A_154 = tpu.memref_slice %arg9[%dma_start3A_151, %dma_start3A_152, %dma_start3A_153] : memref<4x128x96xbf16, #tpu.memory_space<vmem>> -> memref<1x128x96xbf16, #tpu.memory_space<vmem>>
      %dma_start3A_155 = tpu.memref_squeeze %dma_start3A_154 : memref<1x128x96xbf16, #tpu.memory_space<vmem>> -> memref<128x96xbf16, #tpu.memory_space<vmem>>
      %dma_start3A_156 = arith.constant 0 : i32
      %dma_start3A_157 = tpu.memref_slice %arg8[%add3A_150, %dma_start3A_156] : memref<80x128xi32, #tpu.memory_space<vmem>> -> memref<1x128xi32, #tpu.memory_space<vmem>>
      %dma_start3A_158 = tpu.memref_squeeze %dma_start3A_157 : memref<1x128xi32, #tpu.memory_space<vmem>> -> memref<128xi32, #tpu.memory_space<vmem>>
      %dma_start3A_159 = arith.constant 0 : i32
      %dma_start3A_160 = arith.constant 0 : i32
      %dma_start3A_161 = tpu.memref_slice %arg10[%dma_start3A_159, %dma_start3A_160] : memref<10240x96xbf16, #tpu.memory_space<vmem_shared>> -> memref<10240x96xbf16, #tpu.memory_space<vmem_shared>>
      tpu.enqueue_indirect_dma source(%dma_start3A_155 : memref<128x96xbf16, #tpu.memory_space<vmem>>) target(%dma_start3A_161 : memref<10240x96xbf16, #tpu.memory_space<vmem_shared>>) offsets(%dma_start3A_158 : memref<128xi32, #tpu.memory_space<vmem>>) semaphore(%arg15 : memref<!tpu.dma_semaphore, #tpu.memory_space<semaphore_mem>>) {add = true}
      %dma_wait3A_162 = arith.constant 0 : i32
      %dma_wait3A_163 = arith.constant 0 : i32
      %dma_wait3A_164 = arith.constant 0 : i32
      %dma_wait3A_165 = arith.constant 0 : i32
      %dma_wait3A_166 = tpu.memref_slice %arg9[%dma_wait3A_162, %dma_wait3A_164, %dma_wait3A_165] : memref<4x128x96xbf16, #tpu.memory_space<vmem>> -> memref<1x128x96xbf16, #tpu.memory_space<vmem>>
      %dma_wait3A_167 = tpu.memref_squeeze %dma_wait3A_166 : memref<1x128x96xbf16, #tpu.memory_space<vmem>> -> memref<128x96xbf16, #tpu.memory_space<vmem>>
      %dma_wait3A_168 = arith.constant 0 : i32
      %dma_wait3A_169 = tpu.memref_slice %arg8[%dma_wait3A_163, %dma_wait3A_168] : memref<80x128xi32, #tpu.memory_space<vmem>> -> memref<1x128xi32, #tpu.memory_space<vmem>>
      %dma_wait3A_170 = tpu.memref_squeeze %dma_wait3A_169 : memref<1x128xi32, #tpu.memory_space<vmem>> -> memref<128xi32, #tpu.memory_space<vmem>>
      %dma_wait3A_171 = arith.constant 0 : i32
      %dma_wait3A_172 = arith.constant 0 : i32
      %dma_wait3A_173 = tpu.memref_slice %arg10[%dma_wait3A_171, %dma_wait3A_172] : memref<10240x96xbf16, #tpu.memory_space<vmem_shared>> -> memref<10240x96xbf16, #tpu.memory_space<vmem_shared>>
      tpu.wait_indirect_dma semaphore(%arg15 : memref<!tpu.dma_semaphore, #tpu.memory_space<semaphore_mem>>) src(%dma_wait3A_167 : memref<128x96xbf16, #tpu.memory_space<vmem>>) dst(%dma_wait3A_173 : memref<10240x96xbf16, #tpu.memory_space<vmem_shared>>)
      %add3A_174 = arith.constant 4 : i32
      %add3A_175 = arith.addi %mul3A_58, %add3A_174 : i32
      %add3A_176 = arith.constant 0 : i32
      %add3A_177 = arith.addi %add3A_175, %add3A_176 : i32
      %lt3A = arith.constant 80 : i32
      %lt3A_178 = arith.cmpi slt, %add3A_177, %lt3A : i32
      %convert_element_type3A = arith.extui %lt3A_178 : i1 to i32
      %cond3A = arith.constant 0 : i32
      %cond3A_179 = arith.cmpi ne, %convert_element_type3A, %cond3A : i32
      scf.if %cond3A_179 {
        %add3A_243 = arith.constant 4 : i32
        %add3A_244 = arith.addi %mul3A_58, %add3A_243 : i32
        %add3A_245 = arith.constant 0 : i32
        %add3A_246 = arith.addi %add3A_244, %add3A_245 : i32
        %dma_start3A_247 = arith.constant 0 : i32
        %dma_start3A_248 = arith.constant 0 : i32
        %dma_start3A_249 = arith.constant 0 : i32
        %dma_start3A_250 = tpu.memref_slice %arg9[%dma_start3A_247, %dma_start3A_248, %dma_start3A_249] : memref<4x128x96xbf16, #tpu.memory_space<vmem>> -> memref<1x128x96xbf16, #tpu.memory_space<vmem>>
        %dma_start3A_251 = tpu.memref_squeeze %dma_start3A_250 : memref<1x128x96xbf16, #tpu.memory_space<vmem>> -> memref<128x96xbf16, #tpu.memory_space<vmem>>
        %dma_start3A_252 = arith.constant 0 : i32
        %dma_start3A_253 = tpu.memref_slice %arg7[%add3A_246, %dma_start3A_252] : memref<80x128xi32, #tpu.memory_space<vmem>> -> memref<1x128xi32, #tpu.memory_space<vmem>>
        %dma_start3A_254 = tpu.memref_squeeze %dma_start3A_253 : memref<1x128xi32, #tpu.memory_space<vmem>> -> memref<128xi32, #tpu.memory_space<vmem>>
        %dma_start3A_255 = arith.constant 0 : i32
        %dma_start3A_256 = arith.constant 0 : i32
        %dma_start3A_257 = tpu.memref_slice %arg4[%dma_start3A_255, %dma_start3A_256] : memref<10240x96xbf16, #tpu.memory_space<hbm>> -> memref<10240x96xbf16, #tpu.memory_space<hbm>>
        tpu.enqueue_indirect_dma source(%dma_start3A_257 : memref<10240x96xbf16, #tpu.memory_space<hbm>>) target(%dma_start3A_251 : memref<128x96xbf16, #tpu.memory_space<vmem>>) offsets(%dma_start3A_254 : memref<128xi32, #tpu.memory_space<vmem>>) semaphore(%arg11 : memref<!tpu.dma_semaphore, #tpu.memory_space<semaphore_mem>>)
      } else {
      }
      %dma_wait3A_180 = arith.constant 1 : i32
      %dma_wait3A_181 = arith.constant 0 : i32
      %dma_wait3A_182 = arith.constant 0 : i32
      %dma_wait3A_183 = arith.constant 0 : i32
      %dma_wait3A_184 = tpu.memref_slice %arg9[%dma_wait3A_180, %dma_wait3A_182, %dma_wait3A_183] : memref<4x128x96xbf16, #tpu.memory_space<vmem>> -> memref<1x128x96xbf16, #tpu.memory_space<vmem>>
      %dma_wait3A_185 = tpu.memref_squeeze %dma_wait3A_184 : memref<1x128x96xbf16, #tpu.memory_space<vmem>> -> memref<128x96xbf16, #tpu.memory_space<vmem>>
      %dma_wait3A_186 = arith.constant 0 : i32
      %dma_wait3A_187 = tpu.memref_slice %arg8[%dma_wait3A_181, %dma_wait3A_186] : memref<80x128xi32, #tpu.memory_space<vmem>> -> memref<1x128xi32, #tpu.memory_space<vmem>>
      %dma_wait3A_188 = tpu.memref_squeeze %dma_wait3A_187 : memref<1x128xi32, #tpu.memory_space<vmem>> -> memref<128xi32, #tpu.memory_space<vmem>>
      %dma_wait3A_189 = arith.constant 0 : i32
      %dma_wait3A_190 = arith.constant 0 : i32
      %dma_wait3A_191 = tpu.memref_slice %arg10[%dma_wait3A_189, %dma_wait3A_190] : memref<10240x96xbf16, #tpu.memory_space<vmem_shared>> -> memref<10240x96xbf16, #tpu.memory_space<vmem_shared>>
      tpu.wait_indirect_dma semaphore(%arg15 : memref<!tpu.dma_semaphore, #tpu.memory_space<semaphore_mem>>) src(%dma_wait3A_185 : memref<128x96xbf16, #tpu.memory_space<vmem>>) dst(%dma_wait3A_191 : memref<10240x96xbf16, #tpu.memory_space<vmem_shared>>)
      %add3A_192 = arith.constant 4 : i32
      %add3A_193 = arith.addi %mul3A_58, %add3A_192 : i32
      %add3A_194 = arith.constant 1 : i32
      %add3A_195 = arith.addi %add3A_193, %add3A_194 : i32
      %lt3A_196 = arith.constant 80 : i32
      %lt3A_197 = arith.cmpi slt, %add3A_195, %lt3A_196 : i32
      %convert_element_type3A_198 = arith.extui %lt3A_197 : i1 to i32
      %cond3A_199 = arith.constant 0 : i32
      %cond3A_200 = arith.cmpi ne, %convert_element_type3A_198, %cond3A_199 : i32
      scf.if %cond3A_200 {
        %add3A_243 = arith.constant 4 : i32
        %add3A_244 = arith.addi %mul3A_58, %add3A_243 : i32
        %add3A_245 = arith.constant 1 : i32
        %add3A_246 = arith.addi %add3A_244, %add3A_245 : i32
        %dma_start3A_247 = arith.constant 1 : i32
        %dma_start3A_248 = arith.constant 0 : i32
        %dma_start3A_249 = arith.constant 0 : i32
        %dma_start3A_250 = tpu.memref_slice %arg9[%dma_start3A_247, %dma_start3A_248, %dma_start3A_249] : memref<4x128x96xbf16, #tpu.memory_space<vmem>> -> memref<1x128x96xbf16, #tpu.memory_space<vmem>>
        %dma_start3A_251 = tpu.memref_squeeze %dma_start3A_250 : memref<1x128x96xbf16, #tpu.memory_space<vmem>> -> memref<128x96xbf16, #tpu.memory_space<vmem>>
        %dma_start3A_252 = arith.constant 0 : i32
        %dma_start3A_253 = tpu.memref_slice %arg7[%add3A_246, %dma_start3A_252] : memref<80x128xi32, #tpu.memory_space<vmem>> -> memref<1x128xi32, #tpu.memory_space<vmem>>
        %dma_start3A_254 = tpu.memref_squeeze %dma_start3A_253 : memref<1x128xi32, #tpu.memory_space<vmem>> -> memref<128xi32, #tpu.memory_space<vmem>>
        %dma_start3A_255 = arith.constant 0 : i32
        %dma_start3A_256 = arith.constant 0 : i32
        %dma_start3A_257 = tpu.memref_slice %arg4[%dma_start3A_255, %dma_start3A_256] : memref<10240x96xbf16, #tpu.memory_space<hbm>> -> memref<10240x96xbf16, #tpu.memory_space<hbm>>
        tpu.enqueue_indirect_dma source(%dma_start3A_257 : memref<10240x96xbf16, #tpu.memory_space<hbm>>) target(%dma_start3A_251 : memref<128x96xbf16, #tpu.memory_space<vmem>>) offsets(%dma_start3A_254 : memref<128xi32, #tpu.memory_space<vmem>>) semaphore(%arg12 : memref<!tpu.dma_semaphore, #tpu.memory_space<semaphore_mem>>)
      } else {
      }
      %dma_wait3A_201 = arith.constant 2 : i32
      %dma_wait3A_202 = arith.constant 0 : i32
      %dma_wait3A_203 = arith.constant 0 : i32
      %dma_wait3A_204 = arith.constant 0 : i32
      %dma_wait3A_205 = tpu.memref_slice %arg9[%dma_wait3A_201, %dma_wait3A_203, %dma_wait3A_204] : memref<4x128x96xbf16, #tpu.memory_space<vmem>> -> memref<1x128x96xbf16, #tpu.memory_space<vmem>>
      %dma_wait3A_206 = tpu.memref_squeeze %dma_wait3A_205 : memref<1x128x96xbf16, #tpu.memory_space<vmem>> -> memref<128x96xbf16, #tpu.memory_space<vmem>>
      %dma_wait3A_207 = arith.constant 0 : i32
      %dma_wait3A_208 = tpu.memref_slice %arg8[%dma_wait3A_202, %dma_wait3A_207] : memref<80x128xi32, #tpu.memory_space<vmem>> -> memref<1x128xi32, #tpu.memory_space<vmem>>
      %dma_wait3A_209 = tpu.memref_squeeze %dma_wait3A_208 : memref<1x128xi32, #tpu.memory_space<vmem>> -> memref<128xi32, #tpu.memory_space<vmem>>
      %dma_wait3A_210 = arith.constant 0 : i32
      %dma_wait3A_211 = arith.constant 0 : i32
      %dma_wait3A_212 = tpu.memref_slice %arg10[%dma_wait3A_210, %dma_wait3A_211] : memref<10240x96xbf16, #tpu.memory_space<vmem_shared>> -> memref<10240x96xbf16, #tpu.memory_space<vmem_shared>>
      tpu.wait_indirect_dma semaphore(%arg15 : memref<!tpu.dma_semaphore, #tpu.memory_space<semaphore_mem>>) src(%dma_wait3A_206 : memref<128x96xbf16, #tpu.memory_space<vmem>>) dst(%dma_wait3A_212 : memref<10240x96xbf16, #tpu.memory_space<vmem_shared>>)
      %add3A_213 = arith.constant 4 : i32
      %add3A_214 = arith.addi %mul3A_58, %add3A_213 : i32
      %add3A_215 = arith.constant 2 : i32
      %add3A_216 = arith.addi %add3A_214, %add3A_215 : i32
      %lt3A_217 = arith.constant 80 : i32
      %lt3A_218 = arith.cmpi slt, %add3A_216, %lt3A_217 : i32
      %convert_element_type3A_219 = arith.extui %lt3A_218 : i1 to i32
      %cond3A_220 = arith.constant 0 : i32
      %cond3A_221 = arith.cmpi ne, %convert_element_type3A_219, %cond3A_220 : i32
      scf.if %cond3A_221 {
        %add3A_243 = arith.constant 4 : i32
        %add3A_244 = arith.addi %mul3A_58, %add3A_243 : i32
        %add3A_245 = arith.constant 2 : i32
        %add3A_246 = arith.addi %add3A_244, %add3A_245 : i32
        %dma_start3A_247 = arith.constant 2 : i32
        %dma_start3A_248 = arith.constant 0 : i32
        %dma_start3A_249 = arith.constant 0 : i32
        %dma_start3A_250 = tpu.memref_slice %arg9[%dma_start3A_247, %dma_start3A_248, %dma_start3A_249] : memref<4x128x96xbf16, #tpu.memory_space<vmem>> -> memref<1x128x96xbf16, #tpu.memory_space<vmem>>
        %dma_start3A_251 = tpu.memref_squeeze %dma_start3A_250 : memref<1x128x96xbf16, #tpu.memory_space<vmem>> -> memref<128x96xbf16, #tpu.memory_space<vmem>>
        %dma_start3A_252 = arith.constant 0 : i32
        %dma_start3A_253 = tpu.memref_slice %arg7[%add3A_246, %dma_start3A_252] : memref<80x128xi32, #tpu.memory_space<vmem>> -> memref<1x128xi32, #tpu.memory_space<vmem>>
        %dma_start3A_254 = tpu.memref_squeeze %dma_start3A_253 : memref<1x128xi32, #tpu.memory_space<vmem>> -> memref<128xi32, #tpu.memory_space<vmem>>
        %dma_start3A_255 = arith.constant 0 : i32
        %dma_start3A_256 = arith.constant 0 : i32
        %dma_start3A_257 = tpu.memref_slice %arg4[%dma_start3A_255, %dma_start3A_256] : memref<10240x96xbf16, #tpu.memory_space<hbm>> -> memref<10240x96xbf16, #tpu.memory_space<hbm>>
        tpu.enqueue_indirect_dma source(%dma_start3A_257 : memref<10240x96xbf16, #tpu.memory_space<hbm>>) target(%dma_start3A_251 : memref<128x96xbf16, #tpu.memory_space<vmem>>) offsets(%dma_start3A_254 : memref<128xi32, #tpu.memory_space<vmem>>) semaphore(%arg13 : memref<!tpu.dma_semaphore, #tpu.memory_space<semaphore_mem>>)
      } else {
      }
      %dma_wait3A_222 = arith.constant 3 : i32
      %dma_wait3A_223 = arith.constant 0 : i32
      %dma_wait3A_224 = arith.constant 0 : i32
      %dma_wait3A_225 = arith.constant 0 : i32
      %dma_wait3A_226 = tpu.memref_slice %arg9[%dma_wait3A_222, %dma_wait3A_224, %dma_wait3A_225] : memref<4x128x96xbf16, #tpu.memory_space<vmem>> -> memref<1x128x96xbf16, #tpu.memory_space<vmem>>
      %dma_wait3A_227 = tpu.memref_squeeze %dma_wait3A_226 : memref<1x128x96xbf16, #tpu.memory_space<vmem>> -> memref<128x96xbf16, #tpu.memory_space<vmem>>
      %dma_wait3A_228 = arith.constant 0 : i32
      %dma_wait3A_229 = tpu.memref_slice %arg8[%dma_wait3A_223, %dma_wait3A_228] : memref<80x128xi32, #tpu.memory_space<vmem>> -> memref<1x128xi32, #tpu.memory_space<vmem>>
      %dma_wait3A_230 = tpu.memref_squeeze %dma_wait3A_229 : memref<1x128xi32, #tpu.memory_space<vmem>> -> memref<128xi32, #tpu.memory_space<vmem>>
      %dma_wait3A_231 = arith.constant 0 : i32
      %dma_wait3A_232 = arith.constant 0 : i32
      %dma_wait3A_233 = tpu.memref_slice %arg10[%dma_wait3A_231, %dma_wait3A_232] : memref<10240x96xbf16, #tpu.memory_space<vmem_shared>> -> memref<10240x96xbf16, #tpu.memory_space<vmem_shared>>
      tpu.wait_indirect_dma semaphore(%arg15 : memref<!tpu.dma_semaphore, #tpu.memory_space<semaphore_mem>>) src(%dma_wait3A_227 : memref<128x96xbf16, #tpu.memory_space<vmem>>) dst(%dma_wait3A_233 : memref<10240x96xbf16, #tpu.memory_space<vmem_shared>>)
      %add3A_234 = arith.constant 4 : i32
      %add3A_235 = arith.addi %mul3A_58, %add3A_234 : i32
      %add3A_236 = arith.constant 3 : i32
      %add3A_237 = arith.addi %add3A_235, %add3A_236 : i32
      %lt3A_238 = arith.constant 80 : i32
      %lt3A_239 = arith.cmpi slt, %add3A_237, %lt3A_238 : i32
      %convert_element_type3A_240 = arith.extui %lt3A_239 : i1 to i32
      %cond3A_241 = arith.constant 0 : i32
      %cond3A_242 = arith.cmpi ne, %convert_element_type3A_240, %cond3A_241 : i32
      scf.if %cond3A_242 {
        %add3A_243 = arith.constant 4 : i32
        %add3A_244 = arith.addi %mul3A_58, %add3A_243 : i32
        %add3A_245 = arith.constant 3 : i32
        %add3A_246 = arith.addi %add3A_244, %add3A_245 : i32
        %dma_start3A_247 = arith.constant 3 : i32
        %dma_start3A_248 = arith.constant 0 : i32
        %dma_start3A_249 = arith.constant 0 : i32
        %dma_start3A_250 = tpu.memref_slice %arg9[%dma_start3A_247, %dma_start3A_248, %dma_start3A_249] : memref<4x128x96xbf16, #tpu.memory_space<vmem>> -> memref<1x128x96xbf16, #tpu.memory_space<vmem>>
        %dma_start3A_251 = tpu.memref_squeeze %dma_start3A_250 : memref<1x128x96xbf16, #tpu.memory_space<vmem>> -> memref<128x96xbf16, #tpu.memory_space<vmem>>
        %dma_start3A_252 = arith.constant 0 : i32
        %dma_start3A_253 = tpu.memref_slice %arg7[%add3A_246, %dma_start3A_252] : memref<80x128xi32, #tpu.memory_space<vmem>> -> memref<1x128xi32, #tpu.memory_space<vmem>>
        %dma_start3A_254 = tpu.memref_squeeze %dma_start3A_253 : memref<1x128xi32, #tpu.memory_space<vmem>> -> memref<128xi32, #tpu.memory_space<vmem>>
        %dma_start3A_255 = arith.constant 0 : i32
        %dma_start3A_256 = arith.constant 0 : i32
        %dma_start3A_257 = tpu.memref_slice %arg4[%dma_start3A_255, %dma_start3A_256] : memref<10240x96xbf16, #tpu.memory_space<hbm>> -> memref<10240x96xbf16, #tpu.memory_space<hbm>>
        tpu.enqueue_indirect_dma source(%dma_start3A_257 : memref<10240x96xbf16, #tpu.memory_space<hbm>>) target(%dma_start3A_251 : memref<128x96xbf16, #tpu.memory_space<vmem>>) offsets(%dma_start3A_254 : memref<128xi32, #tpu.memory_space<vmem>>) semaphore(%arg14 : memref<!tpu.dma_semaphore, #tpu.memory_space<semaphore_mem>>)
      } else {
      }
    }
    %scan3A_54 = arith.constant 20 : i32
    %barrier3A_55 = arith.constant 0 : index
    tpu.barrier barrier_id(%barrier3A_55)
    "tpu.region"() ({
      %run_scoped3A = tpu.sem_alloc : memref<!tpu.dma_semaphore, #tpu.memory_space<semaphore_mem>>
      %dma_start3A_56 = arith.constant 0 : i32
      %dma_start3A_57 = tpu.memref_slice %arg6[%arg0, %mul3A_2, %dma_start3A_56] : memref<2x10240x96xbf16, #tpu.memory_space<hbm>> -> memref<1x640x96xbf16, #tpu.memory_space<hbm>>
      %dma_start3A_58 = tpu.memref_squeeze %dma_start3A_57 : memref<1x640x96xbf16, #tpu.memory_space<hbm>> -> memref<640x96xbf16, #tpu.memory_space<hbm>>
      %dma_start3A_59 = arith.constant 0 : i32
      %dma_start3A_60 = tpu.memref_slice %arg10[%mul3A_2, %dma_start3A_59] : memref<10240x96xbf16, #tpu.memory_space<vmem_shared>> -> memref<640x96xbf16, #tpu.memory_space<vmem_shared>>
      tpu.enqueue_dma source(%dma_start3A_60 : memref<640x96xbf16, #tpu.memory_space<vmem_shared>>) target(%dma_start3A_58 : memref<640x96xbf16, #tpu.memory_space<hbm>>) target_semaphore(%run_scoped3A : memref<!tpu.dma_semaphore, #tpu.memory_space<semaphore_mem>>)
      %dma_wait3A = arith.constant 0 : i32
      %dma_wait3A_61 = tpu.memref_slice %arg6[%arg0, %mul3A_2, %dma_wait3A] : memref<2x10240x96xbf16, #tpu.memory_space<hbm>> -> memref<1x640x96xbf16, #tpu.memory_space<hbm>>
      %dma_wait3A_62 = tpu.memref_squeeze %dma_wait3A_61 : memref<1x640x96xbf16, #tpu.memory_space<hbm>> -> memref<640x96xbf16, #tpu.memory_space<hbm>>
      %dma_wait3A_63 = arith.constant 0 : i32
      %dma_wait3A_64 = tpu.memref_slice %arg10[%mul3A_2, %dma_wait3A_63] : memref<10240x96xbf16, #tpu.memory_space<vmem_shared>> -> memref<640x96xbf16, #tpu.memory_space<vmem_shared>>
      tpu.wait_dma2 semaphore(%run_scoped3A : memref<!tpu.dma_semaphore, #tpu.memory_space<semaphore_mem>>) src(%dma_wait3A_64 : memref<640x96xbf16, #tpu.memory_space<vmem_shared>>) dst(%dma_wait3A_62 : memref<640x96xbf16, #tpu.memory_space<hbm>>)
      tpu.yield
    }) : () -> ()
    return
  }
}

#map = affine_map<(d0, d1) -> (0, 0, 0)>
#map1 = affine_map<(d0, d1) -> (0, 0)>
module attributes {stable_mosaic.version = 14 : i64} {
  func.func @_edge_kernel(%arg0: i32, %arg1: i32, %arg2: memref<32x80x128xi32, #tpu.memory_space<hbm>>, %arg3: memref<32x80x128xi32, #tpu.memory_space<hbm>>, %arg4: memref<10240x64xbf16, #tpu.memory_space<hbm>>, %arg5: memref<640x64xbf16, #tpu.memory_space<hbm>>, %arg6: memref<2x10240x64xbf16, #tpu.memory_space<hbm>>, %arg7: memref<80x128xi32, #tpu.memory_space<vmem>>, %arg8: memref<80x128xi32, #tpu.memory_space<vmem>>, %arg9: memref<4x128x64xbf16, #tpu.memory_space<vmem>>, %arg10: memref<10240x64xbf16, #tpu.memory_space<vmem_shared>>, %arg11: memref<!tpu.dma_semaphore, #tpu.memory_space<semaphore_mem>>, %arg12: memref<!tpu.dma_semaphore, #tpu.memory_space<semaphore_mem>>, %arg13: memref<!tpu.dma_semaphore, #tpu.memory_space<semaphore_mem>>, %arg14: memref<!tpu.dma_semaphore, #tpu.memory_space<semaphore_mem>>, %arg15: memref<!tpu.dma_semaphore, #tpu.memory_space<semaphore_mem>>) attributes {dimension_semantics = [#tpu.dimension_semantics<core_parallel>, #tpu.dimension_semantics<subcore_parallel>], iteration_bounds = array<i64: 2, 16>, scalar_prefetch = 0 : i64, scratch_operands = 9 : i64, tpu.core_type = #tpu.core_type<sc_vector_subcore>, window_params = [{transform_indices = #map}, {transform_indices = #map}, {transform_indices = #map1}, {transform_indices = #map1}, {transform_indices = #map}]} {
    %mul3A = arith.constant 16 : i32
    %mul3A_0 = arith.muli %arg0, %mul3A : i32
    %add3A = arith.addi %mul3A_0, %arg1 : i32
    %mul3A_1 = arith.constant 640 : i32
    %mul3A_2 = arith.muli %arg1, %mul3A_1 : i32
    "tpu.region"() ({
      %run_scoped3A = tpu.sem_alloc : memref<!tpu.dma_semaphore, #tpu.memory_space<semaphore_mem>>
      %dma_start3A_56 = arith.constant 0 : i32
      %dma_start3A_57 = tpu.memref_slice %arg10[%mul3A_2, %dma_start3A_56] : memref<10240x64xbf16, #tpu.memory_space<vmem_shared>> -> memref<640x64xbf16, #tpu.memory_space<vmem_shared>>
      tpu.enqueue_dma source(%arg5 : memref<640x64xbf16, #tpu.memory_space<hbm>>) target(%dma_start3A_57 : memref<640x64xbf16, #tpu.memory_space<vmem_shared>>) target_semaphore(%run_scoped3A : memref<!tpu.dma_semaphore, #tpu.memory_space<semaphore_mem>>)
      %dma_wait3A = arith.constant 0 : i32
      %dma_wait3A_58 = tpu.memref_slice %arg10[%mul3A_2, %dma_wait3A] : memref<10240x64xbf16, #tpu.memory_space<vmem_shared>> -> memref<640x64xbf16, #tpu.memory_space<vmem_shared>>
      tpu.wait_dma2 semaphore(%run_scoped3A : memref<!tpu.dma_semaphore, #tpu.memory_space<semaphore_mem>>) src(%arg5 : memref<640x64xbf16, #tpu.memory_space<hbm>>) dst(%dma_wait3A_58 : memref<640x64xbf16, #tpu.memory_space<vmem_shared>>)
      tpu.yield
    }) : () -> ()
    "tpu.region"() ({
      %run_scoped3A = tpu.sem_alloc : memref<!tpu.dma_semaphore, #tpu.memory_space<semaphore_mem>>
      %dma_start3A_56 = arith.constant 0 : i32
      %dma_start3A_57 = arith.constant 0 : i32
      %dma_start3A_58 = tpu.memref_slice %arg2[%add3A, %dma_start3A_56, %dma_start3A_57] : memref<32x80x128xi32, #tpu.memory_space<hbm>> -> memref<1x80x128xi32, #tpu.memory_space<hbm>>
      %dma_start3A_59 = tpu.memref_squeeze %dma_start3A_58 : memref<1x80x128xi32, #tpu.memory_space<hbm>> -> memref<80x128xi32, #tpu.memory_space<hbm>>
      %dma_start3A_60 = arith.constant 0 : i32
      %dma_start3A_61 = arith.constant 0 : i32
      %dma_start3A_62 = tpu.memref_slice %arg2[%add3A, %dma_start3A_60, %dma_start3A_61] : memref<32x80x128xi32, #tpu.memory_space<hbm>> -> memref<1x80x128xi32, #tpu.memory_space<hbm>>
      %dma_start3A_63 = tpu.memref_squeeze %dma_start3A_62 : memref<1x80x128xi32, #tpu.memory_space<hbm>> -> memref<80x128xi32, #tpu.memory_space<hbm>>
      tpu.enqueue_dma source(%dma_start3A_63 : memref<80x128xi32, #tpu.memory_space<hbm>>) target(%arg7 : memref<80x128xi32, #tpu.memory_space<vmem>>) target_semaphore(%run_scoped3A : memref<!tpu.dma_semaphore, #tpu.memory_space<semaphore_mem>>)
      %dma_wait3A = arith.constant 0 : i32
      %dma_wait3A_64 = arith.constant 0 : i32
      %dma_wait3A_65 = tpu.memref_slice %arg2[%add3A, %dma_wait3A, %dma_wait3A_64] : memref<32x80x128xi32, #tpu.memory_space<hbm>> -> memref<1x80x128xi32, #tpu.memory_space<hbm>>
      %dma_wait3A_66 = tpu.memref_squeeze %dma_wait3A_65 : memref<1x80x128xi32, #tpu.memory_space<hbm>> -> memref<80x128xi32, #tpu.memory_space<hbm>>
      %dma_wait3A_67 = arith.constant 0 : i32
      %dma_wait3A_68 = arith.constant 0 : i32
      %dma_wait3A_69 = tpu.memref_slice %arg2[%add3A, %dma_wait3A_67, %dma_wait3A_68] : memref<32x80x128xi32, #tpu.memory_space<hbm>> -> memref<1x80x128xi32, #tpu.memory_space<hbm>>
      %dma_wait3A_70 = tpu.memref_squeeze %dma_wait3A_69 : memref<1x80x128xi32, #tpu.memory_space<hbm>> -> memref<80x128xi32, #tpu.memory_space<hbm>>
      tpu.wait_dma2 semaphore(%run_scoped3A : memref<!tpu.dma_semaphore, #tpu.memory_space<semaphore_mem>>) src(%dma_wait3A_70 : memref<80x128xi32, #tpu.memory_space<hbm>>) dst(%arg7 : memref<80x128xi32, #tpu.memory_space<vmem>>)
      tpu.yield
    }) : () -> ()
    "tpu.region"() ({
      %run_scoped3A = tpu.sem_alloc : memref<!tpu.dma_semaphore, #tpu.memory_space<semaphore_mem>>
      %dma_start3A_56 = arith.constant 0 : i32
      %dma_start3A_57 = arith.constant 0 : i32
      %dma_start3A_58 = tpu.memref_slice %arg3[%add3A, %dma_start3A_56, %dma_start3A_57] : memref<32x80x128xi32, #tpu.memory_space<hbm>> -> memref<1x80x128xi32, #tpu.memory_space<hbm>>
      %dma_start3A_59 = tpu.memref_squeeze %dma_start3A_58 : memref<1x80x128xi32, #tpu.memory_space<hbm>> -> memref<80x128xi32, #tpu.memory_space<hbm>>
      %dma_start3A_60 = arith.constant 0 : i32
      %dma_start3A_61 = arith.constant 0 : i32
      %dma_start3A_62 = tpu.memref_slice %arg3[%add3A, %dma_start3A_60, %dma_start3A_61] : memref<32x80x128xi32, #tpu.memory_space<hbm>> -> memref<1x80x128xi32, #tpu.memory_space<hbm>>
      %dma_start3A_63 = tpu.memref_squeeze %dma_start3A_62 : memref<1x80x128xi32, #tpu.memory_space<hbm>> -> memref<80x128xi32, #tpu.memory_space<hbm>>
      tpu.enqueue_dma source(%dma_start3A_63 : memref<80x128xi32, #tpu.memory_space<hbm>>) target(%arg8 : memref<80x128xi32, #tpu.memory_space<vmem>>) target_semaphore(%run_scoped3A : memref<!tpu.dma_semaphore, #tpu.memory_space<semaphore_mem>>)
      %dma_wait3A = arith.constant 0 : i32
      %dma_wait3A_64 = arith.constant 0 : i32
      %dma_wait3A_65 = tpu.memref_slice %arg3[%add3A, %dma_wait3A, %dma_wait3A_64] : memref<32x80x128xi32, #tpu.memory_space<hbm>> -> memref<1x80x128xi32, #tpu.memory_space<hbm>>
      %dma_wait3A_66 = tpu.memref_squeeze %dma_wait3A_65 : memref<1x80x128xi32, #tpu.memory_space<hbm>> -> memref<80x128xi32, #tpu.memory_space<hbm>>
      %dma_wait3A_67 = arith.constant 0 : i32
      %dma_wait3A_68 = arith.constant 0 : i32
      %dma_wait3A_69 = tpu.memref_slice %arg3[%add3A, %dma_wait3A_67, %dma_wait3A_68] : memref<32x80x128xi32, #tpu.memory_space<hbm>> -> memref<1x80x128xi32, #tpu.memory_space<hbm>>
      %dma_wait3A_70 = tpu.memref_squeeze %dma_wait3A_69 : memref<1x80x128xi32, #tpu.memory_space<hbm>> -> memref<80x128xi32, #tpu.memory_space<hbm>>
      tpu.wait_dma2 semaphore(%run_scoped3A : memref<!tpu.dma_semaphore, #tpu.memory_space<semaphore_mem>>) src(%dma_wait3A_70 : memref<80x128xi32, #tpu.memory_space<hbm>>) dst(%arg8 : memref<80x128xi32, #tpu.memory_space<vmem>>)
      tpu.yield
    }) : () -> ()
    %barrier3A = arith.constant 0 : index
    tpu.barrier barrier_id(%barrier3A)
    %dma_start3A = arith.constant 0 : i32
    %dma_start3A_3 = arith.constant 0 : i32
    %dma_start3A_4 = arith.constant 0 : i32
    %dma_start3A_5 = arith.constant 0 : i32
    %dma_start3A_6 = tpu.memref_slice %arg9[%dma_start3A_3, %dma_start3A_4, %dma_start3A_5] : memref<4x128x64xbf16, #tpu.memory_space<vmem>> -> memref<1x128x64xbf16, #tpu.memory_space<vmem>>
    %dma_start3A_7 = tpu.memref_squeeze %dma_start3A_6 : memref<1x128x64xbf16, #tpu.memory_space<vmem>> -> memref<128x64xbf16, #tpu.memory_space<vmem>>
    %dma_start3A_8 = arith.constant 0 : i32
    %dma_start3A_9 = tpu.memref_slice %arg7[%dma_start3A, %dma_start3A_8] : memref<80x128xi32, #tpu.memory_space<vmem>> -> memref<1x128xi32, #tpu.memory_space<vmem>>
    %dma_start3A_10 = tpu.memref_squeeze %dma_start3A_9 : memref<1x128xi32, #tpu.memory_space<vmem>> -> memref<128xi32, #tpu.memory_space<vmem>>
    %dma_start3A_11 = arith.constant 0 : i32
    %dma_start3A_12 = arith.constant 0 : i32
    %dma_start3A_13 = tpu.memref_slice %arg4[%dma_start3A_11, %dma_start3A_12] : memref<10240x64xbf16, #tpu.memory_space<hbm>> -> memref<10240x64xbf16, #tpu.memory_space<hbm>>
    tpu.enqueue_indirect_dma source(%dma_start3A_13 : memref<10240x64xbf16, #tpu.memory_space<hbm>>) target(%dma_start3A_7 : memref<128x64xbf16, #tpu.memory_space<vmem>>) offsets(%dma_start3A_10 : memref<128xi32, #tpu.memory_space<vmem>>) semaphore(%arg11 : memref<!tpu.dma_semaphore, #tpu.memory_space<semaphore_mem>>)
    %dma_start3A_14 = arith.constant 1 : i32
    %dma_start3A_15 = arith.constant 1 : i32
    %dma_start3A_16 = arith.constant 0 : i32
    %dma_start3A_17 = arith.constant 0 : i32
    %dma_start3A_18 = tpu.memref_slice %arg9[%dma_start3A_15, %dma_start3A_16, %dma_start3A_17] : memref<4x128x64xbf16, #tpu.memory_space<vmem>> -> memref<1x128x64xbf16, #tpu.memory_space<vmem>>
    %dma_start3A_19 = tpu.memref_squeeze %dma_start3A_18 : memref<1x128x64xbf16, #tpu.memory_space<vmem>> -> memref<128x64xbf16, #tpu.memory_space<vmem>>
    %dma_start3A_20 = arith.constant 0 : i32
    %dma_start3A_21 = tpu.memref_slice %arg7[%dma_start3A_14, %dma_start3A_20] : memref<80x128xi32, #tpu.memory_space<vmem>> -> memref<1x128xi32, #tpu.memory_space<vmem>>
    %dma_start3A_22 = tpu.memref_squeeze %dma_start3A_21 : memref<1x128xi32, #tpu.memory_space<vmem>> -> memref<128xi32, #tpu.memory_space<vmem>>
    %dma_start3A_23 = arith.constant 0 : i32
    %dma_start3A_24 = arith.constant 0 : i32
    %dma_start3A_25 = tpu.memref_slice %arg4[%dma_start3A_23, %dma_start3A_24] : memref<10240x64xbf16, #tpu.memory_space<hbm>> -> memref<10240x64xbf16, #tpu.memory_space<hbm>>
    tpu.enqueue_indirect_dma source(%dma_start3A_25 : memref<10240x64xbf16, #tpu.memory_space<hbm>>) target(%dma_start3A_19 : memref<128x64xbf16, #tpu.memory_space<vmem>>) offsets(%dma_start3A_22 : memref<128xi32, #tpu.memory_space<vmem>>) semaphore(%arg12 : memref<!tpu.dma_semaphore, #tpu.memory_space<semaphore_mem>>)
    %dma_start3A_26 = arith.constant 2 : i32
    %dma_start3A_27 = arith.constant 2 : i32
    %dma_start3A_28 = arith.constant 0 : i32
    %dma_start3A_29 = arith.constant 0 : i32
    %dma_start3A_30 = tpu.memref_slice %arg9[%dma_start3A_27, %dma_start3A_28, %dma_start3A_29] : memref<4x128x64xbf16, #tpu.memory_space<vmem>> -> memref<1x128x64xbf16, #tpu.memory_space<vmem>>
    %dma_start3A_31 = tpu.memref_squeeze %dma_start3A_30 : memref<1x128x64xbf16, #tpu.memory_space<vmem>> -> memref<128x64xbf16, #tpu.memory_space<vmem>>
    %dma_start3A_32 = arith.constant 0 : i32
    %dma_start3A_33 = tpu.memref_slice %arg7[%dma_start3A_26, %dma_start3A_32] : memref<80x128xi32, #tpu.memory_space<vmem>> -> memref<1x128xi32, #tpu.memory_space<vmem>>
    %dma_start3A_34 = tpu.memref_squeeze %dma_start3A_33 : memref<1x128xi32, #tpu.memory_space<vmem>> -> memref<128xi32, #tpu.memory_space<vmem>>
    %dma_start3A_35 = arith.constant 0 : i32
    %dma_start3A_36 = arith.constant 0 : i32
    %dma_start3A_37 = tpu.memref_slice %arg4[%dma_start3A_35, %dma_start3A_36] : memref<10240x64xbf16, #tpu.memory_space<hbm>> -> memref<10240x64xbf16, #tpu.memory_space<hbm>>
    tpu.enqueue_indirect_dma source(%dma_start3A_37 : memref<10240x64xbf16, #tpu.memory_space<hbm>>) target(%dma_start3A_31 : memref<128x64xbf16, #tpu.memory_space<vmem>>) offsets(%dma_start3A_34 : memref<128xi32, #tpu.memory_space<vmem>>) semaphore(%arg13 : memref<!tpu.dma_semaphore, #tpu.memory_space<semaphore_mem>>)
    %dma_start3A_38 = arith.constant 3 : i32
    %dma_start3A_39 = arith.constant 3 : i32
    %dma_start3A_40 = arith.constant 0 : i32
    %dma_start3A_41 = arith.constant 0 : i32
    %dma_start3A_42 = tpu.memref_slice %arg9[%dma_start3A_39, %dma_start3A_40, %dma_start3A_41] : memref<4x128x64xbf16, #tpu.memory_space<vmem>> -> memref<1x128x64xbf16, #tpu.memory_space<vmem>>
    %dma_start3A_43 = tpu.memref_squeeze %dma_start3A_42 : memref<1x128x64xbf16, #tpu.memory_space<vmem>> -> memref<128x64xbf16, #tpu.memory_space<vmem>>
    %dma_start3A_44 = arith.constant 0 : i32
    %dma_start3A_45 = tpu.memref_slice %arg7[%dma_start3A_38, %dma_start3A_44] : memref<80x128xi32, #tpu.memory_space<vmem>> -> memref<1x128xi32, #tpu.memory_space<vmem>>
    %dma_start3A_46 = tpu.memref_squeeze %dma_start3A_45 : memref<1x128xi32, #tpu.memory_space<vmem>> -> memref<128xi32, #tpu.memory_space<vmem>>
    %dma_start3A_47 = arith.constant 0 : i32
    %dma_start3A_48 = arith.constant 0 : i32
    %dma_start3A_49 = tpu.memref_slice %arg4[%dma_start3A_47, %dma_start3A_48] : memref<10240x64xbf16, #tpu.memory_space<hbm>> -> memref<10240x64xbf16, #tpu.memory_space<hbm>>
    tpu.enqueue_indirect_dma source(%dma_start3A_49 : memref<10240x64xbf16, #tpu.memory_space<hbm>>) target(%dma_start3A_43 : memref<128x64xbf16, #tpu.memory_space<vmem>>) offsets(%dma_start3A_46 : memref<128xi32, #tpu.memory_space<vmem>>) semaphore(%arg14 : memref<!tpu.dma_semaphore, #tpu.memory_space<semaphore_mem>>)
    %scan3A = arith.constant 0 : i32
    %scan3A_50 = arith.constant 0 : i32
    %scan3A_51 = arith.constant 20 : i32
    %scan3A_52 = arith.addi %scan3A_50, %scan3A_51 : i32
    %scan3A_53 = arith.constant 1 : i32
    scf.for %scan3A_56 = %scan3A_50 to %scan3A_52 step %scan3A_53  : i32 {
      %mul3A_57 = arith.constant 4 : i32
      %mul3A_58 = arith.muli %scan3A_56, %mul3A_57 : i32
      %add3A_59 = arith.constant 0 : i32
      %add3A_60 = arith.addi %mul3A_58, %add3A_59 : i32
      %dma_wait3A = arith.constant 0 : i32
      %dma_wait3A_61 = arith.constant 0 : i32
      %dma_wait3A_62 = arith.constant 0 : i32
      %dma_wait3A_63 = tpu.memref_slice %arg9[%dma_wait3A, %dma_wait3A_61, %dma_wait3A_62] : memref<4x128x64xbf16, #tpu.memory_space<vmem>> -> memref<1x128x64xbf16, #tpu.memory_space<vmem>>
      %dma_wait3A_64 = tpu.memref_squeeze %dma_wait3A_63 : memref<1x128x64xbf16, #tpu.memory_space<vmem>> -> memref<128x64xbf16, #tpu.memory_space<vmem>>
      %dma_wait3A_65 = arith.constant 0 : i32
      %dma_wait3A_66 = tpu.memref_slice %arg7[%add3A_60, %dma_wait3A_65] : memref<80x128xi32, #tpu.memory_space<vmem>> -> memref<1x128xi32, #tpu.memory_space<vmem>>
      %dma_wait3A_67 = tpu.memref_squeeze %dma_wait3A_66 : memref<1x128xi32, #tpu.memory_space<vmem>> -> memref<128xi32, #tpu.memory_space<vmem>>
      %dma_wait3A_68 = arith.constant 0 : i32
      %dma_wait3A_69 = arith.constant 0 : i32
      %dma_wait3A_70 = tpu.memref_slice %arg4[%dma_wait3A_68, %dma_wait3A_69] : memref<10240x64xbf16, #tpu.memory_space<hbm>> -> memref<10240x64xbf16, #tpu.memory_space<hbm>>
      tpu.wait_indirect_dma semaphore(%arg11 : memref<!tpu.dma_semaphore, #tpu.memory_space<semaphore_mem>>) src(%dma_wait3A_70 : memref<10240x64xbf16, #tpu.memory_space<hbm>>) dst(%dma_wait3A_64 : memref<128x64xbf16, #tpu.memory_space<vmem>>)
      %add3A_71 = arith.constant 0 : i32
      %add3A_72 = arith.addi %mul3A_58, %add3A_71 : i32
      %dma_start3A_73 = arith.constant 0 : i32
      %dma_start3A_74 = arith.constant 0 : i32
      %dma_start3A_75 = arith.constant 0 : i32
      %dma_start3A_76 = tpu.memref_slice %arg9[%dma_start3A_73, %dma_start3A_74, %dma_start3A_75] : memref<4x128x64xbf16, #tpu.memory_space<vmem>> -> memref<1x128x64xbf16, #tpu.memory_space<vmem>>
      %dma_start3A_77 = tpu.memref_squeeze %dma_start3A_76 : memref<1x128x64xbf16, #tpu.memory_space<vmem>> -> memref<128x64xbf16, #tpu.memory_space<vmem>>
      %dma_start3A_78 = arith.constant 0 : i32
      %dma_start3A_79 = tpu.memref_slice %arg8[%add3A_72, %dma_start3A_78] : memref<80x128xi32, #tpu.memory_space<vmem>> -> memref<1x128xi32, #tpu.memory_space<vmem>>
      %dma_start3A_80 = tpu.memref_squeeze %dma_start3A_79 : memref<1x128xi32, #tpu.memory_space<vmem>> -> memref<128xi32, #tpu.memory_space<vmem>>
      %dma_start3A_81 = arith.constant 0 : i32
      %dma_start3A_82 = arith.constant 0 : i32
      %dma_start3A_83 = tpu.memref_slice %arg10[%dma_start3A_81, %dma_start3A_82] : memref<10240x64xbf16, #tpu.memory_space<vmem_shared>> -> memref<10240x64xbf16, #tpu.memory_space<vmem_shared>>
      tpu.enqueue_indirect_dma source(%dma_start3A_77 : memref<128x64xbf16, #tpu.memory_space<vmem>>) target(%dma_start3A_83 : memref<10240x64xbf16, #tpu.memory_space<vmem_shared>>) offsets(%dma_start3A_80 : memref<128xi32, #tpu.memory_space<vmem>>) semaphore(%arg15 : memref<!tpu.dma_semaphore, #tpu.memory_space<semaphore_mem>>) {add = true}
      %add3A_84 = arith.constant 1 : i32
      %add3A_85 = arith.addi %mul3A_58, %add3A_84 : i32
      %dma_wait3A_86 = arith.constant 1 : i32
      %dma_wait3A_87 = arith.constant 0 : i32
      %dma_wait3A_88 = arith.constant 0 : i32
      %dma_wait3A_89 = tpu.memref_slice %arg9[%dma_wait3A_86, %dma_wait3A_87, %dma_wait3A_88] : memref<4x128x64xbf16, #tpu.memory_space<vmem>> -> memref<1x128x64xbf16, #tpu.memory_space<vmem>>
      %dma_wait3A_90 = tpu.memref_squeeze %dma_wait3A_89 : memref<1x128x64xbf16, #tpu.memory_space<vmem>> -> memref<128x64xbf16, #tpu.memory_space<vmem>>
      %dma_wait3A_91 = arith.constant 0 : i32
      %dma_wait3A_92 = tpu.memref_slice %arg7[%add3A_85, %dma_wait3A_91] : memref<80x128xi32, #tpu.memory_space<vmem>> -> memref<1x128xi32, #tpu.memory_space<vmem>>
      %dma_wait3A_93 = tpu.memref_squeeze %dma_wait3A_92 : memref<1x128xi32, #tpu.memory_space<vmem>> -> memref<128xi32, #tpu.memory_space<vmem>>
      %dma_wait3A_94 = arith.constant 0 : i32
      %dma_wait3A_95 = arith.constant 0 : i32
      %dma_wait3A_96 = tpu.memref_slice %arg4[%dma_wait3A_94, %dma_wait3A_95] : memref<10240x64xbf16, #tpu.memory_space<hbm>> -> memref<10240x64xbf16, #tpu.memory_space<hbm>>
      tpu.wait_indirect_dma semaphore(%arg12 : memref<!tpu.dma_semaphore, #tpu.memory_space<semaphore_mem>>) src(%dma_wait3A_96 : memref<10240x64xbf16, #tpu.memory_space<hbm>>) dst(%dma_wait3A_90 : memref<128x64xbf16, #tpu.memory_space<vmem>>)
      %add3A_97 = arith.constant 1 : i32
      %add3A_98 = arith.addi %mul3A_58, %add3A_97 : i32
      %dma_start3A_99 = arith.constant 1 : i32
      %dma_start3A_100 = arith.constant 0 : i32
      %dma_start3A_101 = arith.constant 0 : i32
      %dma_start3A_102 = tpu.memref_slice %arg9[%dma_start3A_99, %dma_start3A_100, %dma_start3A_101] : memref<4x128x64xbf16, #tpu.memory_space<vmem>> -> memref<1x128x64xbf16, #tpu.memory_space<vmem>>
      %dma_start3A_103 = tpu.memref_squeeze %dma_start3A_102 : memref<1x128x64xbf16, #tpu.memory_space<vmem>> -> memref<128x64xbf16, #tpu.memory_space<vmem>>
      %dma_start3A_104 = arith.constant 0 : i32
      %dma_start3A_105 = tpu.memref_slice %arg8[%add3A_98, %dma_start3A_104] : memref<80x128xi32, #tpu.memory_space<vmem>> -> memref<1x128xi32, #tpu.memory_space<vmem>>
      %dma_start3A_106 = tpu.memref_squeeze %dma_start3A_105 : memref<1x128xi32, #tpu.memory_space<vmem>> -> memref<128xi32, #tpu.memory_space<vmem>>
      %dma_start3A_107 = arith.constant 0 : i32
      %dma_start3A_108 = arith.constant 0 : i32
      %dma_start3A_109 = tpu.memref_slice %arg10[%dma_start3A_107, %dma_start3A_108] : memref<10240x64xbf16, #tpu.memory_space<vmem_shared>> -> memref<10240x64xbf16, #tpu.memory_space<vmem_shared>>
      tpu.enqueue_indirect_dma source(%dma_start3A_103 : memref<128x64xbf16, #tpu.memory_space<vmem>>) target(%dma_start3A_109 : memref<10240x64xbf16, #tpu.memory_space<vmem_shared>>) offsets(%dma_start3A_106 : memref<128xi32, #tpu.memory_space<vmem>>) semaphore(%arg15 : memref<!tpu.dma_semaphore, #tpu.memory_space<semaphore_mem>>) {add = true}
      %add3A_110 = arith.constant 2 : i32
      %add3A_111 = arith.addi %mul3A_58, %add3A_110 : i32
      %dma_wait3A_112 = arith.constant 2 : i32
      %dma_wait3A_113 = arith.constant 0 : i32
      %dma_wait3A_114 = arith.constant 0 : i32
      %dma_wait3A_115 = tpu.memref_slice %arg9[%dma_wait3A_112, %dma_wait3A_113, %dma_wait3A_114] : memref<4x128x64xbf16, #tpu.memory_space<vmem>> -> memref<1x128x64xbf16, #tpu.memory_space<vmem>>
      %dma_wait3A_116 = tpu.memref_squeeze %dma_wait3A_115 : memref<1x128x64xbf16, #tpu.memory_space<vmem>> -> memref<128x64xbf16, #tpu.memory_space<vmem>>
      %dma_wait3A_117 = arith.constant 0 : i32
      %dma_wait3A_118 = tpu.memref_slice %arg7[%add3A_111, %dma_wait3A_117] : memref<80x128xi32, #tpu.memory_space<vmem>> -> memref<1x128xi32, #tpu.memory_space<vmem>>
      %dma_wait3A_119 = tpu.memref_squeeze %dma_wait3A_118 : memref<1x128xi32, #tpu.memory_space<vmem>> -> memref<128xi32, #tpu.memory_space<vmem>>
      %dma_wait3A_120 = arith.constant 0 : i32
      %dma_wait3A_121 = arith.constant 0 : i32
      %dma_wait3A_122 = tpu.memref_slice %arg4[%dma_wait3A_120, %dma_wait3A_121] : memref<10240x64xbf16, #tpu.memory_space<hbm>> -> memref<10240x64xbf16, #tpu.memory_space<hbm>>
      tpu.wait_indirect_dma semaphore(%arg13 : memref<!tpu.dma_semaphore, #tpu.memory_space<semaphore_mem>>) src(%dma_wait3A_122 : memref<10240x64xbf16, #tpu.memory_space<hbm>>) dst(%dma_wait3A_116 : memref<128x64xbf16, #tpu.memory_space<vmem>>)
      %add3A_123 = arith.constant 2 : i32
      %add3A_124 = arith.addi %mul3A_58, %add3A_123 : i32
      %dma_start3A_125 = arith.constant 2 : i32
      %dma_start3A_126 = arith.constant 0 : i32
      %dma_start3A_127 = arith.constant 0 : i32
      %dma_start3A_128 = tpu.memref_slice %arg9[%dma_start3A_125, %dma_start3A_126, %dma_start3A_127] : memref<4x128x64xbf16, #tpu.memory_space<vmem>> -> memref<1x128x64xbf16, #tpu.memory_space<vmem>>
      %dma_start3A_129 = tpu.memref_squeeze %dma_start3A_128 : memref<1x128x64xbf16, #tpu.memory_space<vmem>> -> memref<128x64xbf16, #tpu.memory_space<vmem>>
      %dma_start3A_130 = arith.constant 0 : i32
      %dma_start3A_131 = tpu.memref_slice %arg8[%add3A_124, %dma_start3A_130] : memref<80x128xi32, #tpu.memory_space<vmem>> -> memref<1x128xi32, #tpu.memory_space<vmem>>
      %dma_start3A_132 = tpu.memref_squeeze %dma_start3A_131 : memref<1x128xi32, #tpu.memory_space<vmem>> -> memref<128xi32, #tpu.memory_space<vmem>>
      %dma_start3A_133 = arith.constant 0 : i32
      %dma_start3A_134 = arith.constant 0 : i32
      %dma_start3A_135 = tpu.memref_slice %arg10[%dma_start3A_133, %dma_start3A_134] : memref<10240x64xbf16, #tpu.memory_space<vmem_shared>> -> memref<10240x64xbf16, #tpu.memory_space<vmem_shared>>
      tpu.enqueue_indirect_dma source(%dma_start3A_129 : memref<128x64xbf16, #tpu.memory_space<vmem>>) target(%dma_start3A_135 : memref<10240x64xbf16, #tpu.memory_space<vmem_shared>>) offsets(%dma_start3A_132 : memref<128xi32, #tpu.memory_space<vmem>>) semaphore(%arg15 : memref<!tpu.dma_semaphore, #tpu.memory_space<semaphore_mem>>) {add = true}
      %add3A_136 = arith.constant 3 : i32
      %add3A_137 = arith.addi %mul3A_58, %add3A_136 : i32
      %dma_wait3A_138 = arith.constant 3 : i32
      %dma_wait3A_139 = arith.constant 0 : i32
      %dma_wait3A_140 = arith.constant 0 : i32
      %dma_wait3A_141 = tpu.memref_slice %arg9[%dma_wait3A_138, %dma_wait3A_139, %dma_wait3A_140] : memref<4x128x64xbf16, #tpu.memory_space<vmem>> -> memref<1x128x64xbf16, #tpu.memory_space<vmem>>
      %dma_wait3A_142 = tpu.memref_squeeze %dma_wait3A_141 : memref<1x128x64xbf16, #tpu.memory_space<vmem>> -> memref<128x64xbf16, #tpu.memory_space<vmem>>
      %dma_wait3A_143 = arith.constant 0 : i32
      %dma_wait3A_144 = tpu.memref_slice %arg7[%add3A_137, %dma_wait3A_143] : memref<80x128xi32, #tpu.memory_space<vmem>> -> memref<1x128xi32, #tpu.memory_space<vmem>>
      %dma_wait3A_145 = tpu.memref_squeeze %dma_wait3A_144 : memref<1x128xi32, #tpu.memory_space<vmem>> -> memref<128xi32, #tpu.memory_space<vmem>>
      %dma_wait3A_146 = arith.constant 0 : i32
      %dma_wait3A_147 = arith.constant 0 : i32
      %dma_wait3A_148 = tpu.memref_slice %arg4[%dma_wait3A_146, %dma_wait3A_147] : memref<10240x64xbf16, #tpu.memory_space<hbm>> -> memref<10240x64xbf16, #tpu.memory_space<hbm>>
      tpu.wait_indirect_dma semaphore(%arg14 : memref<!tpu.dma_semaphore, #tpu.memory_space<semaphore_mem>>) src(%dma_wait3A_148 : memref<10240x64xbf16, #tpu.memory_space<hbm>>) dst(%dma_wait3A_142 : memref<128x64xbf16, #tpu.memory_space<vmem>>)
      %add3A_149 = arith.constant 3 : i32
      %add3A_150 = arith.addi %mul3A_58, %add3A_149 : i32
      %dma_start3A_151 = arith.constant 3 : i32
      %dma_start3A_152 = arith.constant 0 : i32
      %dma_start3A_153 = arith.constant 0 : i32
      %dma_start3A_154 = tpu.memref_slice %arg9[%dma_start3A_151, %dma_start3A_152, %dma_start3A_153] : memref<4x128x64xbf16, #tpu.memory_space<vmem>> -> memref<1x128x64xbf16, #tpu.memory_space<vmem>>
      %dma_start3A_155 = tpu.memref_squeeze %dma_start3A_154 : memref<1x128x64xbf16, #tpu.memory_space<vmem>> -> memref<128x64xbf16, #tpu.memory_space<vmem>>
      %dma_start3A_156 = arith.constant 0 : i32
      %dma_start3A_157 = tpu.memref_slice %arg8[%add3A_150, %dma_start3A_156] : memref<80x128xi32, #tpu.memory_space<vmem>> -> memref<1x128xi32, #tpu.memory_space<vmem>>
      %dma_start3A_158 = tpu.memref_squeeze %dma_start3A_157 : memref<1x128xi32, #tpu.memory_space<vmem>> -> memref<128xi32, #tpu.memory_space<vmem>>
      %dma_start3A_159 = arith.constant 0 : i32
      %dma_start3A_160 = arith.constant 0 : i32
      %dma_start3A_161 = tpu.memref_slice %arg10[%dma_start3A_159, %dma_start3A_160] : memref<10240x64xbf16, #tpu.memory_space<vmem_shared>> -> memref<10240x64xbf16, #tpu.memory_space<vmem_shared>>
      tpu.enqueue_indirect_dma source(%dma_start3A_155 : memref<128x64xbf16, #tpu.memory_space<vmem>>) target(%dma_start3A_161 : memref<10240x64xbf16, #tpu.memory_space<vmem_shared>>) offsets(%dma_start3A_158 : memref<128xi32, #tpu.memory_space<vmem>>) semaphore(%arg15 : memref<!tpu.dma_semaphore, #tpu.memory_space<semaphore_mem>>) {add = true}
      %dma_wait3A_162 = arith.constant 0 : i32
      %dma_wait3A_163 = arith.constant 0 : i32
      %dma_wait3A_164 = arith.constant 0 : i32
      %dma_wait3A_165 = arith.constant 0 : i32
      %dma_wait3A_166 = tpu.memref_slice %arg9[%dma_wait3A_162, %dma_wait3A_164, %dma_wait3A_165] : memref<4x128x64xbf16, #tpu.memory_space<vmem>> -> memref<1x128x64xbf16, #tpu.memory_space<vmem>>
      %dma_wait3A_167 = tpu.memref_squeeze %dma_wait3A_166 : memref<1x128x64xbf16, #tpu.memory_space<vmem>> -> memref<128x64xbf16, #tpu.memory_space<vmem>>
      %dma_wait3A_168 = arith.constant 0 : i32
      %dma_wait3A_169 = tpu.memref_slice %arg8[%dma_wait3A_163, %dma_wait3A_168] : memref<80x128xi32, #tpu.memory_space<vmem>> -> memref<1x128xi32, #tpu.memory_space<vmem>>
      %dma_wait3A_170 = tpu.memref_squeeze %dma_wait3A_169 : memref<1x128xi32, #tpu.memory_space<vmem>> -> memref<128xi32, #tpu.memory_space<vmem>>
      %dma_wait3A_171 = arith.constant 0 : i32
      %dma_wait3A_172 = arith.constant 0 : i32
      %dma_wait3A_173 = tpu.memref_slice %arg10[%dma_wait3A_171, %dma_wait3A_172] : memref<10240x64xbf16, #tpu.memory_space<vmem_shared>> -> memref<10240x64xbf16, #tpu.memory_space<vmem_shared>>
      tpu.wait_indirect_dma semaphore(%arg15 : memref<!tpu.dma_semaphore, #tpu.memory_space<semaphore_mem>>) src(%dma_wait3A_167 : memref<128x64xbf16, #tpu.memory_space<vmem>>) dst(%dma_wait3A_173 : memref<10240x64xbf16, #tpu.memory_space<vmem_shared>>)
      %add3A_174 = arith.constant 4 : i32
      %add3A_175 = arith.addi %mul3A_58, %add3A_174 : i32
      %add3A_176 = arith.constant 0 : i32
      %add3A_177 = arith.addi %add3A_175, %add3A_176 : i32
      %lt3A = arith.constant 80 : i32
      %lt3A_178 = arith.cmpi slt, %add3A_177, %lt3A : i32
      %convert_element_type3A = arith.extui %lt3A_178 : i1 to i32
      %cond3A = arith.constant 0 : i32
      %cond3A_179 = arith.cmpi ne, %convert_element_type3A, %cond3A : i32
      scf.if %cond3A_179 {
        %add3A_243 = arith.constant 4 : i32
        %add3A_244 = arith.addi %mul3A_58, %add3A_243 : i32
        %add3A_245 = arith.constant 0 : i32
        %add3A_246 = arith.addi %add3A_244, %add3A_245 : i32
        %dma_start3A_247 = arith.constant 0 : i32
        %dma_start3A_248 = arith.constant 0 : i32
        %dma_start3A_249 = arith.constant 0 : i32
        %dma_start3A_250 = tpu.memref_slice %arg9[%dma_start3A_247, %dma_start3A_248, %dma_start3A_249] : memref<4x128x64xbf16, #tpu.memory_space<vmem>> -> memref<1x128x64xbf16, #tpu.memory_space<vmem>>
        %dma_start3A_251 = tpu.memref_squeeze %dma_start3A_250 : memref<1x128x64xbf16, #tpu.memory_space<vmem>> -> memref<128x64xbf16, #tpu.memory_space<vmem>>
        %dma_start3A_252 = arith.constant 0 : i32
        %dma_start3A_253 = tpu.memref_slice %arg7[%add3A_246, %dma_start3A_252] : memref<80x128xi32, #tpu.memory_space<vmem>> -> memref<1x128xi32, #tpu.memory_space<vmem>>
        %dma_start3A_254 = tpu.memref_squeeze %dma_start3A_253 : memref<1x128xi32, #tpu.memory_space<vmem>> -> memref<128xi32, #tpu.memory_space<vmem>>
        %dma_start3A_255 = arith.constant 0 : i32
        %dma_start3A_256 = arith.constant 0 : i32
        %dma_start3A_257 = tpu.memref_slice %arg4[%dma_start3A_255, %dma_start3A_256] : memref<10240x64xbf16, #tpu.memory_space<hbm>> -> memref<10240x64xbf16, #tpu.memory_space<hbm>>
        tpu.enqueue_indirect_dma source(%dma_start3A_257 : memref<10240x64xbf16, #tpu.memory_space<hbm>>) target(%dma_start3A_251 : memref<128x64xbf16, #tpu.memory_space<vmem>>) offsets(%dma_start3A_254 : memref<128xi32, #tpu.memory_space<vmem>>) semaphore(%arg11 : memref<!tpu.dma_semaphore, #tpu.memory_space<semaphore_mem>>)
      } else {
      }
      %dma_wait3A_180 = arith.constant 1 : i32
      %dma_wait3A_181 = arith.constant 0 : i32
      %dma_wait3A_182 = arith.constant 0 : i32
      %dma_wait3A_183 = arith.constant 0 : i32
      %dma_wait3A_184 = tpu.memref_slice %arg9[%dma_wait3A_180, %dma_wait3A_182, %dma_wait3A_183] : memref<4x128x64xbf16, #tpu.memory_space<vmem>> -> memref<1x128x64xbf16, #tpu.memory_space<vmem>>
      %dma_wait3A_185 = tpu.memref_squeeze %dma_wait3A_184 : memref<1x128x64xbf16, #tpu.memory_space<vmem>> -> memref<128x64xbf16, #tpu.memory_space<vmem>>
      %dma_wait3A_186 = arith.constant 0 : i32
      %dma_wait3A_187 = tpu.memref_slice %arg8[%dma_wait3A_181, %dma_wait3A_186] : memref<80x128xi32, #tpu.memory_space<vmem>> -> memref<1x128xi32, #tpu.memory_space<vmem>>
      %dma_wait3A_188 = tpu.memref_squeeze %dma_wait3A_187 : memref<1x128xi32, #tpu.memory_space<vmem>> -> memref<128xi32, #tpu.memory_space<vmem>>
      %dma_wait3A_189 = arith.constant 0 : i32
      %dma_wait3A_190 = arith.constant 0 : i32
      %dma_wait3A_191 = tpu.memref_slice %arg10[%dma_wait3A_189, %dma_wait3A_190] : memref<10240x64xbf16, #tpu.memory_space<vmem_shared>> -> memref<10240x64xbf16, #tpu.memory_space<vmem_shared>>
      tpu.wait_indirect_dma semaphore(%arg15 : memref<!tpu.dma_semaphore, #tpu.memory_space<semaphore_mem>>) src(%dma_wait3A_185 : memref<128x64xbf16, #tpu.memory_space<vmem>>) dst(%dma_wait3A_191 : memref<10240x64xbf16, #tpu.memory_space<vmem_shared>>)
      %add3A_192 = arith.constant 4 : i32
      %add3A_193 = arith.addi %mul3A_58, %add3A_192 : i32
      %add3A_194 = arith.constant 1 : i32
      %add3A_195 = arith.addi %add3A_193, %add3A_194 : i32
      %lt3A_196 = arith.constant 80 : i32
      %lt3A_197 = arith.cmpi slt, %add3A_195, %lt3A_196 : i32
      %convert_element_type3A_198 = arith.extui %lt3A_197 : i1 to i32
      %cond3A_199 = arith.constant 0 : i32
      %cond3A_200 = arith.cmpi ne, %convert_element_type3A_198, %cond3A_199 : i32
      scf.if %cond3A_200 {
        %add3A_243 = arith.constant 4 : i32
        %add3A_244 = arith.addi %mul3A_58, %add3A_243 : i32
        %add3A_245 = arith.constant 1 : i32
        %add3A_246 = arith.addi %add3A_244, %add3A_245 : i32
        %dma_start3A_247 = arith.constant 1 : i32
        %dma_start3A_248 = arith.constant 0 : i32
        %dma_start3A_249 = arith.constant 0 : i32
        %dma_start3A_250 = tpu.memref_slice %arg9[%dma_start3A_247, %dma_start3A_248, %dma_start3A_249] : memref<4x128x64xbf16, #tpu.memory_space<vmem>> -> memref<1x128x64xbf16, #tpu.memory_space<vmem>>
        %dma_start3A_251 = tpu.memref_squeeze %dma_start3A_250 : memref<1x128x64xbf16, #tpu.memory_space<vmem>> -> memref<128x64xbf16, #tpu.memory_space<vmem>>
        %dma_start3A_252 = arith.constant 0 : i32
        %dma_start3A_253 = tpu.memref_slice %arg7[%add3A_246, %dma_start3A_252] : memref<80x128xi32, #tpu.memory_space<vmem>> -> memref<1x128xi32, #tpu.memory_space<vmem>>
        %dma_start3A_254 = tpu.memref_squeeze %dma_start3A_253 : memref<1x128xi32, #tpu.memory_space<vmem>> -> memref<128xi32, #tpu.memory_space<vmem>>
        %dma_start3A_255 = arith.constant 0 : i32
        %dma_start3A_256 = arith.constant 0 : i32
        %dma_start3A_257 = tpu.memref_slice %arg4[%dma_start3A_255, %dma_start3A_256] : memref<10240x64xbf16, #tpu.memory_space<hbm>> -> memref<10240x64xbf16, #tpu.memory_space<hbm>>
        tpu.enqueue_indirect_dma source(%dma_start3A_257 : memref<10240x64xbf16, #tpu.memory_space<hbm>>) target(%dma_start3A_251 : memref<128x64xbf16, #tpu.memory_space<vmem>>) offsets(%dma_start3A_254 : memref<128xi32, #tpu.memory_space<vmem>>) semaphore(%arg12 : memref<!tpu.dma_semaphore, #tpu.memory_space<semaphore_mem>>)
      } else {
      }
      %dma_wait3A_201 = arith.constant 2 : i32
      %dma_wait3A_202 = arith.constant 0 : i32
      %dma_wait3A_203 = arith.constant 0 : i32
      %dma_wait3A_204 = arith.constant 0 : i32
      %dma_wait3A_205 = tpu.memref_slice %arg9[%dma_wait3A_201, %dma_wait3A_203, %dma_wait3A_204] : memref<4x128x64xbf16, #tpu.memory_space<vmem>> -> memref<1x128x64xbf16, #tpu.memory_space<vmem>>
      %dma_wait3A_206 = tpu.memref_squeeze %dma_wait3A_205 : memref<1x128x64xbf16, #tpu.memory_space<vmem>> -> memref<128x64xbf16, #tpu.memory_space<vmem>>
      %dma_wait3A_207 = arith.constant 0 : i32
      %dma_wait3A_208 = tpu.memref_slice %arg8[%dma_wait3A_202, %dma_wait3A_207] : memref<80x128xi32, #tpu.memory_space<vmem>> -> memref<1x128xi32, #tpu.memory_space<vmem>>
      %dma_wait3A_209 = tpu.memref_squeeze %dma_wait3A_208 : memref<1x128xi32, #tpu.memory_space<vmem>> -> memref<128xi32, #tpu.memory_space<vmem>>
      %dma_wait3A_210 = arith.constant 0 : i32
      %dma_wait3A_211 = arith.constant 0 : i32
      %dma_wait3A_212 = tpu.memref_slice %arg10[%dma_wait3A_210, %dma_wait3A_211] : memref<10240x64xbf16, #tpu.memory_space<vmem_shared>> -> memref<10240x64xbf16, #tpu.memory_space<vmem_shared>>
      tpu.wait_indirect_dma semaphore(%arg15 : memref<!tpu.dma_semaphore, #tpu.memory_space<semaphore_mem>>) src(%dma_wait3A_206 : memref<128x64xbf16, #tpu.memory_space<vmem>>) dst(%dma_wait3A_212 : memref<10240x64xbf16, #tpu.memory_space<vmem_shared>>)
      %add3A_213 = arith.constant 4 : i32
      %add3A_214 = arith.addi %mul3A_58, %add3A_213 : i32
      %add3A_215 = arith.constant 2 : i32
      %add3A_216 = arith.addi %add3A_214, %add3A_215 : i32
      %lt3A_217 = arith.constant 80 : i32
      %lt3A_218 = arith.cmpi slt, %add3A_216, %lt3A_217 : i32
      %convert_element_type3A_219 = arith.extui %lt3A_218 : i1 to i32
      %cond3A_220 = arith.constant 0 : i32
      %cond3A_221 = arith.cmpi ne, %convert_element_type3A_219, %cond3A_220 : i32
      scf.if %cond3A_221 {
        %add3A_243 = arith.constant 4 : i32
        %add3A_244 = arith.addi %mul3A_58, %add3A_243 : i32
        %add3A_245 = arith.constant 2 : i32
        %add3A_246 = arith.addi %add3A_244, %add3A_245 : i32
        %dma_start3A_247 = arith.constant 2 : i32
        %dma_start3A_248 = arith.constant 0 : i32
        %dma_start3A_249 = arith.constant 0 : i32
        %dma_start3A_250 = tpu.memref_slice %arg9[%dma_start3A_247, %dma_start3A_248, %dma_start3A_249] : memref<4x128x64xbf16, #tpu.memory_space<vmem>> -> memref<1x128x64xbf16, #tpu.memory_space<vmem>>
        %dma_start3A_251 = tpu.memref_squeeze %dma_start3A_250 : memref<1x128x64xbf16, #tpu.memory_space<vmem>> -> memref<128x64xbf16, #tpu.memory_space<vmem>>
        %dma_start3A_252 = arith.constant 0 : i32
        %dma_start3A_253 = tpu.memref_slice %arg7[%add3A_246, %dma_start3A_252] : memref<80x128xi32, #tpu.memory_space<vmem>> -> memref<1x128xi32, #tpu.memory_space<vmem>>
        %dma_start3A_254 = tpu.memref_squeeze %dma_start3A_253 : memref<1x128xi32, #tpu.memory_space<vmem>> -> memref<128xi32, #tpu.memory_space<vmem>>
        %dma_start3A_255 = arith.constant 0 : i32
        %dma_start3A_256 = arith.constant 0 : i32
        %dma_start3A_257 = tpu.memref_slice %arg4[%dma_start3A_255, %dma_start3A_256] : memref<10240x64xbf16, #tpu.memory_space<hbm>> -> memref<10240x64xbf16, #tpu.memory_space<hbm>>
        tpu.enqueue_indirect_dma source(%dma_start3A_257 : memref<10240x64xbf16, #tpu.memory_space<hbm>>) target(%dma_start3A_251 : memref<128x64xbf16, #tpu.memory_space<vmem>>) offsets(%dma_start3A_254 : memref<128xi32, #tpu.memory_space<vmem>>) semaphore(%arg13 : memref<!tpu.dma_semaphore, #tpu.memory_space<semaphore_mem>>)
      } else {
      }
      %dma_wait3A_222 = arith.constant 3 : i32
      %dma_wait3A_223 = arith.constant 0 : i32
      %dma_wait3A_224 = arith.constant 0 : i32
      %dma_wait3A_225 = arith.constant 0 : i32
      %dma_wait3A_226 = tpu.memref_slice %arg9[%dma_wait3A_222, %dma_wait3A_224, %dma_wait3A_225] : memref<4x128x64xbf16, #tpu.memory_space<vmem>> -> memref<1x128x64xbf16, #tpu.memory_space<vmem>>
      %dma_wait3A_227 = tpu.memref_squeeze %dma_wait3A_226 : memref<1x128x64xbf16, #tpu.memory_space<vmem>> -> memref<128x64xbf16, #tpu.memory_space<vmem>>
      %dma_wait3A_228 = arith.constant 0 : i32
      %dma_wait3A_229 = tpu.memref_slice %arg8[%dma_wait3A_223, %dma_wait3A_228] : memref<80x128xi32, #tpu.memory_space<vmem>> -> memref<1x128xi32, #tpu.memory_space<vmem>>
      %dma_wait3A_230 = tpu.memref_squeeze %dma_wait3A_229 : memref<1x128xi32, #tpu.memory_space<vmem>> -> memref<128xi32, #tpu.memory_space<vmem>>
      %dma_wait3A_231 = arith.constant 0 : i32
      %dma_wait3A_232 = arith.constant 0 : i32
      %dma_wait3A_233 = tpu.memref_slice %arg10[%dma_wait3A_231, %dma_wait3A_232] : memref<10240x64xbf16, #tpu.memory_space<vmem_shared>> -> memref<10240x64xbf16, #tpu.memory_space<vmem_shared>>
      tpu.wait_indirect_dma semaphore(%arg15 : memref<!tpu.dma_semaphore, #tpu.memory_space<semaphore_mem>>) src(%dma_wait3A_227 : memref<128x64xbf16, #tpu.memory_space<vmem>>) dst(%dma_wait3A_233 : memref<10240x64xbf16, #tpu.memory_space<vmem_shared>>)
      %add3A_234 = arith.constant 4 : i32
      %add3A_235 = arith.addi %mul3A_58, %add3A_234 : i32
      %add3A_236 = arith.constant 3 : i32
      %add3A_237 = arith.addi %add3A_235, %add3A_236 : i32
      %lt3A_238 = arith.constant 80 : i32
      %lt3A_239 = arith.cmpi slt, %add3A_237, %lt3A_238 : i32
      %convert_element_type3A_240 = arith.extui %lt3A_239 : i1 to i32
      %cond3A_241 = arith.constant 0 : i32
      %cond3A_242 = arith.cmpi ne, %convert_element_type3A_240, %cond3A_241 : i32
      scf.if %cond3A_242 {
        %add3A_243 = arith.constant 4 : i32
        %add3A_244 = arith.addi %mul3A_58, %add3A_243 : i32
        %add3A_245 = arith.constant 3 : i32
        %add3A_246 = arith.addi %add3A_244, %add3A_245 : i32
        %dma_start3A_247 = arith.constant 3 : i32
        %dma_start3A_248 = arith.constant 0 : i32
        %dma_start3A_249 = arith.constant 0 : i32
        %dma_start3A_250 = tpu.memref_slice %arg9[%dma_start3A_247, %dma_start3A_248, %dma_start3A_249] : memref<4x128x64xbf16, #tpu.memory_space<vmem>> -> memref<1x128x64xbf16, #tpu.memory_space<vmem>>
        %dma_start3A_251 = tpu.memref_squeeze %dma_start3A_250 : memref<1x128x64xbf16, #tpu.memory_space<vmem>> -> memref<128x64xbf16, #tpu.memory_space<vmem>>
        %dma_start3A_252 = arith.constant 0 : i32
        %dma_start3A_253 = tpu.memref_slice %arg7[%add3A_246, %dma_start3A_252] : memref<80x128xi32, #tpu.memory_space<vmem>> -> memref<1x128xi32, #tpu.memory_space<vmem>>
        %dma_start3A_254 = tpu.memref_squeeze %dma_start3A_253 : memref<1x128xi32, #tpu.memory_space<vmem>> -> memref<128xi32, #tpu.memory_space<vmem>>
        %dma_start3A_255 = arith.constant 0 : i32
        %dma_start3A_256 = arith.constant 0 : i32
        %dma_start3A_257 = tpu.memref_slice %arg4[%dma_start3A_255, %dma_start3A_256] : memref<10240x64xbf16, #tpu.memory_space<hbm>> -> memref<10240x64xbf16, #tpu.memory_space<hbm>>
        tpu.enqueue_indirect_dma source(%dma_start3A_257 : memref<10240x64xbf16, #tpu.memory_space<hbm>>) target(%dma_start3A_251 : memref<128x64xbf16, #tpu.memory_space<vmem>>) offsets(%dma_start3A_254 : memref<128xi32, #tpu.memory_space<vmem>>) semaphore(%arg14 : memref<!tpu.dma_semaphore, #tpu.memory_space<semaphore_mem>>)
      } else {
      }
    }
    %scan3A_54 = arith.constant 20 : i32
    %barrier3A_55 = arith.constant 0 : index
    tpu.barrier barrier_id(%barrier3A_55)
    "tpu.region"() ({
      %run_scoped3A = tpu.sem_alloc : memref<!tpu.dma_semaphore, #tpu.memory_space<semaphore_mem>>
      %dma_start3A_56 = arith.constant 0 : i32
      %dma_start3A_57 = tpu.memref_slice %arg6[%arg0, %mul3A_2, %dma_start3A_56] : memref<2x10240x64xbf16, #tpu.memory_space<hbm>> -> memref<1x640x64xbf16, #tpu.memory_space<hbm>>
      %dma_start3A_58 = tpu.memref_squeeze %dma_start3A_57 : memref<1x640x64xbf16, #tpu.memory_space<hbm>> -> memref<640x64xbf16, #tpu.memory_space<hbm>>
      %dma_start3A_59 = arith.constant 0 : i32
      %dma_start3A_60 = tpu.memref_slice %arg10[%mul3A_2, %dma_start3A_59] : memref<10240x64xbf16, #tpu.memory_space<vmem_shared>> -> memref<640x64xbf16, #tpu.memory_space<vmem_shared>>
      tpu.enqueue_dma source(%dma_start3A_60 : memref<640x64xbf16, #tpu.memory_space<vmem_shared>>) target(%dma_start3A_58 : memref<640x64xbf16, #tpu.memory_space<hbm>>) target_semaphore(%run_scoped3A : memref<!tpu.dma_semaphore, #tpu.memory_space<semaphore_mem>>)
      %dma_wait3A = arith.constant 0 : i32
      %dma_wait3A_61 = tpu.memref_slice %arg6[%arg0, %mul3A_2, %dma_wait3A] : memref<2x10240x64xbf16, #tpu.memory_space<hbm>> -> memref<1x640x64xbf16, #tpu.memory_space<hbm>>
      %dma_wait3A_62 = tpu.memref_squeeze %dma_wait3A_61 : memref<1x640x64xbf16, #tpu.memory_space<hbm>> -> memref<640x64xbf16, #tpu.memory_space<hbm>>
      %dma_wait3A_63 = arith.constant 0 : i32
      %dma_wait3A_64 = tpu.memref_slice %arg10[%mul3A_2, %dma_wait3A_63] : memref<10240x64xbf16, #tpu.memory_space<vmem_shared>> -> memref<640x64xbf16, #tpu.memory_space<vmem_shared>>
      tpu.wait_dma2 semaphore(%run_scoped3A : memref<!tpu.dma_semaphore, #tpu.memory_space<semaphore_mem>>) src(%dma_wait3A_64 : memref<640x64xbf16, #tpu.memory_space<vmem_shared>>) dst(%dma_wait3A_62 : memref<640x64xbf16, #tpu.memory_space<hbm>>)
      tpu.yield
    }) : () -> ()
    return
  }
}

module attributes {stable_mosaic.version = 14 : i64} {
  func.func @_b_body(%arg0: memref<10000x128xf32, #tpu.memory_space<vmem>>, %arg1: memref<128x96xf32, #tpu.memory_space<vmem>>, %arg2: memref<2x10240x16xf32, #tpu.memory_space<vmem>>, %arg3: memref<10240x96xbf16, #tpu.memory_space<vmem>>) attributes {dimension_semantics = [], scalar_prefetch = 0 : i64, scratch_operands = 0 : i64, tpu.core_type = #tpu.core_type<tc>} {
    %get3A = arith.constant 0 : index
    %get3A_0 = arith.constant 0 : index
    %get3A_1 = arith.constant 0 : index
    %get3A_2 = vector.load %arg2[%get3A, %get3A_0, %get3A_1] : memref<2x10240x16xf32, #tpu.memory_space<vmem>>, vector<1x10240x1xf32>
    %get3A_3 = vector.shape_cast %get3A_2 : vector<1x10240x1xf32> to vector<10240x1xf32>
    %get3A_4 = arith.constant 1 : index
    %get3A_5 = arith.constant 0 : index
    %get3A_6 = arith.constant 0 : index
    %get3A_7 = vector.load %arg2[%get3A_4, %get3A_5, %get3A_6] : memref<2x10240x16xf32, #tpu.memory_space<vmem>>, vector<1x10240x1xf32>
    %get3A_8 = vector.shape_cast %get3A_7 : vector<1x10240x1xf32> to vector<10240x1xf32>
    %add3A = arith.addf %get3A_3, %get3A_8 : vector<10240x1xf32>
    %add3A_9 = arith.constant 1.000000e+00 : f32
    %add3A_10 = vector.broadcast %add3A_9 : f32 to vector<10240x1xf32>
    %add3A_11 = arith.addf %add3A, %add3A_10 : vector<10240x1xf32>
    %rsqrt3A = math.rsqrt %add3A_11 : vector<10240x1xf32>
    %get3A_12 = arith.constant 0 : index
    %get3A_13 = arith.constant 0 : index
    %get3A_14 = vector.load %arg0[%get3A_12, %get3A_13] : memref<10000x128xf32, #tpu.memory_space<vmem>>, vector<10000x128xf32>
    %get3A_15 = arith.constant 0 : index
    %get3A_16 = arith.constant 0 : index
    %get3A_17 = vector.load %arg1[%get3A_15, %get3A_16] : memref<128x96xf32, #tpu.memory_space<vmem>>, vector<128x96xf32>
    %dot_general3A = arith.constant dense<0.000000e+00> : vector<10000x96xf32>
    %dot_general3A_18 = tpu.matmul %get3A_14, %get3A_17, %dot_general3A {dimension_numbers = #tpu.dot_dimension_numbers<[1], [0], [0], [1], [0, 0, 1, 1], [], []>, precision = #tpu.contract_precision<fp32>, transpose_lhs_hint = false} : vector<10000x128xf32>, vector<128x96xf32>, vector<10000x96xf32> -> vector<10000x96xf32>
    %slice3A = vector.extract_strided_slice %rsqrt3A {offsets = [0, 0], sizes = [10000, 1], strides = [1, 1]} : vector<10240x1xf32> to vector<10000x1xf32>
    %mul3A = vector.broadcast %slice3A : vector<10000x1xf32> to vector<10000x96xf32>
    %mul3A_19 = arith.mulf %dot_general3A_18, %mul3A : vector<10000x96xf32>
    %convert_element_type3A = arith.truncf %mul3A_19 : vector<10000x96xf32> to vector<10000x96xbf16>
    %swap3A = arith.constant 0 : index
    %swap3A_20 = arith.constant 0 : index
    %swap3A_21 = vector.load %arg3[%swap3A, %swap3A_20] : memref<10240x96xbf16, #tpu.memory_space<vmem>>, vector<10000x96xbf16>
    tpu.vector_store %arg3[%swap3A, %swap3A_20], %convert_element_type3A {strides = array<i32>} : memref<10240x96xbf16, #tpu.memory_space<vmem>>, vector<10000x96xbf16>,
    %broadcast_in_dim3A = arith.constant 0.000000e+00 : bf16
    %broadcast_in_dim3A_22 = vector.broadcast %broadcast_in_dim3A : bf16 to vector<240x96xbf16>
    %swap3A_23 = arith.constant 10000 : index
    %swap3A_24 = arith.constant 0 : index
    %swap3A_25 = vector.load %arg3[%swap3A_23, %swap3A_24] : memref<10240x96xbf16, #tpu.memory_space<vmem>>, vector<240x96xbf16>
    tpu.vector_store %arg3[%swap3A_23, %swap3A_24], %broadcast_in_dim3A_22 {strides = array<i32>} : memref<10240x96xbf16, #tpu.memory_space<vmem>>, vector<240x96xbf16>,
    return
  }
}

module attributes {stable_mosaic.version = 14 : i64} {
  func.func @body(%arg0: memref<2x10240x96xbf16, #tpu.memory_space<vmem>>, %arg1: memref<10240x96xbf16, #tpu.memory_space<vmem>>, %arg2: memref<2x10240x16xf32, #tpu.memory_space<vmem>>, %arg3: memref<1x84xf32, #tpu.memory_space<vmem>>, %arg4: memref<84x64xf32, #tpu.memory_space<vmem>>, %arg5: memref<10240x64xbf16, #tpu.memory_space<vmem>>) attributes {dimension_semantics = [], scalar_prefetch = 0 : i64, scratch_operands = 0 : i64, tpu.core_type = #tpu.core_type<tc>} {
    %get3A = arith.constant 0 : index
    %get3A_0 = arith.constant 0 : index
    %get3A_1 = arith.constant 0 : index
    %get3A_2 = vector.load %arg2[%get3A, %get3A_0, %get3A_1] : memref<2x10240x16xf32, #tpu.memory_space<vmem>>, vector<1x10240x1xf32>
    %get3A_3 = vector.shape_cast %get3A_2 : vector<1x10240x1xf32> to vector<10240x1xf32>
    %get3A_4 = arith.constant 1 : index
    %get3A_5 = arith.constant 0 : index
    %get3A_6 = arith.constant 0 : index
    %get3A_7 = vector.load %arg2[%get3A_4, %get3A_5, %get3A_6] : memref<2x10240x16xf32, #tpu.memory_space<vmem>>, vector<1x10240x1xf32>
    %get3A_8 = vector.shape_cast %get3A_7 : vector<1x10240x1xf32> to vector<10240x1xf32>
    %add3A = arith.addf %get3A_3, %get3A_8 : vector<10240x1xf32>
    %add3A_9 = arith.constant 1.000000e+00 : f32
    %add3A_10 = vector.broadcast %add3A_9 : f32 to vector<10240x1xf32>
    %add3A_11 = arith.addf %add3A, %add3A_10 : vector<10240x1xf32>
    %rsqrt3A = math.rsqrt %add3A_11 : vector<10240x1xf32>
    %get3A_12 = arith.constant 0 : index
    %get3A_13 = arith.constant 0 : index
    %get3A_14 = arith.constant 0 : index
    %get3A_15 = vector.load %arg0[%get3A_12, %get3A_13, %get3A_14] : memref<2x10240x96xbf16, #tpu.memory_space<vmem>>, vector<1x10240x96xbf16>
    %get3A_16 = vector.shape_cast %get3A_15 : vector<1x10240x96xbf16> to vector<10240x96xbf16>
    %convert_element_type3A = arith.extf %get3A_16 : vector<10240x96xbf16> to vector<10240x96xf32>
    %get3A_17 = arith.constant 1 : index
    %get3A_18 = arith.constant 0 : index
    %get3A_19 = arith.constant 0 : index
    %get3A_20 = vector.load %arg0[%get3A_17, %get3A_18, %get3A_19] : memref<2x10240x96xbf16, #tpu.memory_space<vmem>>, vector<1x10240x96xbf16>
    %get3A_21 = vector.shape_cast %get3A_20 : vector<1x10240x96xbf16> to vector<10240x96xbf16>
    %convert_element_type3A_22 = arith.extf %get3A_21 : vector<10240x96xbf16> to vector<10240x96xf32>
    %add3A_23 = arith.addf %convert_element_type3A, %convert_element_type3A_22 : vector<10240x96xf32>
    %get3A_24 = arith.constant 0 : index
    %get3A_25 = arith.constant 0 : index
    %get3A_26 = vector.load %arg1[%get3A_24, %get3A_25] : memref<10240x96xbf16, #tpu.memory_space<vmem>>, vector<10240x96xbf16>
    %convert_element_type3A_27 = arith.extf %get3A_26 : vector<10240x96xbf16> to vector<10240x96xf32>
    %add3A_28 = arith.addf %add3A_23, %convert_element_type3A_27 : vector<10240x96xf32>
    %mul3A = vector.broadcast %rsqrt3A : vector<10240x1xf32> to vector<10240x96xf32>
    %mul3A_29 = arith.mulf %add3A_28, %mul3A : vector<10240x96xf32>
    %slice3A = vector.extract_strided_slice %mul3A_29 {offsets = [0, 0], sizes = [10240, 84], strides = [1, 1]} : vector<10240x96xf32> to vector<10240x84xf32>
    %get3A_30 = arith.constant 0 : index
    %get3A_31 = arith.constant 0 : index
    %get3A_32 = vector.load %arg3[%get3A_30, %get3A_31] : memref<1x84xf32, #tpu.memory_space<vmem>>, vector<1x84xf32>
    %add3A_33 = vector.broadcast %get3A_32 : vector<1x84xf32> to vector<10240x84xf32>
    %add3A_34 = arith.addf %slice3A, %add3A_33 : vector<10240x84xf32>
    %max3A = arith.constant 0.000000e+00 : f32
    %max3A_35 = vector.broadcast %max3A : f32 to vector<10240x84xf32>
    %max3A_36 = arith.maximumf %add3A_34, %max3A_35 : vector<10240x84xf32>
    %get3A_37 = arith.constant 0 : index
    %get3A_38 = arith.constant 0 : index
    %get3A_39 = vector.load %arg4[%get3A_37, %get3A_38] : memref<84x64xf32, #tpu.memory_space<vmem>>, vector<84x64xf32>
    %dot_general3A = arith.constant dense<0.000000e+00> : vector<10240x64xf32>
    %dot_general3A_40 = tpu.matmul %max3A_36, %get3A_39, %dot_general3A {dimension_numbers = #tpu.dot_dimension_numbers<[1], [0], [0], [1], [0, 0, 1, 1], [], []>, precision = #tpu.contract_precision<fp32>, transpose_lhs_hint = false} : vector<10240x84xf32>, vector<84x64xf32>, vector<10240x64xf32> -> vector<10240x64xf32>
    %mul3A_41 = vector.broadcast %rsqrt3A : vector<10240x1xf32> to vector<10240x64xf32>
    %mul3A_42 = arith.mulf %dot_general3A_40, %mul3A_41 : vector<10240x64xf32>
    %convert_element_type3A_43 = arith.truncf %mul3A_42 : vector<10240x64xf32> to vector<10240x64xbf16>
    %swap3A = arith.constant 0 : index
    %swap3A_44 = arith.constant 0 : index
    %swap3A_45 = vector.load %arg5[%swap3A, %swap3A_44] : memref<10240x64xbf16, #tpu.memory_space<vmem>>, vector<10240x64xbf16>
    tpu.vector_store %arg5[%swap3A, %swap3A_44], %convert_element_type3A_43 {strides = array<i32>} : memref<10240x64xbf16, #tpu.memory_space<vmem>>, vector<10240x64xbf16>,
    return
  }
}

module attributes {stable_mosaic.version = 14 : i64} {
  func.func @body(%arg0: memref<2x10240x64xbf16, #tpu.memory_space<vmem>>, %arg1: memref<10240x64xbf16, #tpu.memory_space<vmem>>, %arg2: memref<2x10240x16xf32, #tpu.memory_space<vmem>>, %arg3: memref<1x64xf32, #tpu.memory_space<vmem>>, %arg4: memref<64x32xf32, #tpu.memory_space<vmem>>, %arg5: memref<10240x32xbf16, #tpu.memory_space<vmem>>) attributes {dimension_semantics = [], scalar_prefetch = 0 : i64, scratch_operands = 0 : i64, tpu.core_type = #tpu.core_type<tc>} {
    %get3A = arith.constant 0 : index
    %get3A_0 = arith.constant 0 : index
    %get3A_1 = arith.constant 0 : index
    %get3A_2 = vector.load %arg2[%get3A, %get3A_0, %get3A_1] : memref<2x10240x16xf32, #tpu.memory_space<vmem>>, vector<1x10240x1xf32>
    %get3A_3 = vector.shape_cast %get3A_2 : vector<1x10240x1xf32> to vector<10240x1xf32>
    %get3A_4 = arith.constant 1 : index
    %get3A_5 = arith.constant 0 : index
    %get3A_6 = arith.constant 0 : index
    %get3A_7 = vector.load %arg2[%get3A_4, %get3A_5, %get3A_6] : memref<2x10240x16xf32, #tpu.memory_space<vmem>>, vector<1x10240x1xf32>
    %get3A_8 = vector.shape_cast %get3A_7 : vector<1x10240x1xf32> to vector<10240x1xf32>
    %add3A = arith.addf %get3A_3, %get3A_8 : vector<10240x1xf32>
    %add3A_9 = arith.constant 1.000000e+00 : f32
    %add3A_10 = vector.broadcast %add3A_9 : f32 to vector<10240x1xf32>
    %add3A_11 = arith.addf %add3A, %add3A_10 : vector<10240x1xf32>
    %rsqrt3A = math.rsqrt %add3A_11 : vector<10240x1xf32>
    %get3A_12 = arith.constant 0 : index
    %get3A_13 = arith.constant 0 : index
    %get3A_14 = arith.constant 0 : index
    %get3A_15 = vector.load %arg0[%get3A_12, %get3A_13, %get3A_14] : memref<2x10240x64xbf16, #tpu.memory_space<vmem>>, vector<1x10240x64xbf16>
    %get3A_16 = vector.shape_cast %get3A_15 : vector<1x10240x64xbf16> to vector<10240x64xbf16>
    %convert_element_type3A = arith.extf %get3A_16 : vector<10240x64xbf16> to vector<10240x64xf32>
    %get3A_17 = arith.constant 1 : index
    %get3A_18 = arith.constant 0 : index
    %get3A_19 = arith.constant 0 : index
    %get3A_20 = vector.load %arg0[%get3A_17, %get3A_18, %get3A_19] : memref<2x10240x64xbf16, #tpu.memory_space<vmem>>, vector<1x10240x64xbf16>
    %get3A_21 = vector.shape_cast %get3A_20 : vector<1x10240x64xbf16> to vector<10240x64xbf16>
    %convert_element_type3A_22 = arith.extf %get3A_21 : vector<10240x64xbf16> to vector<10240x64xf32>
    %add3A_23 = arith.addf %convert_element_type3A, %convert_element_type3A_22 : vector<10240x64xf32>
    %get3A_24 = arith.constant 0 : index
    %get3A_25 = arith.constant 0 : index
    %get3A_26 = vector.load %arg1[%get3A_24, %get3A_25] : memref<10240x64xbf16, #tpu.memory_space<vmem>>, vector<10240x64xbf16>
    %convert_element_type3A_27 = arith.extf %get3A_26 : vector<10240x64xbf16> to vector<10240x64xf32>
    %add3A_28 = arith.addf %add3A_23, %convert_element_type3A_27 : vector<10240x64xf32>
    %mul3A = vector.broadcast %rsqrt3A : vector<10240x1xf32> to vector<10240x64xf32>
    %mul3A_29 = arith.mulf %add3A_28, %mul3A : vector<10240x64xf32>
    %get3A_30 = arith.constant 0 : index
    %get3A_31 = arith.constant 0 : index
    %get3A_32 = vector.load %arg3[%get3A_30, %get3A_31] : memref<1x64xf32, #tpu.memory_space<vmem>>, vector<1x64xf32>
    %add3A_33 = vector.broadcast %get3A_32 : vector<1x64xf32> to vector<10240x64xf32>
    %add3A_34 = arith.addf %mul3A_29, %add3A_33 : vector<10240x64xf32>
    %max3A = arith.constant 0.000000e+00 : f32
    %max3A_35 = vector.broadcast %max3A : f32 to vector<10240x64xf32>
    %max3A_36 = arith.maximumf %add3A_34, %max3A_35 : vector<10240x64xf32>
    %get3A_37 = arith.constant 0 : index
    %get3A_38 = arith.constant 0 : index
    %get3A_39 = vector.load %arg4[%get3A_37, %get3A_38] : memref<64x32xf32, #tpu.memory_space<vmem>>, vector<64x32xf32>
    %dot_general3A = arith.constant dense<0.000000e+00> : vector<10240x32xf32>
    %dot_general3A_40 = tpu.matmul %max3A_36, %get3A_39, %dot_general3A {dimension_numbers = #tpu.dot_dimension_numbers<[1], [0], [0], [1], [0, 0, 1, 1], [], []>, precision = #tpu.contract_precision<fp32>, transpose_lhs_hint = false} : vector<10240x64xf32>, vector<64x32xf32>, vector<10240x32xf32> -> vector<10240x32xf32>
    %mul3A_41 = vector.broadcast %rsqrt3A : vector<10240x1xf32> to vector<10240x32xf32>
    %mul3A_42 = arith.mulf %dot_general3A_40, %mul3A_41 : vector<10240x32xf32>
    %convert_element_type3A_43 = arith.truncf %mul3A_42 : vector<10240x32xf32> to vector<10240x32xbf16>
    %swap3A = arith.constant 0 : index
    %swap3A_44 = arith.constant 0 : index
    %swap3A_45 = vector.load %arg5[%swap3A, %swap3A_44] : memref<10240x32xbf16, #tpu.memory_space<vmem>>, vector<10240x32xbf16>
    tpu.vector_store %arg5[%swap3A, %swap3A_44], %convert_element_type3A_43 {strides = array<i32>} : memref<10240x32xbf16, #tpu.memory_space<vmem>>, vector<10240x32xbf16>,
    return
  }
}

module attributes {stable_mosaic.version = 14 : i64} {
  func.func @_d3_body(%arg0: memref<2x10240x32xbf16, #tpu.memory_space<vmem>>, %arg1: memref<10240x32xbf16, #tpu.memory_space<vmem>>, %arg2: memref<2x10240x16xf32, #tpu.memory_space<vmem>>, %arg3: memref<1x32xf32, #tpu.memory_space<vmem>>, %arg4: memref<10240x1xi32, #tpu.memory_space<vmem>>, %arg5: memref<32x10xf32, #tpu.memory_space<vmem>>, %arg6: memref<1x10xf32, #tpu.memory_space<vmem>>, %arg7: memref<64x10xf32, #tpu.memory_space<vmem>>) attributes {dimension_semantics = [], scalar_prefetch = 0 : i64, scratch_operands = 0 : i64, tpu.core_type = #tpu.core_type<tc>} {
    %get3A = arith.constant 0 : index
    %get3A_0 = arith.constant 0 : index
    %get3A_1 = arith.constant 0 : index
    %get3A_2 = vector.load %arg2[%get3A, %get3A_0, %get3A_1] : memref<2x10240x16xf32, #tpu.memory_space<vmem>>, vector<1x10240x1xf32>
    %get3A_3 = vector.shape_cast %get3A_2 : vector<1x10240x1xf32> to vector<10240x1xf32>
    %get3A_4 = arith.constant 1 : index
    %get3A_5 = arith.constant 0 : index
    %get3A_6 = arith.constant 0 : index
    %get3A_7 = vector.load %arg2[%get3A_4, %get3A_5, %get3A_6] : memref<2x10240x16xf32, #tpu.memory_space<vmem>>, vector<1x10240x1xf32>
    %get3A_8 = vector.shape_cast %get3A_7 : vector<1x10240x1xf32> to vector<10240x1xf32>
    %add3A = arith.addf %get3A_3, %get3A_8 : vector<10240x1xf32>
    %add3A_9 = arith.constant 1.000000e+00 : f32
    %add3A_10 = vector.broadcast %add3A_9 : f32 to vector<10240x1xf32>
    %add3A_11 = arith.addf %add3A, %add3A_10 : vector<10240x1xf32>
    %rsqrt3A = math.rsqrt %add3A_11 : vector<10240x1xf32>
    %get3A_12 = arith.constant 0 : index
    %get3A_13 = arith.constant 0 : index
    %get3A_14 = arith.constant 0 : index
    %get3A_15 = vector.load %arg0[%get3A_12, %get3A_13, %get3A_14] : memref<2x10240x32xbf16, #tpu.memory_space<vmem>>, vector<1x10240x32xbf16>
    %get3A_16 = vector.shape_cast %get3A_15 : vector<1x10240x32xbf16> to vector<10240x32xbf16>
    %convert_element_type3A = arith.extf %get3A_16 : vector<10240x32xbf16> to vector<10240x32xf32>
    %get3A_17 = arith.constant 1 : index
    %get3A_18 = arith.constant 0 : index
    %get3A_19 = arith.constant 0 : index
    %get3A_20 = vector.load %arg0[%get3A_17, %get3A_18, %get3A_19] : memref<2x10240x32xbf16, #tpu.memory_space<vmem>>, vector<1x10240x32xbf16>
    %get3A_21 = vector.shape_cast %get3A_20 : vector<1x10240x32xbf16> to vector<10240x32xbf16>
    %convert_element_type3A_22 = arith.extf %get3A_21 : vector<10240x32xbf16> to vector<10240x32xf32>
    %add3A_23 = arith.addf %convert_element_type3A, %convert_element_type3A_22 : vector<10240x32xf32>
    %get3A_24 = arith.constant 0 : index
    %get3A_25 = arith.constant 0 : index
    %get3A_26 = vector.load %arg1[%get3A_24, %get3A_25] : memref<10240x32xbf16, #tpu.memory_space<vmem>>, vector<10240x32xbf16>
    %convert_element_type3A_27 = arith.extf %get3A_26 : vector<10240x32xbf16> to vector<10240x32xf32>
    %add3A_28 = arith.addf %add3A_23, %convert_element_type3A_27 : vector<10240x32xf32>
    %mul3A = vector.broadcast %rsqrt3A : vector<10240x1xf32> to vector<10240x32xf32>
    %mul3A_29 = arith.mulf %add3A_28, %mul3A : vector<10240x32xf32>
    %get3A_30 = arith.constant 0 : index
    %get3A_31 = arith.constant 0 : index
    %get3A_32 = vector.load %arg3[%get3A_30, %get3A_31] : memref<1x32xf32, #tpu.memory_space<vmem>>, vector<1x32xf32>
    %add3A_33 = vector.broadcast %get3A_32 : vector<1x32xf32> to vector<10240x32xf32>
    %add3A_34 = arith.addf %mul3A_29, %add3A_33 : vector<10240x32xf32>
    %max3A = arith.constant 0.000000e+00 : f32
    %max3A_35 = vector.broadcast %max3A : f32 to vector<10240x32xf32>
    %max3A_36 = arith.maximumf %add3A_34, %max3A_35 : vector<10240x32xf32>
    %get3A_37 = arith.constant 0 : index
    %get3A_38 = arith.constant 0 : index
    %get3A_39 = vector.load %arg4[%get3A_37, %get3A_38] : memref<10240x1xi32, #tpu.memory_space<vmem>>, vector<10240x1xi32>
    %iota3A = tpu.iota {dimensions = array<i32: 1>} : vector<1x64xi32>
    %eq3A = vector.broadcast %get3A_39 : vector<10240x1xi32> to vector<10240x64xi32>
    %eq3A_40 = vector.broadcast %iota3A : vector<1x64xi32> to vector<10240x64xi32>
    %eq3A_41 = arith.cmpi eq, %eq3A, %eq3A_40 : vector<10240x64xi32>
    %convert_element_type3A_42 = arith.extui %eq3A_41 : vector<10240x64xi1> to vector<10240x64xi32>
    %convert_element_type3A_43 = arith.sitofp %convert_element_type3A_42 : vector<10240x64xi32> to vector<10240x64xf32>
    %dot_general3A = arith.constant dense<0.000000e+00> : vector<64x32xf32>
    %dot_general3A_44 = tpu.matmul %convert_element_type3A_43, %max3A_36, %dot_general3A {dimension_numbers = #tpu.dot_dimension_numbers<[0], [0], [1], [1], [0, 1, 1, 1], [], []>, precision = #tpu.contract_precision<fp32>, transpose_lhs_hint = false} : vector<10240x64xf32>, vector<10240x32xf32>, vector<64x32xf32> -> vector<64x32xf32>
    %reduce_sum3A = arith.constant dense<0.000000e+00> : vector<64xf32>
    %reduce_sum3A_45 = vector.multi_reduction <add>, %convert_element_type3A_43, %reduce_sum3A [0] : vector<10240x64xf32> to vector<64xf32>
    %reshape3A = vector.shape_cast %reduce_sum3A_45 : vector<64xf32> to vector<64x1xf32>
    %max3A_46 = arith.constant 1.000000e+00 : f32
    %max3A_47 = vector.broadcast %max3A_46 : f32 to vector<64x1xf32>
    %max3A_48 = arith.maximumf %reshape3A, %max3A_47 : vector<64x1xf32>
    %div3A = vector.broadcast %max3A_48 : vector<64x1xf32> to vector<64x32xf32>
    %div3A_49 = arith.divf %dot_general3A_44, %div3A : vector<64x32xf32>
    %get3A_50 = arith.constant 0 : index
    %get3A_51 = arith.constant 0 : index
    %get3A_52 = vector.load %arg5[%get3A_50, %get3A_51] : memref<32x10xf32, #tpu.memory_space<vmem>>, vector<32x10xf32>
    %dot_general3A_53 = arith.constant dense<0.000000e+00> : vector<64x10xf32>
    %dot_general3A_54 = tpu.matmul %div3A_49, %get3A_52, %dot_general3A_53 {dimension_numbers = #tpu.dot_dimension_numbers<[1], [0], [0], [1], [0, 0, 1, 1], [], []>, precision = #tpu.contract_precision<fp32>, transpose_lhs_hint = false} : vector<64x32xf32>, vector<32x10xf32>, vector<64x10xf32> -> vector<64x10xf32>
    %get3A_55 = arith.constant 0 : index
    %get3A_56 = arith.constant 0 : index
    %get3A_57 = vector.load %arg6[%get3A_55, %get3A_56] : memref<1x10xf32, #tpu.memory_space<vmem>>, vector<1x10xf32>
    %add3A_58 = vector.broadcast %get3A_57 : vector<1x10xf32> to vector<64x10xf32>
    %add3A_59 = arith.addf %dot_general3A_54, %add3A_58 : vector<64x10xf32>
    %swap3A = arith.constant 0 : index
    %swap3A_60 = arith.constant 0 : index
    %swap3A_61 = vector.load %arg7[%swap3A, %swap3A_60] : memref<64x10xf32, #tpu.memory_space<vmem>>, vector<64x10xf32>
    tpu.vector_store %arg7[%swap3A, %swap3A_60], %add3A_59 {strides = array<i32>} : memref<64x10xf32, #tpu.memory_space<vmem>>, vector<64x10xf32>,
    return
  }
}

</mosaic_0001>

<sc_bundles>
// kernel: kernel.10.cloned.1.call-start
scs
__scs_entry_jumppad:
0x0: {  	(pc) =	sbr.rel $0x88, $3  }
0x1: {  	(tag) =	ssettag $0x0;
	lr =	simm.s32 $0x1  }
0x2: {  	[smem:$0x3F96] =	sst lr;
	_ =	strace $0xD0000000  }
0x3: {  	_ = 	snop  }
0x4: {  	_ = 	snop  }
0x5: {  	_ = 	snop  }
0x6: {  	_ = 	snop  }
0x7: {  	_ = 	snop  }
__scs_overlays_trampoline_lowered:
0x8: {  	[smem:$0x3FA5] =	sst s0  }
0x9: {  	[smem:$0x3FA6] =	sst s1  }
0xa: {  	[smem:$0x3FA7] =	sst s2  }
0xb: {  	[smem:$0x3FA8] =	sst s3  }
0xc: {  	[smem:$0x3FA9] =	sst s4  }
0xd: {  	[smem:$0x3FAA] =	sst s5  }
0xe: {  	[smem:$0x3FAB] =	sst s6  }
0xf: {  	[smem:$0x3FAC] =	sst s7  }
0x10: {  	[smem:$0x3FAD] =	sst s8  }
0x11: {  	[smem:$0x3FAE] =	sst s9;
	s0 =	simm.s32 @!p0 $0x0  }
0x12: {  	s1 =	sld [smem:$0x3F94];
	s0 =	simm.s32 @p0 $0x1  }
0x13: {  	[smem:$0x3FAF] =	sst s0;
	s0 =	simm.s32 @!p1 $0x0  }
0x14: {  	s2 =	sld [smem:$0x3F93];
	s0 =	simm.s32 @p1 $0x1  }
0x15: {  	[smem:$0x3FB0] =	sst s0;
	s0 =	simm.s32 @!p2 $0x0  }
0x16: {  	s3 =	sld [smem:$0x3FDB];
	s0 =	simm.s32 @p2 $0x1  }
0x17: {  	s4 =	simm.s32 $0x1BF5;
	[smem:$0x3FB2] =	sst s0  }
0x18: {  	s0 =	sld [smem:$0x3F95];
	_ =	swait.ge [sflag:s4], $0x0  }
0x19: {  	s7 =	sld [smem:$0x3F96]  }
0x1a: {  	s8 =	sadd.s32 $0xFFFFE003, lr  }
0x1b: {  	s9 =	sadd.s32 $0xFFFFFEF7, lr;
	s5 =	simm.s32 $0xFFFFFFFF;
	p2 =	slt.u32 s8, $0xFFFFF086  }
0x1c: {  	p1 =	slt.u32 s9, $0xF7A;
	s5 =	simm.s32 @!p2 $0x0  }
0x1d: {  	s5 =	simm.s32 @p1 $0x1;
	p0 =	seq.s32 s7, s2  }
0x1e: {  	s7 =	smul.u32 @!p0 $0xF7A, s2;
	p2 =	seq.s32 @!p0 s5, $0x0  }
0x1f: {  	s9 =	smul.u32 $0xF7A, s1;
	s8 =	simm.s32 @!p0 $0x1BF5;
	p2 =	por !p2, p0  }
0x20: {  	[sflag:s8] =	ssyncset.s32 @!p0 $0xFFFFF086;
	s6 =	sadd.s32 @!p0 s3, s7;
	s7 =	simm.s32 @!p0 $0x108  }
0x21: {  	s3 =	sadd.s32 s3, s9;
	s6 =	sadd.s32 @!p0 $0x88, s6;
	s7 =	simm.s32 @p2 $0x1082  }
0x22: {  	[simem:s7], [sflag:s8] =	dma.local @!p0 [hbm:s6], $0xF7A  }
0x23: {  	s9 =	sor.u32 $0xD0000000, s2;
	s6 =	simm.s32 $0x108;
	_ =	swait.ge @!p0 [sflag:s8], $0x0  }
0x24: {  	s3 =	sadd.s32 $0x88, s3;
	s6 =	simm.s32 @!p1 $0x1082;
	[sflag:s4] =	ssyncset.s32 $0xFFFFF086  }
0x25: {  	[simem:s6], [sflag:s4] =	dma.local [hbm:s3], $0xF7A  }
0x26: {  	[smem:$0x3F96] =	sst s1;
	(tag) =	ssettag s2;
	_ =	strace s9  }
0x27: {  	s1 =	sld [smem:$0x3FA6]  }
0x28: {  	s2 =	sld [smem:$0x3FA7]  }
0x29: {  	s4 =	sld [smem:$0x3FA9]  }
0x2a: {  	p0 =	seq.s32 s5, $0x0;
	s5 =	sld [smem:$0x3FAA]  }
0x2b: {  	s6 =	sld [smem:$0x3FAB]  }
0x2c: {  	s7 =	sld [smem:$0x3FAC]  }
0x2d: {  	s3 =	simm.s32 $0x108;
	s8 =	sld [smem:$0x3FAD]  }
0x2e: {  	s3 =	simm.s32 @!p0 $0x1082;
	s9 =	sld [smem:$0x3FAE]  }
0x2f: {  	lr =	sadd.s32 s0, s3;
	s0 =	sld [smem:$0x3FA5]  }
0x30: {  	s3 =	sld [smem:$0x3FA8]  }
0x31: {  	[smem:$0x3FB1] =	sst s10  }
0x32: {  	s10 =	sld [smem:$0x3FAF];
	_ =	sdelay $0x3  }
0x33: {  	p0 =	seq.s32 s10, $0x1;
	s10 =	sld [smem:$0x3FB1];
	_ =	sdelay $0x3  }
0x34: {  	[smem:$0x3FB1] =	sst s10  }
0x35: {  	s10 =	sld [smem:$0x3FB0];
	_ =	sdelay $0x3  }
0x36: {  	p1 =	seq.s32 s10, $0x1;
	s10 =	sld [smem:$0x3FB1];
	_ =	sdelay $0x3  }
0x37: {  	[smem:$0x3FB1] =	sst s10  }
0x38: {  	s10 =	sld [smem:$0x3FB2]  }
0x39: {  	_ = 	snop;
	(pc) =	sbr.ind lr, $3  }
0x3a: {  	_ = 	snop  }
0x3b: {  	_ = 	snop  }
0x3c: {  	p2 =	seq.s32 s10, $0x1;
	s10 =	sld [smem:$0x3FB1]  }
0x3d: {  	_ =	shalt  }
0x3e: {  	_ =	shalt  }
0x3f: {  	_ =	shalt  }
0x40: {  	_ =	shalt  }
0x41: {  	_ =	shalt  }
0x42: {  	_ =	shalt  }
0x43: {  	_ =	shalt  }
0x44: {  	_ =	shalt  }
0x45: {  	_ =	shalt  }
0x46: {  	_ =	shalt  }
0x47: {  	_ =	shalt  }
0x48: {  	_ =	shalt  }
0x49: {  	_ =	shalt  }
0x4a: {  	_ =	shalt  }
0x4b: {  	_ =	shalt  }
0x4c: {  	_ =	shalt  }
0x4d: {  	_ =	shalt  }
0x4e: {  	_ =	shalt  }
0x4f: {  	_ =	shalt  }
0x50: {  	_ =	shalt  }
0x51: {  	_ =	shalt  }
0x52: {  	_ =	shalt  }
0x53: {  	_ =	shalt  }
0x54: {  	_ =	shalt  }
0x55: {  	_ =	shalt  }
0x56: {  	_ =	shalt  }
0x57: {  	_ =	shalt  }
0x58: {  	_ =	shalt  }
0x59: {  	_ =	shalt  }
0x5a: {  	_ =	shalt  }
0x5b: {  	_ =	shalt  }
0x5c: {  	_ =	shalt  }
0x5d: {  	_ =	shalt  }
0x5e: {  	_ =	shalt  }
0x5f: {  	_ =	shalt  }
0x60: {  	_ =	shalt  }
0x61: {  	_ =	shalt  }
0x62: {  	_ =	shalt  }
0x63: {  	_ =	shalt  }
0x64: {  	_ =	shalt  }
0x65: {  	_ =	shalt  }
0x66: {  	_ =	shalt  }
0x67: {  	_ =	shalt  }
0x68: {  	_ =	shalt  }
0x69: {  	_ =	shalt  }
0x6a: {  	_ =	shalt  }
0x6b: {  	_ =	shalt  }
0x6c: {  	_ =	shalt  }
0x6d: {  	_ =	shalt  }
0x6e: {  	_ =	shalt  }
0x6f: {  	_ =	shalt  }
0x70: {  	_ =	shalt  }
0x71: {  	_ =	shalt  }
0x72: {  	_ =	shalt  }
0x73: {  	_ =	shalt  }
0x74: {  	_ =	shalt  }
0x75: {  	_ =	shalt  }
0x76: {  	_ =	shalt  }
0x77: {  	_ =	shalt  }
0x78: {  	_ =	shalt  }
0x79: {  	_ =	shalt  }
0x7a: {  	_ =	shalt  }
0x7b: {  	_ =	shalt  }
0x7c: {  	_ =	shalt  }
0x7d: {  	_ =	shalt  }
0x7e: {  	_ =	shalt  }
0x7f: {  	_ =	shalt  }
0x80: {  	_ =	shalt  }
0x81: {  	_ =	shalt  }
0x82: {  	_ =	shalt  }
0x83: {  	_ =	shalt  }
0x84: {  	_ =	shalt  }
0x85: {  	_ =	shalt  }
0x86: {  	_ =	shalt  }
0x87: {  	_ =	shalt  }
.Lfunc_end0:
.L_simem_size_0:
called_computation_lowered:
.L_overlay_start_0:
0x88: {  	s2 =	sld [smem:$0x3FD9]  }
0x89: {  	s3 =	sld [smem:$0x3FFE];
	_ =	sdelay $0x1  }
0x8a: {  	s1 =	srdreg.scid  }
0x8b: {  	s0 =	sand.u32 $0x1, s1  }
0x8c: {  	s17 =	sshll.u32 s0, $0xA;
	s2 =	sadd.s32 s3, s2  }
0x8d: {  	s2 =	sadd.s32 s2, s17  }
0x8e: {  	[smem:$0x3FBD] =	sst s2  }
0x8f: {  	_ = 	snop  }
0x90: {  	s2 =	sld [smem:$0x3FD0];
	(tm) =	ssettm $0x1  }
0x91: {  	s18 =	sld [smem:$0x3FFB];
	_ =	sdelay $0x3  }
0x92: {  	_ =	strace s18  }
0x93: {  	s3 =	sld [smem:$0x3FFC];
	_ =	sdelay $0x3  }
0x94: {  	_ =	strace s3  }
0x95: {  	s3 =	sld [smem:$0x3FFD];
	_ =	sdelay $0x3  }
0x96: {  	_ =	strace s3  }
0x97: {  	_ =	strace $0x8FFFFFFF  }
0x98: {  	s19 =	sld [smem:$0x3FDB];
	_ =	sdelay $0x1  }
0x99: {  	s4 =	simm.s32 $_scs_section_size  }
0x9a: {  	s5 =	simm.s32 $_size__tile_overlayer_lowered;
	s6 =	simm.s32 $_tile_overlayer_lowered  }
0x9b: {  	s22 =	simm.s32 $0x1BFF;
	s21 =	sshll.u32 s6, $0x1;
	s3 =	sadd.s32 s4, s19  }
0x9c: {  	s7 =	simm.s32 $0x0;
	s20 =	sshll.u32 s5, $0x1;
	s5 =	sadd.s32 s21, s3  }
0x9d: {  	[timem:s7], [sflag:s22] =	dma.local [hbm:s5], s20  }
0x9e: {  	_ =	swait.ge [sflag:s22], s20  }
0x9f: {  	s4 =	ssub.s32 $0x0, s20;
	[sflag:s22] =	ssyncset.done $0x0  }
0xa0: {  	[sflag:s22] =	ssyncadd.s32 s4;
	_ =	sdelay $0x1  }
0xa1: {  	s23 =	simm.s32 $0x1B8B  }
0xa2: {  	_ =	swait.ge [sflag:s23], $0x1  }
0xa3: {  	[sflag:s23] =	ssyncset.done $0x0  }
0xa4: {  	s25 =	simm.s32 $0x1B8E;
	s24 =	sld [smem:$0x3FFE];
	[sflag:s23] =	ssyncadd.s32 $0xFFFFFFFF  }
0xa5: {  	s26 =	simm.s32 $execute0_lowered;
	[smem:$0x3FD2] =	sst s25  }
0xa6: {  	s5 =	sshll.u32 s26, $0x1;
	_ =	strace $0x80000046;
	[dreg:$0x1] =	wrdreg $0xFFFFFFFF  }
0xa7: {  	s28 =	simm.s32 $_size_execute0_lowered;
	s3 =	sadd.s32 s3, s5;
	[dreg:$0x0] =	wrdreg $0x0  }
0xa8: {  	s5 =	sshll.u32 s28, $0x1;
	[dreg:$0x2] =	wrdreg s3  }
0xa9: {  	[dreg:$0x3] =	wrdreg s5  }
0xaa: {  	[dreg:$0x4] =	wrdreg $0xC0  }
0xab: {  	_ =	task [dreg:s7], $0x5FFFF  }
0xac: {  	[dreg:$0x1] =	wrdreg $0xFFFFFFFF  }
0xad: {  	[dreg:$0x0] =	wrdreg $0x60  }
0xae: {  	[dreg:$0x2] =	wrdreg s24  }
0xaf: {  	[dreg:$0x3] =	wrdreg s2  }
0xb0: {  	[dreg:$0x4] =	wrdreg $0x30000  }
0xb1: {  	[dreg:$0x5] =	wrdreg $0x9  }
0xb2: {  	_ =	task.clear_ibuf [dreg:s7], $0x6FFFF;
	_ =	strace $0x90000046  }
0xb3: {  	s29 =	simm.s32 $0x9;
	_ =	strace $0x80000048  }
0xb4: {  	_ =	swait.ge [sflag:s29], $0x1  }
0xb5: {  	[sflag:s29] =	ssyncadd.s32 $0xFFFFFFFF  }
0xb6: {  	_ =	strace $0x90000048  }
0xb7: {  	_ =	sfence  }
0xb8: {  	s30 =	sld [smem:$0x0];
	_ =	sdelay $0x2  }
0xb9: {  	s31 =	sshll.u32 s1, $0xD;
	s1 =	sshrl.u32 s1, $0x2  }
0xba: {  	s3 =	sand.u32 $0x4000, s31;
	s1 =	sadd.s32 s1, s30  }
0xbb: {  	s0 =	sor.u32 s3, s0;
	s1 =	sshll.u32 s1, $0x11  }
0xbc: {  	s0 =	sor.u32 s1, s0  }
0xbd: {  	s0 =	sadd.s32 $0x8F2B, s0  }
0xbe: {  	[sflag:s0] =	ssyncadd.remote.s32 $0x1  }
0xbf: {  	_ =	sfence.sel $0xFFFF  }
0xc0: {  	[dreg:$0x0] =	wrdreg $0xFFFFFFFF;
	(pc) =	sbr.abs _section_cstart, $3  }
0xc1: {  	[dreg:$0x1] =	wrdreg $0xFFFFFFFF  }
0xc2: {  	_ =	task.clear_ibuf [dreg:s7], $0x2FFFF;
	_ =	strace $0x9FFFFFFF  }
0xc3: {  	(tm) =	ssettm $0x7FFFFFFF  }
tec
execute0_lowered:
.L_overlay_start_1:
0x0: {  	(tag) =	ssettag $0x1  }
0x1: {  	s7 =	rddreg [dreg:$0x0]  }
0x2: {  	s2 =	rddreg [dreg:$0x1]  }
0x3: {  	s0 =	srdreg.scid;
	s3 =	rddreg [dreg:$0x2];
	s4 =	simm.s32 $0x0  }
0x4: {  	s14 =	simm.s32 $0x1;
	s6 =	sand.u32 $0x1, s0;
	s0 =	stileid.u32  }
0x5: {  	s15 =	simm.s32 $0x0;
	[smem:$0x7FF] =	sst s4;
	s8 =	smul.u32 $0x2800, s0  }
0x6: {  	s1 =	sshll.u32 s6, $0x4;
	s9 =	smul.u32 $0x28000, s6;
	s6 =	ssub.s32 $0x2, s6  }
0x7: {  	s11 =	sshll.u32 s0, $0x6;
	s1 =	sor.u32 s0, s1;
	s31 =	sshrl.u32 s6, $0x1  }
0x8: {  	s5 =	smul.u32 $0x500, s1;
	s1 =	rddreg [dreg:$0x3];
	_ =	strace $0x80000047  }
0x9: {  	s9 =	sadd.s32 s8, s9;
	s12 =	ssub.s32 s6, s31;
	s13 =	sadd.s32 s8, s3  }
0xa: {  	s6 =	sor.u32 $0x1C02, s11;
	s11 =	simm.s32 $0x2;
	s9 =	sshrl.u32 s9, $0x3  }
0xb: {  	s10 =	sadd.s32 s5, s7;
	s5 =	sadd.s32 $0x16E00, s7;
	s9 =	sadd.s32 s9, s7  }
0xc: {  	s7 =	sadd.s32 $0x2E00, s10;
	s8 =	sadd.s32 $0x17400, s9;
	s9 =	smax.u32 s12, $0x1  }
0xd: {  	s10 =	sshrl.u32 s13, $0x3;
	s12 =	simm.s32 $0x2800;
	s13 =	simm.s32 $0x80  }
.LBB2_1:
0xe: {  	[spmem:s10], [sflag:s6] =	dma.local [hbm:s5], $0x500  }
0xf: {  	_ =	swait.ge [sflag:s11], $0x500  }
0x10: {  	[sflag:s11] =	ssyncset.done $0x0  }
0x11: {  	[sflag:s11] =	ssyncadd.s32 $0xFFFFFB00  }
0x12: {  	[tilespmem:s4], [sflag:$0x2] =	stream.linear.gather [hbm4b:s7+s4], $0x2800, $0x38;
	[tilespmem:$0x5800] =	vst v63  }
0x13: {  	_ =	swait.ge [sflag:s11], $0x2800  }
0x14: {  	[sflag:s11] =	ssyncset.done $0x0  }
0x15: {  	[sflag:s11] =	ssyncadd.s32 $0xFFFFD800  }
0x16: {  	[tilespmem:s12], [sflag:$0x2] =	stream.linear.gather [hbm4b:s2+s4], $0x800, $0x38;
	[tilespmem:$0x5800] =	vst v63  }
0x17: {  	_ =	swait.ge [sflag:s11], $0x800  }
0x18: {  	[sflag:s11] =	ssyncset.done $0x0  }
0x19: {  	p0 =	por $0x1, $0x1;
	[sflag:s11] =	ssyncadd.s32 $0xFFFFF800  }
0x1a: {  	s18 =	simm.s32 @!p0 $0x1;
	[bflag:$0x0] =	sbarrier.arrive $0xFFFF  }
0x1b: {  	[spmem:s3] =	stream.indirect.scatter.add.f32 [tilespmem:s12], [sflag:$0x1], $0x10, s4, s13, $0xb8;
	[tilespmem:$0x5800] =	vst v63  }
0x1c: {  	_ =	swait.ge @!p0 [sflag:s18], $0x800  }
0x1d: {  	s16 =	simm.s32 $0x1;
	s17 =	simm.s32 $0x0;
	[sflag:s18] =	ssyncset.done @!p0 $0x0  }
.LBB2_2:
0x1e: {  	[sflag:s18] =	ssyncadd.s32 @!p0 $0xFFFFF800  }
0x1f: {  	s17 =	sadd.s32 $0x80, s17;
	s18 =	smov.u32 s16;
	s16 =	sadd.s32 $0x1, s16  }
0x20: {  	p1 =	sne.s32 s16, $0x50  }
0x21: {  	[spmem:s3] =	stream.indirect.scatter.add.f32 [tilespmem:s12], [sflag:$0x1], $0x10, s17, s13, $0xb8;
	[tilespmem:$0x5800] =	vst v63  }
.Ltmp0:
0x22: {  	_ = 	snop;
	(pc) =	sbr.rel @p1 .LBB2_2-.Ltmp0, $4  }
0x23: {  	p0 =	slt.u32 s18, $0x8  }
0x24: {  	s18 =	simm.s32 @!p0 $0x1  }
0x25: {  	_ =	swait.ge @!p0 [sflag:s18], $0x800  }
0x26: {  	[sflag:s18] =	ssyncset.done @!p0 $0x0  }
0x27: {  	[sflag:s18] =	ssyncadd.s32 @!p0 $0xFFFFF800  }
0x28: {  	_ =	swait.ge [sflag:s14], $0x800  }
0x29: {  	[sflag:s14] =	ssyncset.done $0x0  }
0x2a: {  	[sflag:s14] =	ssyncadd.s32 $0xFFFFF800  }
0x2b: {  	_ =	swait.ge [sflag:s14], $0x800  }
0x2c: {  	[sflag:s14] =	ssyncset.done $0x0  }
0x2d: {  	[sflag:s14] =	ssyncadd.s32 $0xFFFFF800  }
0x2e: {  	_ =	swait.ge [sflag:s14], $0x800  }
0x2f: {  	[sflag:s14] =	ssyncset.done $0x0  }
0x30: {  	[sflag:s14] =	ssyncadd.s32 $0xFFFFF800  }
0x31: {  	_ =	swait.ge [sflag:s14], $0x800  }
0x32: {  	[sflag:s14] =	ssyncset.done $0x0  }
0x33: {  	[sflag:s14] =	ssyncadd.s32 $0xFFFFF800  }
0x34: {  	_ =	swait.ge [sflag:s14], $0x800  }
0x35: {  	[sflag:s14] =	ssyncset.done $0x0  }
0x36: {  	[sflag:s14] =	ssyncadd.s32 $0xFFFFF800  }
0x37: {  	_ =	swait.ge [sflag:s14], $0x800  }
0x38: {  	[sflag:s14] =	ssyncset.done $0x0  }
0x39: {  	[sflag:s14] =	ssyncadd.s32 $0xFFFFF800  }
0x3a: {  	_ =	swait.ge [sflag:s14], $0x800  }
0x3b: {  	[sflag:s14] =	ssyncset.done $0x0  }
0x3c: {  	[sflag:s14] =	ssyncadd.s32 $0xFFFFF800  }
0x3d: {  	_ =	swait.ge [sflag:s14], $0x800  }
0x3e: {  	s15 =	sadd.s32 $0x1, s15;
	[sflag:s14] =	ssyncset.done $0x0  }
0x3f: {  	p0 =	sne.s32 s15, s9;
	[sflag:s14] =	ssyncadd.s32 $0xFFFFF800  }
.Ltmp1:
0x40: {  	[bflag:$0x0] =	sbarrier.arrive $0xFFFF;
	(pc) =	sbr.rel @p0 .LBB2_1-.Ltmp1, $4  }
0x41: {  	[hbm:s8], [sflag:s6] =	dma.local [spmem:s10], $0x500  }
0x42: {  	_ =	swait.ge [sflag:s11], $0x500  }
0x43: {  	[sflag:s11] =	ssyncset.done $0x0  }
0x44: {  	[sflag:s11] =	ssyncadd.s32 $0xFFFFFB00  }
0x45: {  	_ =	sfence.sel $0x180000  }
0x46: {  	[bflag:$0x0] =	sbarrier.arrive $0xFFFF  }
0x47: {  	p0 =	sne.s32 s0, $0x0;
	_ =	strace $0x90000047  }
0x48: {  	s0 =	sadd.s32 @!p0 $0x100000, s1;
	[bflag:$0x2] =	sbarrier.arrive $0xFFFF  }
0x49: {  	[sflag:s0] =	ssyncadd.tile.s32 @!p0 $0x1;
	_ =	shalt  }
.Lfunc_end2:
_tile_overlayer_lowered:
.L_overlay_start_2:
0x4a: {  	(tag) =	ssettag $0x2  }
0x4b: {  	s0 =	rddreg [dreg:$0x0];
	s2 =	stileid.u32  }
0x4c: {  	s1 =	rddreg [dreg:$0x1];
	p0 =	sne.s32 s2, $0x0  }
0x4d: {  	s3 =	rddreg [dreg:$0x2];
	[bflag:$0x3] =	sbarrier.arrive $0xFFFF;
	s2 =	simm.s32 @!p0 $0x1C02  }
0x4e: {  	[timem:s3], [sflag:s2] =	dma.local @!p0 [hbm:s0], s1  }
0x4f: {  	s0 =	simm.s32 @!p0 $0x2  }
0x50: {  	_ =	swait.ge @!p0 [sflag:s0], s1  }
0x51: {  	s1 =	ssub.s32 @!p0 $0x0, s1;
	[sflag:s0] =	ssyncset.done @!p0 $0x0  }
0x52: {  	[sflag:s0] =	ssyncadd.s32 @!p0 s1  }
0x53: {  	[bflag:$0x3] =	sbarrier.arrive $0xFFFF  }
0x54: {  	_ =	shalt  }

// kernel: kernel.13.cloned.1.call-start
scs
__scs_entry_jumppad:
0x0: {  	(pc) =	sbr.rel $0x88, $3  }
0x1: {  	(tag) =	ssettag $0x0;
	lr =	simm.s32 $0x1  }
0x2: {  	[smem:$0x3F96] =	sst lr;
	_ =	strace $0xD0000000  }
0x3: {  	_ = 	snop  }
0x4: {  	_ = 	snop  }
0x5: {  	_ = 	snop  }
0x6: {  	_ = 	snop  }
0x7: {  	_ = 	snop  }
__scs_overlays_trampoline_lowered:
0x8: {  	[smem:$0x3FA5] =	sst s0  }
0x9: {  	[smem:$0x3FA6] =	sst s1  }
0xa: {  	[smem:$0x3FA7] =	sst s2  }
0xb: {  	[smem:$0x3FA8] =	sst s3  }
0xc: {  	[smem:$0x3FA9] =	sst s4  }
0xd: {  	[smem:$0x3FAA] =	sst s5  }
0xe: {  	[smem:$0x3FAB] =	sst s6  }
0xf: {  	[smem:$0x3FAC] =	sst s7  }
0x10: {  	[smem:$0x3FAD] =	sst s8  }
0x11: {  	[smem:$0x3FAE] =	sst s9;
	s0 =	simm.s32 @!p0 $0x0  }
0x12: {  	s1 =	sld [smem:$0x3F94];
	s0 =	simm.s32 @p0 $0x1  }
0x13: {  	[smem:$0x3FAF] =	sst s0;
	s0 =	simm.s32 @!p1 $0x0  }
0x14: {  	s2 =	sld [smem:$0x3F93];
	s0 =	simm.s32 @p1 $0x1  }
0x15: {  	[smem:$0x3FB0] =	sst s0;
	s0 =	simm.s32 @!p2 $0x0  }
0x16: {  	s3 =	sld [smem:$0x3FDB];
	s0 =	simm.s32 @p2 $0x1  }
0x17: {  	s4 =	simm.s32 $0x1BF5;
	[smem:$0x3FB2] =	sst s0  }
0x18: {  	s0 =	sld [smem:$0x3F95];
	_ =	swait.ge [sflag:s4], $0x0  }
0x19: {  	s7 =	sld [smem:$0x3F96]  }
0x1a: {  	s8 =	sadd.s32 $0xFFFFE003, lr  }
0x1b: {  	s9 =	sadd.s32 $0xFFFFFEF7, lr;
	s5 =	simm.s32 $0xFFFFFFFF;
	p2 =	slt.u32 s8, $0xFFFFF086  }
0x1c: {  	p1 =	slt.u32 s9, $0xF7A;
	s5 =	simm.s32 @!p2 $0x0  }
0x1d: {  	s5 =	simm.s32 @p1 $0x1;
	p0 =	seq.s32 s7, s2  }
0x1e: {  	s7 =	smul.u32 @!p0 $0xF7A, s2;
	p2 =	seq.s32 @!p0 s5, $0x0  }
0x1f: {  	s9 =	smul.u32 $0xF7A, s1;
	s8 =	simm.s32 @!p0 $0x1BF5;
	p2 =	por !p2, p0  }
0x20: {  	[sflag:s8] =	ssyncset.s32 @!p0 $0xFFFFF086;
	s6 =	sadd.s32 @!p0 s3, s7;
	s7 =	simm.s32 @!p0 $0x108  }
0x21: {  	s3 =	sadd.s32 s3, s9;
	s6 =	sadd.s32 @!p0 $0x88, s6;
	s7 =	simm.s32 @p2 $0x1082  }
0x22: {  	[simem:s7], [sflag:s8] =	dma.local @!p0 [hbm:s6], $0xF7A  }
0x23: {  	s9 =	sor.u32 $0xD0000000, s2;
	s6 =	simm.s32 $0x108;
	_ =	swait.ge @!p0 [sflag:s8], $0x0  }
0x24: {  	s3 =	sadd.s32 $0x88, s3;
	s6 =	simm.s32 @!p1 $0x1082;
	[sflag:s4] =	ssyncset.s32 $0xFFFFF086  }
0x25: {  	[simem:s6], [sflag:s4] =	dma.local [hbm:s3], $0xF7A  }
0x26: {  	[smem:$0x3F96] =	sst s1;
	(tag) =	ssettag s2;
	_ =	strace s9  }
0x27: {  	s1 =	sld [smem:$0x3FA6]  }
0x28: {  	s2 =	sld [smem:$0x3FA7]  }
0x29: {  	s4 =	sld [smem:$0x3FA9]  }
0x2a: {  	p0 =	seq.s32 s5, $0x0;
	s5 =	sld [smem:$0x3FAA]  }
0x2b: {  	s6 =	sld [smem:$0x3FAB]  }
0x2c: {  	s7 =	sld [smem:$0x3FAC]  }
0x2d: {  	s3 =	simm.s32 $0x108;
	s8 =	sld [smem:$0x3FAD]  }
0x2e: {  	s3 =	simm.s32 @!p0 $0x1082;
	s9 =	sld [smem:$0x3FAE]  }
0x2f: {  	lr =	sadd.s32 s0, s3;
	s0 =	sld [smem:$0x3FA5]  }
0x30: {  	s3 =	sld [smem:$0x3FA8]  }
0x31: {  	[smem:$0x3FB1] =	sst s10  }
0x32: {  	s10 =	sld [smem:$0x3FAF];
	_ =	sdelay $0x3  }
0x33: {  	p0 =	seq.s32 s10, $0x1;
	s10 =	sld [smem:$0x3FB1];
	_ =	sdelay $0x3  }
0x34: {  	[smem:$0x3FB1] =	sst s10  }
0x35: {  	s10 =	sld [smem:$0x3FB0];
	_ =	sdelay $0x3  }
0x36: {  	p1 =	seq.s32 s10, $0x1;
	s10 =	sld [smem:$0x3FB1];
	_ =	sdelay $0x3  }
0x37: {  	[smem:$0x3FB1] =	sst s10  }
0x38: {  	s10 =	sld [smem:$0x3FB2]  }
0x39: {  	_ = 	snop;
	(pc) =	sbr.ind lr, $3  }
0x3a: {  	_ = 	snop  }
0x3b: {  	_ = 	snop  }
0x3c: {  	p2 =	seq.s32 s10, $0x1;
	s10 =	sld [smem:$0x3FB1]  }
0x3d: {  	_ =	shalt  }
0x3e: {  	_ =	shalt  }
0x3f: {  	_ =	shalt  }
0x40: {  	_ =	shalt  }
0x41: {  	_ =	shalt  }
0x42: {  	_ =	shalt  }
0x43: {  	_ =	shalt  }
0x44: {  	_ =	shalt  }
0x45: {  	_ =	shalt  }
0x46: {  	_ =	shalt  }
0x47: {  	_ =	shalt  }
0x48: {  	_ =	shalt  }
0x49: {  	_ =	shalt  }
0x4a: {  	_ =	shalt  }
0x4b: {  	_ =	shalt  }
0x4c: {  	_ =	shalt  }
0x4d: {  	_ =	shalt  }
0x4e: {  	_ =	shalt  }
0x4f: {  	_ =	shalt  }
0x50: {  	_ =	shalt  }
0x51: {  	_ =	shalt  }
0x52: {  	_ =	shalt  }
0x53: {  	_ =	shalt  }
0x54: {  	_ =	shalt  }
0x55: {  	_ =	shalt  }
0x56: {  	_ =	shalt  }
0x57: {  	_ =	shalt  }
0x58: {  	_ =	shalt  }
0x59: {  	_ =	shalt  }
0x5a: {  	_ =	shalt  }
0x5b: {  	_ =	shalt  }
0x5c: {  	_ =	shalt  }
0x5d: {  	_ =	shalt  }
0x5e: {  	_ =	shalt  }
0x5f: {  	_ =	shalt  }
0x60: {  	_ =	shalt  }
0x61: {  	_ =	shalt  }
0x62: {  	_ =	shalt  }
0x63: {  	_ =	shalt  }
0x64: {  	_ =	shalt  }
0x65: {  	_ =	shalt  }
0x66: {  	_ =	shalt  }
0x67: {  	_ =	shalt  }
0x68: {  	_ =	shalt  }
0x69: {  	_ =	shalt  }
0x6a: {  	_ =	shalt  }
0x6b: {  	_ =	shalt  }
0x6c: {  	_ =	shalt  }
0x6d: {  	_ =	shalt  }
0x6e: {  	_ =	shalt  }
0x6f: {  	_ =	shalt  }
0x70: {  	_ =	shalt  }
0x71: {  	_ =	shalt  }
0x72: {  	_ =	shalt  }
0x73: {  	_ =	shalt  }
0x74: {  	_ =	shalt  }
0x75: {  	_ =	shalt  }
0x76: {  	_ =	shalt  }
0x77: {  	_ =	shalt  }
0x78: {  	_ =	shalt  }
0x79: {  	_ =	shalt  }
0x7a: {  	_ =	shalt  }
0x7b: {  	_ =	shalt  }
0x7c: {  	_ =	shalt  }
0x7d: {  	_ =	shalt  }
0x7e: {  	_ =	shalt  }
0x7f: {  	_ =	shalt  }
0x80: {  	_ =	shalt  }
0x81: {  	_ =	shalt  }
0x82: {  	_ =	shalt  }
0x83: {  	_ =	shalt  }
0x84: {  	_ =	shalt  }
0x85: {  	_ =	shalt  }
0x86: {  	_ =	shalt  }
0x87: {  	_ =	shalt  }
.Lfunc_end0:
.L_simem_size_0:
called_computation.1_lowered:
.L_overlay_start_0:
0x88: {  	s2 =	sld [smem:$0x3FD9]  }
0x89: {  	s3 =	sld [smem:$0x3FFE];
	_ =	sdelay $0x1  }
0x8a: {  	s1 =	srdreg.scid  }
0x8b: {  	s0 =	sand.u32 $0x1, s1  }
0x8c: {  	s16 =	sshll.u32 s0, $0xA;
	s2 =	sadd.s32 s3, s2  }
0x8d: {  	s2 =	sadd.s32 s2, s16  }
0x8e: {  	[smem:$0x3FBD] =	sst s2  }
0x8f: {  	_ = 	snop  }
0x90: {  	(tm) =	ssettm $0x1  }
0x91: {  	s17 =	sld [smem:$0x3FFB];
	_ =	sdelay $0x3  }
0x92: {  	_ =	strace s17  }
0x93: {  	s2 =	sld [smem:$0x3FFC];
	_ =	sdelay $0x3  }
0x94: {  	_ =	strace s2  }
0x95: {  	s2 =	sld [smem:$0x3FFD];
	_ =	sdelay $0x3  }
0x96: {  	_ =	strace s2  }
0x97: {  	_ =	strace $0x8FFFFFFF  }
0x98: {  	s18 =	sld [smem:$0x3FDB];
	_ =	sdelay $0x1  }
0x99: {  	s19 =	simm.s32 $_scs_section_size  }
0x9a: {  	s4 =	simm.s32 $_size__tile_overlayer_lowered;
	s5 =	simm.s32 $_tile_overlayer_lowered  }
0x9b: {  	s22 =	simm.s32 $0x1BFF;
	s21 =	sshll.u32 s5, $0x1;
	s2 =	sadd.s32 s19, s18  }
0x9c: {  	s6 =	simm.s32 $0x0;
	s20 =	sshll.u32 s4, $0x1;
	s4 =	sadd.s32 s21, s2  }
0x9d: {  	[timem:s6], [sflag:s22] =	dma.local [hbm:s4], s20  }
0x9e: {  	_ =	swait.ge [sflag:s22], s20  }
0x9f: {  	s3 =	ssub.s32 $0x0, s20;
	[sflag:s22] =	ssyncset.done $0x0  }
0xa0: {  	[sflag:s22] =	ssyncadd.s32 s3;
	_ =	sdelay $0x1  }
0xa1: {  	s23 =	simm.s32 $0x1B8B  }
0xa2: {  	_ =	swait.ge [sflag:s23], $0x1  }
0xa3: {  	[sflag:s23] =	ssyncset.done $0x0  }
0xa4: {  	s25 =	simm.s32 $0x1B8E;
	s24 =	sld [smem:$0x3FFE];
	[sflag:s23] =	ssyncadd.s32 $0xFFFFFFFF  }
0xa5: {  	s26 =	simm.s32 $execute0_lowered;
	[smem:$0x3FD2] =	sst s25  }
0xa6: {  	s4 =	sshll.u32 s26, $0x1;
	_ =	strace $0x80000049;
	[dreg:$0x1] =	wrdreg $0xFFFFFFFF  }
0xa7: {  	s28 =	simm.s32 $_size_execute0_lowered;
	s2 =	sadd.s32 s2, s4;
	[dreg:$0x0] =	wrdreg $0x0  }
0xa8: {  	s4 =	sshll.u32 s28, $0x1;
	[dreg:$0x2] =	wrdreg s2  }
0xa9: {  	[dreg:$0x3] =	wrdreg s4  }
0xaa: {  	[dreg:$0x4] =	wrdreg $0xC0  }
0xab: {  	_ =	task [dreg:s6], $0x5FFFF  }
0xac: {  	[dreg:$0x1] =	wrdreg $0xFFFFFFFF  }
0xad: {  	[dreg:$0x0] =	wrdreg $0x60  }
0xae: {  	[dreg:$0x2] =	wrdreg s24  }
0xaf: {  	[dreg:$0x3] =	wrdreg $0xB0000  }
0xb0: {  	[dreg:$0x4] =	wrdreg $0x9  }
0xb1: {  	_ =	task.clear_ibuf [dreg:s6], $0x5FFFF;
	_ =	strace $0x90000049  }
0xb2: {  	s29 =	simm.s32 $0x9;
	_ =	strace $0x8000004B  }
0xb3: {  	_ =	swait.ge [sflag:s29], $0x1  }
0xb4: {  	[sflag:s29] =	ssyncadd.s32 $0xFFFFFFFF  }
0xb5: {  	_ =	strace $0x9000004B  }
0xb6: {  	_ =	sfence  }
0xb7: {  	s30 =	sld [smem:$0x0];
	_ =	sdelay $0x2  }
0xb8: {  	s31 =	sshll.u32 s1, $0xD;
	s1 =	sshrl.u32 s1, $0x2  }
0xb9: {  	s3 =	sand.u32 $0x4000, s31;
	s1 =	sadd.s32 s1, s30  }
0xba: {  	s0 =	sor.u32 s3, s0;
	s1 =	sshll.u32 s1, $0x11  }
0xbb: {  	s0 =	sor.u32 s1, s0  }
0xbc: {  	s0 =	sadd.s32 $0x8F2B, s0  }
0xbd: {  	[sflag:s0] =	ssyncadd.remote.s32 $0x1  }
0xbe: {  	_ =	sfence.sel $0xFFFF  }
0xbf: {  	[dreg:$0x0] =	wrdreg $0xFFFFFFFF;
	(pc) =	sbr.abs _section_cstart, $3  }
0xc0: {  	[dreg:$0x1] =	wrdreg $0xFFFFFFFF  }
0xc1: {  	_ =	task.clear_ibuf [dreg:s6], $0x2FFFF;
	_ =	strace $0x9FFFFFFF  }
0xc2: {  	(tm) =	ssettm $0x7FFFFFFF  }
0xc3: {  	_ =	shalt  }
tec
execute0_lowered:
.L_overlay_start_1:
0x0: {  	(tag) =	ssettag $0x1  }
0x1: {  	s0 =	rddreg [dreg:$0x0];
	s1 =	srdreg.scid  }
0x2: {  	s2 =	rddreg [dreg:$0x1];
	s9 =	stileid.u32  }
0x3: {  	s3 =	simm.s32 $0x0;
	s12 =	simm.s32 $0x6;
	s14 =	simm.s32 $0x80  }
0x4: {  	s15 =	simm.s32 $0x5000;
	s16 =	simm.s32 $0x6800;
	s17 =	simm.s32 $0x100  }
0x5: {  	s18 =	simm.s32 $0x8000;
	s19 =	simm.s32 $0x180;
	s20 =	simm.s32 $0x9800  }
0x6: {  	s21 =	simm.s32 $0x1;
	s22 =	simm.s32 $0x2;
	s23 =	simm.s32 $0x3  }
0x7: {  	s24 =	simm.s32 $0x4;
	s25 =	simm.s32 $0x5;
	s28 =	simm.s32 $0x4E80  }
0x8: {  	s29 =	simm.s32 $0x4F00;
	s30 =	simm.s32 $0x4F80;
	s31 =	simm.s32 $0x0  }
0x9: {  	s1 =	sand.u32 $0x1, s1;
	s6 =	smul.u32 $0xF000, s9;
	[smem:$0x7FF] =	sst s3  }
0xa: {  	s4 =	sshll.u32 s1, $0x4;
	s5 =	smul.u32 $0xF0000, s1;
	s1 =	ssub.s32 $0x2, s1  }
0xb: {  	_ =	strace $0x8000004A;
	s4 =	sor.u32 s9, s4;
	s26 =	sshrl.u32 s1, $0x1  }
0xc: {  	s9 =	sshll.u32 s9, $0x6;
	s4 =	smul.u32 $0x500, s4;
	s5 =	sadd.s32 s6, s5  }
0xd: {  	s6 =	sshrl.u32 s6, $0x1;
	s1 =	ssub.s32 s1, s26;
	s26 =	simm.s32 $0x4E00  }
0xe: {  	s7 =	sshrl.u32 s5, $0x4;
	s5 =	sadd.s32 $0x21400, s0;
	s11 =	sadd.s32 s6, s2  }
0xf: {  	s6 =	sor.u32 $0x1C06, s9;
	s10 =	smax.u32 s1, $0x1;
	s8 =	sadd.s32 s4, s0  }
0x10: {  	s4 =	sadd.s32 $0x72400, s0;
	s0 =	sadd.s32 s7, s0;
	s11 =	sshrl.u32 s11, $0x3  }
0x11: {  	s7 =	sadd.s32 $0xCE00, s8;
	s8 =	sadd.s32 $0x2E00, s8;
	s9 =	sadd.s32 $0x81400, s0  }
.LBB2_1:
0x12: {  	[spmem:s11], [sflag:s6] =	dma.local [hbm:s5], $0xF00  }
0x13: {  	_ =	swait.ge [sflag:s12], $0xF00  }
0x14: {  	[sflag:s12] =	ssyncset.done $0x0  }
0x15: {  	[sflag:s12] =	ssyncadd.s32 $0xFFFFF100  }
0x16: {  	[tilespmem:s3], [sflag:$0x6] =	stream.linear.gather [hbm4b:s7+s3], $0x2800, $0x38;
	[tilespmem:$0x12800] =	vst v63  }
0x17: {  	_ =	swait.ge [sflag:s12], $0x2800  }
0x18: {  	[sflag:s12] =	ssyncset.done $0x0  }
0x19: {  	s0 =	simm.s32 $0x2800;
	[sflag:s12] =	ssyncadd.s32 $0xFFFFD800  }
0x1a: {  	[tilespmem:s0], [sflag:$0x6] =	stream.linear.gather [hbm4b:s8+s3], $0x2800, $0x38;
	[tilespmem:$0x12800] =	vst v63  }
0x1b: {  	_ =	swait.ge [sflag:s12], $0x2800  }
0x1c: {  	[sflag:s12] =	ssyncset.done $0x0  }
0x1d: {  	[sflag:s12] =	ssyncadd.s32 $0xFFFFD800  }
0x1e: {  	[bflag:$0x0] =	sbarrier.arrive $0xFFFF  }
0x1f: {  	[tilespmem:s15], [sflag:$0x1] =	stream.indirect.gather [hbm4b:s4+s14], $0x30, s3, s14, $0xb8;
	[tilespmem:$0x12800] =	vst v63  }
0x20: {  	_ = 	snop  }
0x21: {  	[tilespmem:s16], [sflag:$0x2] =	stream.indirect.gather [hbm4b:s4+s14], $0x30, s14, s14, $0xb8;
	[tilespmem:$0x12800] =	vst v63  }
0x22: {  	_ = 	snop  }
0x23: {  	[tilespmem:s18], [sflag:$0x3] =	stream.indirect.gather [hbm4b:s4+s14], $0x30, s17, s14, $0xb8;
	[tilespmem:$0x12800] =	vst v63  }
0x24: {  	_ = 	snop  }
0x25: {  	[tilespmem:s20], [sflag:$0x4] =	stream.indirect.gather [hbm4b:s4+s14], $0x30, s19, s14, $0xb8;
	[tilespmem:$0x12800] =	vst v63  }
0x26: {  	_ =	swait.ge [sflag:s21], $0x1800  }
0x27: {  	[sflag:s21] =	ssyncset.done $0x0  }
0x28: {  	s13 =	simm.s32 $0x2800;
	[sflag:s21] =	ssyncadd.s32 $0xFFFFE800  }
0x29: {  	[spmem:s2] =	stream.indirect.scatter.add.bf16 [tilespmem:s15], [sflag:$0x5], $0x30, s13, s14, $0xb8;
	[tilespmem:$0x12800] =	vst v63  }
0x2a: {  	_ =	swait.ge [sflag:s22], $0x1800  }
0x2b: {  	[sflag:s22] =	ssyncset.done $0x0  }
0x2c: {  	s1 =	simm.s32 $0x2880;
	[sflag:s22] =	ssyncadd.s32 $0xFFFFE800  }
0x2d: {  	[spmem:s2] =	stream.indirect.scatter.add.bf16 [tilespmem:s16], [sflag:$0x5], $0x30, s1, s14, $0xb8;
	[tilespmem:$0x12800] =	vst v63  }
0x2e: {  	_ =	swait.ge [sflag:s23], $0x1800  }
0x2f: {  	[sflag:s23] =	ssyncset.done $0x0  }
0x30: {  	s13 =	simm.s32 $0x2900;
	[sflag:s23] =	ssyncadd.s32 $0xFFFFE800  }
0x31: {  	[spmem:s2] =	stream.indirect.scatter.add.bf16 [tilespmem:s18], [sflag:$0x5], $0x30, s13, s14, $0xb8;
	[tilespmem:$0x12800] =	vst v63  }
0x32: {  	_ =	swait.ge [sflag:s24], $0x1800  }
0x33: {  	[sflag:s24] =	ssyncset.done $0x0  }
0x34: {  	s1 =	simm.s32 $0x2980;
	[sflag:s24] =	ssyncadd.s32 $0xFFFFE800  }
0x35: {  	[spmem:s2] =	stream.indirect.scatter.add.bf16 [tilespmem:s20], [sflag:$0x5], $0x30, s1, s14, $0xb8;
	[tilespmem:$0x12800] =	vst v63  }
0x36: {  	_ =	swait.ge [sflag:s25], $0x1800  }
0x37: {  	[sflag:s25] =	ssyncset.done $0x0  }
0x38: {  	s13 =	simm.s32 $0x200;
	[sflag:s25] =	ssyncadd.s32 $0xFFFFE800  }
0x39: {  	[tilespmem:s15], [sflag:$0x1] =	stream.indirect.gather [hbm4b:s4+s14], $0x30, s13, s14, $0xb8;
	[tilespmem:$0x12800] =	vst v63  }
0x3a: {  	_ =	swait.ge [sflag:s25], $0x1800  }
0x3b: {  	[sflag:s25] =	ssyncset.done $0x0  }
0x3c: {  	s1 =	simm.s32 $0x280;
	[sflag:s25] =	ssyncadd.s32 $0xFFFFE800  }
0x3d: {  	[tilespmem:s16], [sflag:$0x2] =	stream.indirect.gather [hbm4b:s4+s14], $0x30, s1, s14, $0xb8;
	[tilespmem:$0x12800] =	vst v63  }
0x3e: {  	_ =	swait.ge [sflag:s25], $0x1800  }
0x3f: {  	[sflag:s25] =	ssyncset.done $0x0  }
0x40: {  	s13 =	simm.s32 $0x300;
	[sflag:s25] =	ssyncadd.s32 $0xFFFFE800  }
0x41: {  	[tilespmem:s18], [sflag:$0x3] =	stream.indirect.gather [hbm4b:s4+s14], $0x30, s13, s14, $0xb8;
	[tilespmem:$0x12800] =	vst v63  }
0x42: {  	_ =	swait.ge [sflag:s25], $0x1800  }
0x43: {  	[sflag:s25] =	ssyncset.done $0x0  }
0x44: {  	s0 =	simm.s32 $0x800;
	s1 =	simm.s32 $0x380;
	[sflag:s25] =	ssyncadd.s32 $0xFFFFE800  }
.LBB2_2:
0x45: {  	[tilespmem:s20], [sflag:$0x4] =	stream.indirect.gather [hbm4b:s4+s14], $0x30, s1, s14, $0xb8;
	[tilespmem:$0x12800] =	vst v63  }
0x46: {  	s1 =	smov.u32 s0  }
0x47: {  	p0 =	sne.s32 s0, $0x9000;
	s0 =	sadd.s32 $0x800, s0;
	_ =	swait.ge [sflag:s21], $0x1800  }
0x48: {  	s1 =	sshra.s32 s1, $0x2;
	[sflag:s21] =	ssyncset.done $0x0  }
0x49: {  	s13 =	sadd.s32 $0x2800, s1;
	[sflag:s21] =	ssyncadd.s32 $0xFFFFE800  }
0x4a: {  	[spmem:s2] =	stream.indirect.scatter.add.bf16 [tilespmem:s15], [sflag:$0x5], $0x30, s13, s14, $0xb8;
	[tilespmem:$0x12800] =	vst v63  }
0x4b: {  	_ =	swait.ge [sflag:s22], $0x1800  }
0x4c: {  	[sflag:s22] =	ssyncset.done $0x0  }
0x4d: {  	s13 =	sadd.s32 $0x2880, s1;
	[sflag:s22] =	ssyncadd.s32 $0xFFFFE800  }
0x4e: {  	[spmem:s2] =	stream.indirect.scatter.add.bf16 [tilespmem:s16], [sflag:$0x5], $0x30, s13, s14, $0xb8;
	[tilespmem:$0x12800] =	vst v63  }
0x4f: {  	_ =	swait.ge [sflag:s23], $0x1800  }
0x50: {  	[sflag:s23] =	ssyncset.done $0x0  }
0x51: {  	s13 =	sadd.s32 $0x2900, s1;
	[sflag:s23] =	ssyncadd.s32 $0xFFFFE800  }
0x52: {  	[spmem:s2] =	stream.indirect.scatter.add.bf16 [tilespmem:s18], [sflag:$0x5], $0x30, s13, s14, $0xb8;
	[tilespmem:$0x12800] =	vst v63  }
0x53: {  	_ =	swait.ge [sflag:s24], $0x1800  }
0x54: {  	[sflag:s24] =	ssyncset.done $0x0  }
0x55: {  	s13 =	sadd.s32 $0x2980, s1;
	[sflag:s24] =	ssyncadd.s32 $0xFFFFE800  }
0x56: {  	[spmem:s2] =	stream.indirect.scatter.add.bf16 [tilespmem:s20], [sflag:$0x5], $0x30, s13, s14, $0xb8;
	[tilespmem:$0x12800] =	vst v63  }
0x57: {  	_ =	swait.ge [sflag:s25], $0x1800  }
0x58: {  	[sflag:s25] =	ssyncset.done $0x0  }
0x59: {  	s13 =	sadd.s32 $0x200, s1;
	[sflag:s25] =	ssyncadd.s32 $0xFFFFE800  }
0x5a: {  	[tilespmem:s15], [sflag:$0x1] =	stream.indirect.gather [hbm4b:s4+s14], $0x30, s13, s14, $0xb8;
	[tilespmem:$0x12800] =	vst v63  }
0x5b: {  	_ =	swait.ge [sflag:s25], $0x1800  }
0x5c: {  	[sflag:s25] =	ssyncset.done $0x0  }
0x5d: {  	s13 =	sadd.s32 $0x280, s1;
	[sflag:s25] =	ssyncadd.s32 $0xFFFFE800  }
0x5e: {  	[tilespmem:s16], [sflag:$0x2] =	stream.indirect.gather [hbm4b:s4+s14], $0x30, s13, s14, $0xb8;
	[tilespmem:$0x12800] =	vst v63  }
0x5f: {  	_ =	swait.ge [sflag:s25], $0x1800  }
0x60: {  	[sflag:s25] =	ssyncset.done $0x0  }
.Ltmp0:
0x61: {  	s13 =	sadd.s32 $0x300, s1;
	[sflag:s25] =	ssyncadd.s32 $0xFFFFE800;
	(pc) =	sbr.rel @p0 .LBB2_2-.Ltmp0, $4  }
0x62: {  	[tilespmem:s18], [sflag:$0x3] =	stream.indirect.gather [hbm4b:s4+s14], $0x30, s13, s14, $0xb8;
	[tilespmem:$0x12800] =	vst v63  }
0x63: {  	_ =	swait.ge [sflag:s25], $0x1800  }
0x64: {  	[sflag:s25] =	ssyncset.done $0x0  }
0x65: {  	s1 =	sadd.s32 $0x380, s1;
	[sflag:s25] =	ssyncadd.s32 $0xFFFFE800  }
0x66: {  	[tilespmem:s20], [sflag:$0x4] =	stream.indirect.gather [hbm4b:s4+s14], $0x30, s1, s14, $0xb8;
	[tilespmem:$0x12800] =	vst v63  }
0x67: {  	_ =	swait.ge [sflag:s21], $0x1800  }
0x68: {  	[sflag:s21] =	ssyncset.done $0x0  }
0x69: {  	[sflag:s21] =	ssyncadd.s32 $0xFFFFE800  }
0x6a: {  	[spmem:s2] =	stream.indirect.scatter.add.bf16 [tilespmem:s15], [sflag:$0x5], $0x30, s26, s14, $0xb8;
	[tilespmem:$0x12800] =	vst v63  }
0x6b: {  	_ =	swait.ge [sflag:s22], $0x1800  }
0x6c: {  	[sflag:s22] =	ssyncset.done $0x0  }
0x6d: {  	[sflag:s22] =	ssyncadd.s32 $0xFFFFE800  }
0x6e: {  	[spmem:s2] =	stream.indirect.scatter.add.bf16 [tilespmem:s16], [sflag:$0x5], $0x30, s28, s14, $0xb8;
	[tilespmem:$0x12800] =	vst v63  }
0x6f: {  	_ =	swait.ge [sflag:s23], $0x1800  }
0x70: {  	[sflag:s23] =	ssyncset.done $0x0  }
0x71: {  	[sflag:s23] =	ssyncadd.s32 $0xFFFFE800  }
0x72: {  	[spmem:s2] =	stream.indirect.scatter.add.bf16 [tilespmem:s18], [sflag:$0x5], $0x30, s29, s14, $0xb8;
	[tilespmem:$0x12800] =	vst v63  }
0x73: {  	_ =	swait.ge [sflag:s24], $0x1800  }
0x74: {  	[sflag:s24] =	ssyncset.done $0x0  }
0x75: {  	[sflag:s24] =	ssyncadd.s32 $0xFFFFE800  }
0x76: {  	[spmem:s2] =	stream.indirect.scatter.add.bf16 [tilespmem:s20], [sflag:$0x5], $0x30, s30, s14, $0xb8;
	[tilespmem:$0x12800] =	vst v63  }
0x77: {  	_ =	swait.ge [sflag:s25], $0x1800  }
0x78: {  	[sflag:s25] =	ssyncset.done $0x0  }
0x79: {  	[sflag:s25] =	ssyncadd.s32 $0xFFFFE800  }
0x7a: {  	_ =	swait.ge [sflag:s25], $0x1800  }
0x7b: {  	[sflag:s25] =	ssyncset.done $0x0  }
0x7c: {  	[sflag:s25] =	ssyncadd.s32 $0xFFFFE800  }
0x7d: {  	_ =	swait.ge [sflag:s25], $0x1800  }
0x7e: {  	[sflag:s25] =	ssyncset.done $0x0  }
0x7f: {  	[sflag:s25] =	ssyncadd.s32 $0xFFFFE800  }
0x80: {  	_ =	swait.ge [sflag:s25], $0x1800  }
0x81: {  	s31 =	sadd.s32 $0x1, s31;
	[sflag:s25] =	ssyncset.done $0x0  }
0x82: {  	p0 =	sne.s32 s31, s10;
	[sflag:s25] =	ssyncadd.s32 $0xFFFFE800  }
.Ltmp1:
0x83: {  	[bflag:$0x0] =	sbarrier.arrive $0xFFFF;
	(pc) =	sbr.rel @p0 .LBB2_1-.Ltmp1, $4  }
0x84: {  	[hbm:s9], [sflag:s6] =	dma.local [spmem:s11], $0xF00  }
0x85: {  	_ =	swait.ge [sflag:s12], $0xF00  }
0x86: {  	[sflag:s12] =	ssyncset.done $0x0  }
0x87: {  	[sflag:s12] =	ssyncadd.s32 $0xFFFFF100  }
0x88: {  	_ =	sfence.sel $0x180000  }
0x89: {  	[bflag:$0x0] =	sbarrier.arrive $0xFFFF  }
0x8a: {  	_ =	strace $0x9000004A  }
0x8b: {  	s0 =	stileid.u32;
	[bflag:$0x2] =	sbarrier.arrive $0xFFFF  }
0x8c: {  	p0 =	sne.s32 s0, $0x0;
	s0 =	rddreg [dreg:$0x2]  }
0x8d: {  	s0 =	sadd.s32 @!p0 $0x100000, s0  }
0x8e: {  	[sflag:s0] =	ssyncadd.tile.s32 @!p0 $0x1;
	_ =	shalt  }
.Lfunc_end2:
_tile_overlayer_lowered:
.L_overlay_start_2:
0x8f: {  	(tag) =	ssettag $0x2  }
0x90: {  	s0 =	rddreg [dreg:$0x0];
	s2 =	stileid.u32  }
0x91: {  	s1 =	rddreg [dreg:$0x1];
	p0 =	sne.s32 s2, $0x0  }
0x92: {  	s3 =	rddreg [dreg:$0x2];
	[bflag:$0x3] =	sbarrier.arrive $0xFFFF;
	s2 =	simm.s32 @!p0 $0x1C06  }
0x93: {  	[timem:s3], [sflag:s2] =	dma.local @!p0 [hbm:s0], s1  }
0x94: {  	s0 =	simm.s32 @!p0 $0x6  }
0x95: {  	_ =	swait.ge @!p0 [sflag:s0], s1  }
0x96: {  	s1 =	ssub.s32 @!p0 $0x0, s1;
	[sflag:s0] =	ssyncset.done @!p0 $0x0  }
0x97: {  	[sflag:s0] =	ssyncadd.s32 @!p0 s1  }
0x98: {  	[bflag:$0x3] =	sbarrier.arrive $0xFFFF  }
0x99: {  	_ =	shalt  }

// kernel: kernel.16.cloned.1.call-start
scs
__scs_entry_jumppad:
0x0: {  	(pc) =	sbr.rel $0x88, $3  }
0x1: {  	(tag) =	ssettag $0x0;
	lr =	simm.s32 $0x1  }
0x2: {  	[smem:$0x3F96] =	sst lr;
	_ =	strace $0xD0000000  }
0x3: {  	_ = 	snop  }
0x4: {  	_ = 	snop  }
0x5: {  	_ = 	snop  }
0x6: {  	_ = 	snop  }
0x7: {  	_ = 	snop  }
__scs_overlays_trampoline_lowered:
0x8: {  	[smem:$0x3FA5] =	sst s0  }
0x9: {  	[smem:$0x3FA6] =	sst s1  }
0xa: {  	[smem:$0x3FA7] =	sst s2  }
0xb: {  	[smem:$0x3FA8] =	sst s3  }
0xc: {  	[smem:$0x3FA9] =	sst s4  }
0xd: {  	[smem:$0x3FAA] =	sst s5  }
0xe: {  	[smem:$0x3FAB] =	sst s6  }
0xf: {  	[smem:$0x3FAC] =	sst s7  }
0x10: {  	[smem:$0x3FAD] =	sst s8  }
0x11: {  	[smem:$0x3FAE] =	sst s9;
	s0 =	simm.s32 @!p0 $0x0  }
0x12: {  	s1 =	sld [smem:$0x3F94];
	s0 =	simm.s32 @p0 $0x1  }
0x13: {  	[smem:$0x3FAF] =	sst s0;
	s0 =	simm.s32 @!p1 $0x0  }
0x14: {  	s2 =	sld [smem:$0x3F93];
	s0 =	simm.s32 @p1 $0x1  }
0x15: {  	[smem:$0x3FB0] =	sst s0;
	s0 =	simm.s32 @!p2 $0x0  }
0x16: {  	s3 =	sld [smem:$0x3FDB];
	s0 =	simm.s32 @p2 $0x1  }
0x17: {  	s4 =	simm.s32 $0x1BF5;
	[smem:$0x3FB2] =	sst s0  }
0x18: {  	s0 =	sld [smem:$0x3F95];
	_ =	swait.ge [sflag:s4], $0x0  }
0x19: {  	s7 =	sld [smem:$0x3F96]  }
0x1a: {  	s8 =	sadd.s32 $0xFFFFE003, lr  }
0x1b: {  	s9 =	sadd.s32 $0xFFFFFEF7, lr;
	s5 =	simm.s32 $0xFFFFFFFF;
	p2 =	slt.u32 s8, $0xFFFFF086  }
0x1c: {  	p1 =	slt.u32 s9, $0xF7A;
	s5 =	simm.s32 @!p2 $0x0  }
0x1d: {  	s5 =	simm.s32 @p1 $0x1;
	p0 =	seq.s32 s7, s2  }
0x1e: {  	s7 =	smul.u32 @!p0 $0xF7A, s2;
	p2 =	seq.s32 @!p0 s5, $0x0  }
0x1f: {  	s9 =	smul.u32 $0xF7A, s1;
	s8 =	simm.s32 @!p0 $0x1BF5;
	p2 =	por !p2, p0  }
0x20: {  	[sflag:s8] =	ssyncset.s32 @!p0 $0xFFFFF086;
	s6 =	sadd.s32 @!p0 s3, s7;
	s7 =	simm.s32 @!p0 $0x108  }
0x21: {  	s3 =	sadd.s32 s3, s9;
	s6 =	sadd.s32 @!p0 $0x88, s6;
	s7 =	simm.s32 @p2 $0x1082  }
0x22: {  	[simem:s7], [sflag:s8] =	dma.local @!p0 [hbm:s6], $0xF7A  }
0x23: {  	s9 =	sor.u32 $0xD0000000, s2;
	s6 =	simm.s32 $0x108;
	_ =	swait.ge @!p0 [sflag:s8], $0x0  }
0x24: {  	s3 =	sadd.s32 $0x88, s3;
	s6 =	simm.s32 @!p1 $0x1082;
	[sflag:s4] =	ssyncset.s32 $0xFFFFF086  }
0x25: {  	[simem:s6], [sflag:s4] =	dma.local [hbm:s3], $0xF7A  }
0x26: {  	[smem:$0x3F96] =	sst s1;
	(tag) =	ssettag s2;
	_ =	strace s9  }
0x27: {  	s1 =	sld [smem:$0x3FA6]  }
0x28: {  	s2 =	sld [smem:$0x3FA7]  }
0x29: {  	s4 =	sld [smem:$0x3FA9]  }
0x2a: {  	p0 =	seq.s32 s5, $0x0;
	s5 =	sld [smem:$0x3FAA]  }
0x2b: {  	s6 =	sld [smem:$0x3FAB]  }
0x2c: {  	s7 =	sld [smem:$0x3FAC]  }
0x2d: {  	s3 =	simm.s32 $0x108;
	s8 =	sld [smem:$0x3FAD]  }
0x2e: {  	s3 =	simm.s32 @!p0 $0x1082;
	s9 =	sld [smem:$0x3FAE]  }
0x2f: {  	lr =	sadd.s32 s0, s3;
	s0 =	sld [smem:$0x3FA5]  }
0x30: {  	s3 =	sld [smem:$0x3FA8]  }
0x31: {  	[smem:$0x3FB1] =	sst s10  }
0x32: {  	s10 =	sld [smem:$0x3FAF];
	_ =	sdelay $0x3  }
0x33: {  	p0 =	seq.s32 s10, $0x1;
	s10 =	sld [smem:$0x3FB1];
	_ =	sdelay $0x3  }
0x34: {  	[smem:$0x3FB1] =	sst s10  }
0x35: {  	s10 =	sld [smem:$0x3FB0];
	_ =	sdelay $0x3  }
0x36: {  	p1 =	seq.s32 s10, $0x1;
	s10 =	sld [smem:$0x3FB1];
	_ =	sdelay $0x3  }
0x37: {  	[smem:$0x3FB1] =	sst s10  }
0x38: {  	s10 =	sld [smem:$0x3FB2]  }
0x39: {  	_ = 	snop;
	(pc) =	sbr.ind lr, $3  }
0x3a: {  	_ = 	snop  }
0x3b: {  	_ = 	snop  }
0x3c: {  	p2 =	seq.s32 s10, $0x1;
	s10 =	sld [smem:$0x3FB1]  }
0x3d: {  	_ =	shalt  }
0x3e: {  	_ =	shalt  }
0x3f: {  	_ =	shalt  }
0x40: {  	_ =	shalt  }
0x41: {  	_ =	shalt  }
0x42: {  	_ =	shalt  }
0x43: {  	_ =	shalt  }
0x44: {  	_ =	shalt  }
0x45: {  	_ =	shalt  }
0x46: {  	_ =	shalt  }
0x47: {  	_ =	shalt  }
0x48: {  	_ =	shalt  }
0x49: {  	_ =	shalt  }
0x4a: {  	_ =	shalt  }
0x4b: {  	_ =	shalt  }
0x4c: {  	_ =	shalt  }
0x4d: {  	_ =	shalt  }
0x4e: {  	_ =	shalt  }
0x4f: {  	_ =	shalt  }
0x50: {  	_ =	shalt  }
0x51: {  	_ =	shalt  }
0x52: {  	_ =	shalt  }
0x53: {  	_ =	shalt  }
0x54: {  	_ =	shalt  }
0x55: {  	_ =	shalt  }
0x56: {  	_ =	shalt  }
0x57: {  	_ =	shalt  }
0x58: {  	_ =	shalt  }
0x59: {  	_ =	shalt  }
0x5a: {  	_ =	shalt  }
0x5b: {  	_ =	shalt  }
0x5c: {  	_ =	shalt  }
0x5d: {  	_ =	shalt  }
0x5e: {  	_ =	shalt  }
0x5f: {  	_ =	shalt  }
0x60: {  	_ =	shalt  }
0x61: {  	_ =	shalt  }
0x62: {  	_ =	shalt  }
0x63: {  	_ =	shalt  }
0x64: {  	_ =	shalt  }
0x65: {  	_ =	shalt  }
0x66: {  	_ =	shalt  }
0x67: {  	_ =	shalt  }
0x68: {  	_ =	shalt  }
0x69: {  	_ =	shalt  }
0x6a: {  	_ =	shalt  }
0x6b: {  	_ =	shalt  }
0x6c: {  	_ =	shalt  }
0x6d: {  	_ =	shalt  }
0x6e: {  	_ =	shalt  }
0x6f: {  	_ =	shalt  }
0x70: {  	_ =	shalt  }
0x71: {  	_ =	shalt  }
0x72: {  	_ =	shalt  }
0x73: {  	_ =	shalt  }
0x74: {  	_ =	shalt  }
0x75: {  	_ =	shalt  }
0x76: {  	_ =	shalt  }
0x77: {  	_ =	shalt  }
0x78: {  	_ =	shalt  }
0x79: {  	_ =	shalt  }
0x7a: {  	_ =	shalt  }
0x7b: {  	_ =	shalt  }
0x7c: {  	_ =	shalt  }
0x7d: {  	_ =	shalt  }
0x7e: {  	_ =	shalt  }
0x7f: {  	_ =	shalt  }
0x80: {  	_ =	shalt  }
0x81: {  	_ =	shalt  }
0x82: {  	_ =	shalt  }
0x83: {  	_ =	shalt  }
0x84: {  	_ =	shalt  }
0x85: {  	_ =	shalt  }
0x86: {  	_ =	shalt  }
0x87: {  	_ =	shalt  }
.Lfunc_end0:
.L_simem_size_0:
called_computation.2_lowered:
.L_overlay_start_0:
0x88: {  	s2 =	sld [smem:$0x3FD9]  }
0x89: {  	s3 =	sld [smem:$0x3FFE];
	_ =	sdelay $0x1  }
0x8a: {  	s1 =	srdreg.scid  }
0x8b: {  	s0 =	sand.u32 $0x1, s1  }
0x8c: {  	s16 =	sshll.u32 s0, $0xA;
	s2 =	sadd.s32 s3, s2  }
0x8d: {  	s2 =	sadd.s32 s2, s16  }
0x8e: {  	[smem:$0x3FBD] =	sst s2  }
0x8f: {  	_ = 	snop  }
0x90: {  	(tm) =	ssettm $0x1  }
0x91: {  	s17 =	sld [smem:$0x3FFB];
	_ =	sdelay $0x3  }
0x92: {  	_ =	strace s17  }
0x93: {  	s2 =	sld [smem:$0x3FFC];
	_ =	sdelay $0x3  }
0x94: {  	_ =	strace s2  }
0x95: {  	s2 =	sld [smem:$0x3FFD];
	_ =	sdelay $0x3  }
0x96: {  	_ =	strace s2  }
0x97: {  	_ =	strace $0x8FFFFFFF  }
0x98: {  	s18 =	sld [smem:$0x3FDB];
	_ =	sdelay $0x1  }
0x99: {  	s19 =	simm.s32 $_scs_section_size  }
0x9a: {  	s4 =	simm.s32 $_size__tile_overlayer_lowered;
	s5 =	simm.s32 $_tile_overlayer_lowered  }
0x9b: {  	s22 =	simm.s32 $0x1BFF;
	s21 =	sshll.u32 s5, $0x1;
	s2 =	sadd.s32 s19, s18  }
0x9c: {  	s6 =	simm.s32 $0x0;
	s20 =	sshll.u32 s4, $0x1;
	s4 =	sadd.s32 s21, s2  }
0x9d: {  	[timem:s6], [sflag:s22] =	dma.local [hbm:s4], s20  }
0x9e: {  	_ =	swait.ge [sflag:s22], s20  }
0x9f: {  	s3 =	ssub.s32 $0x0, s20;
	[sflag:s22] =	ssyncset.done $0x0  }
0xa0: {  	[sflag:s22] =	ssyncadd.s32 s3;
	_ =	sdelay $0x1  }
0xa1: {  	s23 =	simm.s32 $0x1B8B  }
0xa2: {  	_ =	swait.ge [sflag:s23], $0x1  }
0xa3: {  	[sflag:s23] =	ssyncset.done $0x0  }
0xa4: {  	s25 =	simm.s32 $0x1B8E;
	s24 =	sld [smem:$0x3FFE];
	[sflag:s23] =	ssyncadd.s32 $0xFFFFFFFF  }
0xa5: {  	s26 =	simm.s32 $execute0_lowered;
	[smem:$0x3FD2] =	sst s25  }
0xa6: {  	s4 =	sshll.u32 s26, $0x1;
	_ =	strace $0x8000004C;
	[dreg:$0x1] =	wrdreg $0xFFFFFFFF  }
0xa7: {  	s28 =	simm.s32 $_size_execute0_lowered;
	s2 =	sadd.s32 s2, s4;
	[dreg:$0x0] =	wrdreg $0x0  }
0xa8: {  	s4 =	sshll.u32 s28, $0x1;
	[dreg:$0x2] =	wrdreg s2  }
0xa9: {  	[dreg:$0x3] =	wrdreg s4  }
0xaa: {  	[dreg:$0x4] =	wrdreg $0xC0  }
0xab: {  	_ =	task [dreg:s6], $0x5FFFF  }
0xac: {  	[dreg:$0x1] =	wrdreg $0xFFFFFFFF  }
0xad: {  	[dreg:$0x0] =	wrdreg $0x60  }
0xae: {  	[dreg:$0x2] =	wrdreg s24  }
0xaf: {  	[dreg:$0x3] =	wrdreg $0x90000  }
0xb0: {  	[dreg:$0x4] =	wrdreg $0x9  }
0xb1: {  	_ =	task.clear_ibuf [dreg:s6], $0x5FFFF;
	_ =	strace $0x9000004C  }
0xb2: {  	s29 =	simm.s32 $0x9;
	_ =	strace $0x8000004E  }
0xb3: {  	_ =	swait.ge [sflag:s29], $0x1  }
0xb4: {  	[sflag:s29] =	ssyncadd.s32 $0xFFFFFFFF  }
0xb5: {  	_ =	strace $0x9000004E  }
0xb6: {  	_ =	sfence  }
0xb7: {  	s30 =	sld [smem:$0x0];
	_ =	sdelay $0x2  }
0xb8: {  	s31 =	sshll.u32 s1, $0xD;
	s1 =	sshrl.u32 s1, $0x2  }
0xb9: {  	s3 =	sand.u32 $0x4000, s31;
	s1 =	sadd.s32 s1, s30  }
0xba: {  	s0 =	sor.u32 s3, s0;
	s1 =	sshll.u32 s1, $0x11  }
0xbb: {  	s0 =	sor.u32 s1, s0  }
0xbc: {  	s0 =	sadd.s32 $0x8F2B, s0  }
0xbd: {  	[sflag:s0] =	ssyncadd.remote.s32 $0x1  }
0xbe: {  	_ =	sfence.sel $0xFFFF  }
0xbf: {  	[dreg:$0x0] =	wrdreg $0xFFFFFFFF;
	(pc) =	sbr.abs _section_cstart, $3  }
0xc0: {  	[dreg:$0x1] =	wrdreg $0xFFFFFFFF  }
0xc1: {  	_ =	task.clear_ibuf [dreg:s6], $0x2FFFF;
	_ =	strace $0x9FFFFFFF  }
0xc2: {  	(tm) =	ssettm $0x7FFFFFFF  }
0xc3: {  	_ =	shalt  }
tec
execute0_lowered:
.L_overlay_start_1:
0x0: {  	(tag) =	ssettag $0x1  }
0x1: {  	s0 =	rddreg [dreg:$0x0];
	s1 =	srdreg.scid  }
0x2: {  	s2 =	rddreg [dreg:$0x1];
	s9 =	stileid.u32  }
0x3: {  	s3 =	simm.s32 $0x0;
	s12 =	simm.s32 $0x6;
	s14 =	simm.s32 $0x80  }
0x4: {  	s15 =	simm.s32 $0x5000;
	s16 =	simm.s32 $0x6000;
	s17 =	simm.s32 $0x100  }
0x5: {  	s18 =	simm.s32 $0x7000;
	s19 =	simm.s32 $0x180;
	s20 =	simm.s32 $0x8000  }
0x6: {  	s21 =	simm.s32 $0x1;
	s22 =	simm.s32 $0x2;
	s23 =	simm.s32 $0x3  }
0x7: {  	s24 =	simm.s32 $0x4;
	s25 =	simm.s32 $0x5;
	s28 =	simm.s32 $0x4E80  }
0x8: {  	s29 =	simm.s32 $0x4F00;
	s30 =	simm.s32 $0x4F80;
	s31 =	simm.s32 $0x0  }
0x9: {  	s1 =	sand.u32 $0x1, s1;
	s6 =	smul.u32 $0xA000, s9;
	[smem:$0x7FF] =	sst s3  }
0xa: {  	s4 =	sshll.u32 s1, $0x4;
	s5 =	smul.u32 $0xA0000, s1;
	s1 =	ssub.s32 $0x2, s1  }
0xb: {  	_ =	strace $0x8000004D;
	s4 =	sor.u32 s9, s4;
	s26 =	sshrl.u32 s1, $0x1  }
0xc: {  	s9 =	sshll.u32 s9, $0x6;
	s4 =	smul.u32 $0x500, s4;
	s5 =	sadd.s32 s6, s5  }
0xd: {  	s6 =	sshrl.u32 s6, $0x1;
	s1 =	ssub.s32 s1, s26;
	s26 =	simm.s32 $0x4E00  }
0xe: {  	s7 =	sshrl.u32 s5, $0x4;
	s5 =	sadd.s32 $0x16E00, s0;
	s11 =	sadd.s32 s6, s2  }
0xf: {  	s6 =	sor.u32 $0x1C06, s9;
	s10 =	smax.u32 s1, $0x1;
	s8 =	sadd.s32 s4, s0  }
0x10: {  	s4 =	sadd.s32 $0x17800, s0;
	s0 =	sadd.s32 s7, s0;
	s11 =	sshrl.u32 s11, $0x3  }
0x11: {  	s7 =	sadd.s32 $0xCE00, s8;
	s8 =	sadd.s32 $0x2E00, s8;
	s9 =	sadd.s32 $0x72400, s0  }
.LBB2_1:
0x12: {  	[spmem:s11], [sflag:s6] =	dma.local [hbm:s5], $0xA00  }
0x13: {  	_ =	swait.ge [sflag:s12], $0xA00  }
0x14: {  	[sflag:s12] =	ssyncset.done $0x0  }
0x15: {  	[sflag:s12] =	ssyncadd.s32 $0xFFFFF600  }
0x16: {  	[tilespmem:s3], [sflag:$0x6] =	stream.linear.gather [hbm4b:s7+s3], $0x2800, $0x38;
	[tilespmem:$0xE000] =	vst v63  }
0x17: {  	_ =	swait.ge [sflag:s12], $0x2800  }
0x18: {  	[sflag:s12] =	ssyncset.done $0x0  }
0x19: {  	s0 =	simm.s32 $0x2800;
	[sflag:s12] =	ssyncadd.s32 $0xFFFFD800  }
0x1a: {  	[tilespmem:s0], [sflag:$0x6] =	stream.linear.gather [hbm4b:s8+s3], $0x2800, $0x38;
	[tilespmem:$0xE000] =	vst v63  }
0x1b: {  	_ =	swait.ge [sflag:s12], $0x2800  }
0x1c: {  	[sflag:s12] =	ssyncset.done $0x0  }
0x1d: {  	[sflag:s12] =	ssyncadd.s32 $0xFFFFD800  }
0x1e: {  	[bflag:$0x0] =	sbarrier.arrive $0xFFFF  }
0x1f: {  	[tilespmem:s15], [sflag:$0x1] =	stream.indirect.gather [hbm4b:s4+s14], $0x20, s3, s14, $0xb8;
	[tilespmem:$0xE000] =	vst v63  }
0x20: {  	_ = 	snop  }
0x21: {  	[tilespmem:s16], [sflag:$0x2] =	stream.indirect.gather [hbm4b:s4+s14], $0x20, s14, s14, $0xb8;
	[tilespmem:$0xE000] =	vst v63  }
0x22: {  	_ = 	snop  }
0x23: {  	[tilespmem:s18], [sflag:$0x3] =	stream.indirect.gather [hbm4b:s4+s14], $0x20, s17, s14, $0xb8;
	[tilespmem:$0xE000] =	vst v63  }
0x24: {  	_ = 	snop  }
0x25: {  	[tilespmem:s20], [sflag:$0x4] =	stream.indirect.gather [hbm4b:s4+s14], $0x20, s19, s14, $0xb8;
	[tilespmem:$0xE000] =	vst v63  }
0x26: {  	_ =	swait.ge [sflag:s21], $0x1000  }
0x27: {  	[sflag:s21] =	ssyncset.done $0x0  }
0x28: {  	s13 =	simm.s32 $0x2800;
	[sflag:s21] =	ssyncadd.s32 $0xFFFFF000  }
0x29: {  	[spmem:s2] =	stream.indirect.scatter.add.bf16 [tilespmem:s15], [sflag:$0x5], $0x20, s13, s14, $0xb8;
	[tilespmem:$0xE000] =	vst v63  }
0x2a: {  	_ =	swait.ge [sflag:s22], $0x1000  }
0x2b: {  	[sflag:s22] =	ssyncset.done $0x0  }
0x2c: {  	s1 =	simm.s32 $0x2880;
	[sflag:s22] =	ssyncadd.s32 $0xFFFFF000  }
0x2d: {  	[spmem:s2] =	stream.indirect.scatter.add.bf16 [tilespmem:s16], [sflag:$0x5], $0x20, s1, s14, $0xb8;
	[tilespmem:$0xE000] =	vst v63  }
0x2e: {  	_ =	swait.ge [sflag:s23], $0x1000  }
0x2f: {  	[sflag:s23] =	ssyncset.done $0x0  }
0x30: {  	s13 =	simm.s32 $0x2900;
	[sflag:s23] =	ssyncadd.s32 $0xFFFFF000  }
0x31: {  	[spmem:s2] =	stream.indirect.scatter.add.bf16 [tilespmem:s18], [sflag:$0x5], $0x20, s13, s14, $0xb8;
	[tilespmem:$0xE000] =	vst v63  }
0x32: {  	_ =	swait.ge [sflag:s24], $0x1000  }
0x33: {  	[sflag:s24] =	ssyncset.done $0x0  }
0x34: {  	s1 =	simm.s32 $0x2980;
	[sflag:s24] =	ssyncadd.s32 $0xFFFFF000  }
0x35: {  	[spmem:s2] =	stream.indirect.scatter.add.bf16 [tilespmem:s20], [sflag:$0x5], $0x20, s1, s14, $0xb8;
	[tilespmem:$0xE000] =	vst v63  }
0x36: {  	_ =	swait.ge [sflag:s25], $0x1000  }
0x37: {  	[sflag:s25] =	ssyncset.done $0x0  }
0x38: {  	s13 =	simm.s32 $0x200;
	[sflag:s25] =	ssyncadd.s32 $0xFFFFF000  }
0x39: {  	[tilespmem:s15], [sflag:$0x1] =	stream.indirect.gather [hbm4b:s4+s14], $0x20, s13, s14, $0xb8;
	[tilespmem:$0xE000] =	vst v63  }
0x3a: {  	_ =	swait.ge [sflag:s25], $0x1000  }
0x3b: {  	[sflag:s25] =	ssyncset.done $0x0  }
0x3c: {  	s1 =	simm.s32 $0x280;
	[sflag:s25] =	ssyncadd.s32 $0xFFFFF000  }
0x3d: {  	[tilespmem:s16], [sflag:$0x2] =	stream.indirect.gather [hbm4b:s4+s14], $0x20, s1, s14, $0xb8;
	[tilespmem:$0xE000] =	vst v63  }
0x3e: {  	_ =	swait.ge [sflag:s25], $0x1000  }
0x3f: {  	[sflag:s25] =	ssyncset.done $0x0  }
0x40: {  	s13 =	simm.s32 $0x300;
	[sflag:s25] =	ssyncadd.s32 $0xFFFFF000  }
0x41: {  	[tilespmem:s18], [sflag:$0x3] =	stream.indirect.gather [hbm4b:s4+s14], $0x20, s13, s14, $0xb8;
	[tilespmem:$0xE000] =	vst v63  }
0x42: {  	_ =	swait.ge [sflag:s25], $0x1000  }
0x43: {  	[sflag:s25] =	ssyncset.done $0x0  }
0x44: {  	s0 =	simm.s32 $0x800;
	s1 =	simm.s32 $0x380;
	[sflag:s25] =	ssyncadd.s32 $0xFFFFF000  }
.LBB2_2:
0x45: {  	[tilespmem:s20], [sflag:$0x4] =	stream.indirect.gather [hbm4b:s4+s14], $0x20, s1, s14, $0xb8;
	[tilespmem:$0xE000] =	vst v63  }
0x46: {  	s1 =	smov.u32 s0  }
0x47: {  	p0 =	sne.s32 s0, $0x9000;
	s0 =	sadd.s32 $0x800, s0;
	_ =	swait.ge [sflag:s21], $0x1000  }
0x48: {  	s1 =	sshra.s32 s1, $0x2;
	[sflag:s21] =	ssyncset.done $0x0  }
0x49: {  	s13 =	sadd.s32 $0x2800, s1;
	[sflag:s21] =	ssyncadd.s32 $0xFFFFF000  }
0x4a: {  	[spmem:s2] =	stream.indirect.scatter.add.bf16 [tilespmem:s15], [sflag:$0x5], $0x20, s13, s14, $0xb8;
	[tilespmem:$0xE000] =	vst v63  }
0x4b: {  	_ =	swait.ge [sflag:s22], $0x1000  }
0x4c: {  	[sflag:s22] =	ssyncset.done $0x0  }
0x4d: {  	s13 =	sadd.s32 $0x2880, s1;
	[sflag:s22] =	ssyncadd.s32 $0xFFFFF000  }
0x4e: {  	[spmem:s2] =	stream.indirect.scatter.add.bf16 [tilespmem:s16], [sflag:$0x5], $0x20, s13, s14, $0xb8;
	[tilespmem:$0xE000] =	vst v63  }
0x4f: {  	_ =	swait.ge [sflag:s23], $0x1000  }
0x50: {  	[sflag:s23] =	ssyncset.done $0x0  }
0x51: {  	s13 =	sadd.s32 $0x2900, s1;
	[sflag:s23] =	ssyncadd.s32 $0xFFFFF000  }
0x52: {  	[spmem:s2] =	stream.indirect.scatter.add.bf16 [tilespmem:s18], [sflag:$0x5], $0x20, s13, s14, $0xb8;
	[tilespmem:$0xE000] =	vst v63  }
0x53: {  	_ =	swait.ge [sflag:s24], $0x1000  }
0x54: {  	[sflag:s24] =	ssyncset.done $0x0  }
0x55: {  	s13 =	sadd.s32 $0x2980, s1;
	[sflag:s24] =	ssyncadd.s32 $0xFFFFF000  }
0x56: {  	[spmem:s2] =	stream.indirect.scatter.add.bf16 [tilespmem:s20], [sflag:$0x5], $0x20, s13, s14, $0xb8;
	[tilespmem:$0xE000] =	vst v63  }
0x57: {  	_ =	swait.ge [sflag:s25], $0x1000  }
0x58: {  	[sflag:s25] =	ssyncset.done $0x0  }
0x59: {  	s13 =	sadd.s32 $0x200, s1;
	[sflag:s25] =	ssyncadd.s32 $0xFFFFF000  }
0x5a: {  	[tilespmem:s15], [sflag:$0x1] =	stream.indirect.gather [hbm4b:s4+s14], $0x20, s13, s14, $0xb8;
	[tilespmem:$0xE000] =	vst v63  }
0x5b: {  	_ =	swait.ge [sflag:s25], $0x1000  }
0x5c: {  	[sflag:s25] =	ssyncset.done $0x0  }
0x5d: {  	s13 =	sadd.s32 $0x280, s1;
	[sflag:s25] =	ssyncadd.s32 $0xFFFFF000  }
0x5e: {  	[tilespmem:s16], [sflag:$0x2] =	stream.indirect.gather [hbm4b:s4+s14], $0x20, s13, s14, $0xb8;
	[tilespmem:$0xE000] =	vst v63  }
0x5f: {  	_ =	swait.ge [sflag:s25], $0x1000  }
0x60: {  	[sflag:s25] =	ssyncset.done $0x0  }
.Ltmp0:
0x61: {  	s13 =	sadd.s32 $0x300, s1;
	[sflag:s25] =	ssyncadd.s32 $0xFFFFF000;
	(pc) =	sbr.rel @p0 .LBB2_2-.Ltmp0, $4  }
0x62: {  	[tilespmem:s18], [sflag:$0x3] =	stream.indirect.gather [hbm4b:s4+s14], $0x20, s13, s14, $0xb8;
	[tilespmem:$0xE000] =	vst v63  }
0x63: {  	_ =	swait.ge [sflag:s25], $0x1000  }
0x64: {  	[sflag:s25] =	ssyncset.done $0x0  }
0x65: {  	s1 =	sadd.s32 $0x380, s1;
	[sflag:s25] =	ssyncadd.s32 $0xFFFFF000  }
0x66: {  	[tilespmem:s20], [sflag:$0x4] =	stream.indirect.gather [hbm4b:s4+s14], $0x20, s1, s14, $0xb8;
	[tilespmem:$0xE000] =	vst v63  }
0x67: {  	_ =	swait.ge [sflag:s21], $0x1000  }
0x68: {  	[sflag:s21] =	ssyncset.done $0x0  }
0x69: {  	[sflag:s21] =	ssyncadd.s32 $0xFFFFF000  }
0x6a: {  	[spmem:s2] =	stream.indirect.scatter.add.bf16 [tilespmem:s15], [sflag:$0x5], $0x20, s26, s14, $0xb8;
	[tilespmem:$0xE000] =	vst v63  }
0x6b: {  	_ =	swait.ge [sflag:s22], $0x1000  }
0x6c: {  	[sflag:s22] =	ssyncset.done $0x0  }
0x6d: {  	[sflag:s22] =	ssyncadd.s32 $0xFFFFF000  }
0x6e: {  	[spmem:s2] =	stream.indirect.scatter.add.bf16 [tilespmem:s16], [sflag:$0x5], $0x20, s28, s14, $0xb8;
	[tilespmem:$0xE000] =	vst v63  }
0x6f: {  	_ =	swait.ge [sflag:s23], $0x1000  }
0x70: {  	[sflag:s23] =	ssyncset.done $0x0  }
0x71: {  	[sflag:s23] =	ssyncadd.s32 $0xFFFFF000  }
0x72: {  	[spmem:s2] =	stream.indirect.scatter.add.bf16 [tilespmem:s18], [sflag:$0x5], $0x20, s29, s14, $0xb8;
	[tilespmem:$0xE000] =	vst v63  }
0x73: {  	_ =	swait.ge [sflag:s24], $0x1000  }
0x74: {  	[sflag:s24] =	ssyncset.done $0x0  }
0x75: {  	[sflag:s24] =	ssyncadd.s32 $0xFFFFF000  }
0x76: {  	[spmem:s2] =	stream.indirect.scatter.add.bf16 [tilespmem:s20], [sflag:$0x5], $0x20, s30, s14, $0xb8;
	[tilespmem:$0xE000] =	vst v63  }
0x77: {  	_ =	swait.ge [sflag:s25], $0x1000  }
0x78: {  	[sflag:s25] =	ssyncset.done $0x0  }
0x79: {  	[sflag:s25] =	ssyncadd.s32 $0xFFFFF000  }
0x7a: {  	_ =	swait.ge [sflag:s25], $0x1000  }
0x7b: {  	[sflag:s25] =	ssyncset.done $0x0  }
0x7c: {  	[sflag:s25] =	ssyncadd.s32 $0xFFFFF000  }
0x7d: {  	_ =	swait.ge [sflag:s25], $0x1000  }
0x7e: {  	[sflag:s25] =	ssyncset.done $0x0  }
0x7f: {  	[sflag:s25] =	ssyncadd.s32 $0xFFFFF000  }
0x80: {  	_ =	swait.ge [sflag:s25], $0x1000  }
0x81: {  	s31 =	sadd.s32 $0x1, s31;
	[sflag:s25] =	ssyncset.done $0x0  }
0x82: {  	p0 =	sne.s32 s31, s10;
	[sflag:s25] =	ssyncadd.s32 $0xFFFFF000  }
.Ltmp1:
0x83: {  	[bflag:$0x0] =	sbarrier.arrive $0xFFFF;
	(pc) =	sbr.rel @p0 .LBB2_1-.Ltmp1, $4  }
0x84: {  	[hbm:s9], [sflag:s6] =	dma.local [spmem:s11], $0xA00  }
0x85: {  	_ =	swait.ge [sflag:s12], $0xA00  }
0x86: {  	[sflag:s12] =	ssyncset.done $0x0  }
0x87: {  	[sflag:s12] =	ssyncadd.s32 $0xFFFFF600  }
0x88: {  	_ =	sfence.sel $0x180000  }
0x89: {  	[bflag:$0x0] =	sbarrier.arrive $0xFFFF  }
0x8a: {  	_ =	strace $0x9000004D  }
0x8b: {  	s0 =	stileid.u32;
	[bflag:$0x2] =	sbarrier.arrive $0xFFFF  }
0x8c: {  	p0 =	sne.s32 s0, $0x0;
	s0 =	rddreg [dreg:$0x2]  }
0x8d: {  	s0 =	sadd.s32 @!p0 $0x100000, s0  }
0x8e: {  	[sflag:s0] =	ssyncadd.tile.s32 @!p0 $0x1;
	_ =	shalt  }
.Lfunc_end2:
_tile_overlayer_lowered:
.L_overlay_start_2:
0x8f: {  	(tag) =	ssettag $0x2  }
0x90: {  	s0 =	rddreg [dreg:$0x0];
	s2 =	stileid.u32  }
0x91: {  	s1 =	rddreg [dreg:$0x1];
	p0 =	sne.s32 s2, $0x0  }
0x92: {  	s3 =	rddreg [dreg:$0x2];
	[bflag:$0x3] =	sbarrier.arrive $0xFFFF;
	s2 =	simm.s32 @!p0 $0x1C06  }
0x93: {  	[timem:s3], [sflag:s2] =	dma.local @!p0 [hbm:s0], s1  }
0x94: {  	s0 =	simm.s32 @!p0 $0x6  }
0x95: {  	_ =	swait.ge @!p0 [sflag:s0], s1  }
0x96: {  	s1 =	ssub.s32 @!p0 $0x0, s1;
	[sflag:s0] =	ssyncset.done @!p0 $0x0  }
0x97: {  	[sflag:s0] =	ssyncadd.s32 @!p0 s1  }
0x98: {  	[bflag:$0x3] =	sbarrier.arrive $0xFFFF  }
0x99: {  	_ =	shalt  }

// kernel: kernel.19.cloned.1.call-start
scs
__scs_entry_jumppad:
0x0: {  	(pc) =	sbr.rel $0x88, $3  }
0x1: {  	(tag) =	ssettag $0x0;
	lr =	simm.s32 $0x1  }
0x2: {  	[smem:$0x3F96] =	sst lr;
	_ =	strace $0xD0000000  }
0x3: {  	_ = 	snop  }
0x4: {  	_ = 	snop  }
0x5: {  	_ = 	snop  }
0x6: {  	_ = 	snop  }
0x7: {  	_ = 	snop  }
__scs_overlays_trampoline_lowered:
0x8: {  	[smem:$0x3FA5] =	sst s0  }
0x9: {  	[smem:$0x3FA6] =	sst s1  }
0xa: {  	[smem:$0x3FA7] =	sst s2  }
0xb: {  	[smem:$0x3FA8] =	sst s3  }
0xc: {  	[smem:$0x3FA9] =	sst s4  }
0xd: {  	[smem:$0x3FAA] =	sst s5  }
0xe: {  	[smem:$0x3FAB] =	sst s6  }
0xf: {  	[smem:$0x3FAC] =	sst s7  }
0x10: {  	[smem:$0x3FAD] =	sst s8  }
0x11: {  	[smem:$0x3FAE] =	sst s9;
	s0 =	simm.s32 @!p0 $0x0  }
0x12: {  	s1 =	sld [smem:$0x3F94];
	s0 =	simm.s32 @p0 $0x1  }
0x13: {  	[smem:$0x3FAF] =	sst s0;
	s0 =	simm.s32 @!p1 $0x0  }
0x14: {  	s2 =	sld [smem:$0x3F93];
	s0 =	simm.s32 @p1 $0x1  }
0x15: {  	[smem:$0x3FB0] =	sst s0;
	s0 =	simm.s32 @!p2 $0x0  }
0x16: {  	s3 =	sld [smem:$0x3FDB];
	s0 =	simm.s32 @p2 $0x1  }
0x17: {  	s4 =	simm.s32 $0x1BF5;
	[smem:$0x3FB2] =	sst s0  }
0x18: {  	s0 =	sld [smem:$0x3F95];
	_ =	swait.ge [sflag:s4], $0x0  }
0x19: {  	s7 =	sld [smem:$0x3F96]  }
0x1a: {  	s8 =	sadd.s32 $0xFFFFE003, lr  }
0x1b: {  	s9 =	sadd.s32 $0xFFFFFEF7, lr;
	s5 =	simm.s32 $0xFFFFFFFF;
	p2 =	slt.u32 s8, $0xFFFFF086  }
0x1c: {  	p1 =	slt.u32 s9, $0xF7A;
	s5 =	simm.s32 @!p2 $0x0  }
0x1d: {  	s5 =	simm.s32 @p1 $0x1;
	p0 =	seq.s32 s7, s2  }
0x1e: {  	s7 =	smul.u32 @!p0 $0xF7A, s2;
	p2 =	seq.s32 @!p0 s5, $0x0  }
0x1f: {  	s9 =	smul.u32 $0xF7A, s1;
	s8 =	simm.s32 @!p0 $0x1BF5;
	p2 =	por !p2, p0  }
0x20: {  	[sflag:s8] =	ssyncset.s32 @!p0 $0xFFFFF086;
	s6 =	sadd.s32 @!p0 s3, s7;
	s7 =	simm.s32 @!p0 $0x108  }
0x21: {  	s3 =	sadd.s32 s3, s9;
	s6 =	sadd.s32 @!p0 $0x88, s6;
	s7 =	simm.s32 @p2 $0x1082  }
0x22: {  	[simem:s7], [sflag:s8] =	dma.local @!p0 [hbm:s6], $0xF7A  }
0x23: {  	s9 =	sor.u32 $0xD0000000, s2;
	s6 =	simm.s32 $0x108;
	_ =	swait.ge @!p0 [sflag:s8], $0x0  }
0x24: {  	s3 =	sadd.s32 $0x88, s3;
	s6 =	simm.s32 @!p1 $0x1082;
	[sflag:s4] =	ssyncset.s32 $0xFFFFF086  }
0x25: {  	[simem:s6], [sflag:s4] =	dma.local [hbm:s3], $0xF7A  }
0x26: {  	[smem:$0x3F96] =	sst s1;
	(tag) =	ssettag s2;
	_ =	strace s9  }
0x27: {  	s1 =	sld [smem:$0x3FA6]  }
0x28: {  	s2 =	sld [smem:$0x3FA7]  }
0x29: {  	s4 =	sld [smem:$0x3FA9]  }
0x2a: {  	p0 =	seq.s32 s5, $0x0;
	s5 =	sld [smem:$0x3FAA]  }
0x2b: {  	s6 =	sld [smem:$0x3FAB]  }
0x2c: {  	s7 =	sld [smem:$0x3FAC]  }
0x2d: {  	s3 =	simm.s32 $0x108;
	s8 =	sld [smem:$0x3FAD]  }
0x2e: {  	s3 =	simm.s32 @!p0 $0x1082;
	s9 =	sld [smem:$0x3FAE]  }
0x2f: {  	lr =	sadd.s32 s0, s3;
	s0 =	sld [smem:$0x3FA5]  }
0x30: {  	s3 =	sld [smem:$0x3FA8]  }
0x31: {  	[smem:$0x3FB1] =	sst s10  }
0x32: {  	s10 =	sld [smem:$0x3FAF];
	_ =	sdelay $0x3  }
0x33: {  	p0 =	seq.s32 s10, $0x1;
	s10 =	sld [smem:$0x3FB1];
	_ =	sdelay $0x3  }
0x34: {  	[smem:$0x3FB1] =	sst s10  }
0x35: {  	s10 =	sld [smem:$0x3FB0];
	_ =	sdelay $0x3  }
0x36: {  	p1 =	seq.s32 s10, $0x1;
	s10 =	sld [smem:$0x3FB1];
	_ =	sdelay $0x3  }
0x37: {  	[smem:$0x3FB1] =	sst s10  }
0x38: {  	s10 =	sld [smem:$0x3FB2]  }
0x39: {  	_ = 	snop;
	(pc) =	sbr.ind lr, $3  }
0x3a: {  	_ = 	snop  }
0x3b: {  	_ = 	snop  }
0x3c: {  	p2 =	seq.s32 s10, $0x1;
	s10 =	sld [smem:$0x3FB1]  }
0x3d: {  	_ =	shalt  }
0x3e: {  	_ =	shalt  }
0x3f: {  	_ =	shalt  }
0x40: {  	_ =	shalt  }
0x41: {  	_ =	shalt  }
0x42: {  	_ =	shalt  }
0x43: {  	_ =	shalt  }
0x44: {  	_ =	shalt  }
0x45: {  	_ =	shalt  }
0x46: {  	_ =	shalt  }
0x47: {  	_ =	shalt  }
0x48: {  	_ =	shalt  }
0x49: {  	_ =	shalt  }
0x4a: {  	_ =	shalt  }
0x4b: {  	_ =	shalt  }
0x4c: {  	_ =	shalt  }
0x4d: {  	_ =	shalt  }
0x4e: {  	_ =	shalt  }
0x4f: {  	_ =	shalt  }
0x50: {  	_ =	shalt  }
0x51: {  	_ =	shalt  }
0x52: {  	_ =	shalt  }
0x53: {  	_ =	shalt  }
0x54: {  	_ =	shalt  }
0x55: {  	_ =	shalt  }
0x56: {  	_ =	shalt  }
0x57: {  	_ =	shalt  }
0x58: {  	_ =	shalt  }
0x59: {  	_ =	shalt  }
0x5a: {  	_ =	shalt  }
0x5b: {  	_ =	shalt  }
0x5c: {  	_ =	shalt  }
0x5d: {  	_ =	shalt  }
0x5e: {  	_ =	shalt  }
0x5f: {  	_ =	shalt  }
0x60: {  	_ =	shalt  }
0x61: {  	_ =	shalt  }
0x62: {  	_ =	shalt  }
0x63: {  	_ =	shalt  }
0x64: {  	_ =	shalt  }
0x65: {  	_ =	shalt  }
0x66: {  	_ =	shalt  }
0x67: {  	_ =	shalt  }
0x68: {  	_ =	shalt  }
0x69: {  	_ =	shalt  }
0x6a: {  	_ =	shalt  }
0x6b: {  	_ =	shalt  }
0x6c: {  	_ =	shalt  }
0x6d: {  	_ =	shalt  }
0x6e: {  	_ =	shalt  }
0x6f: {  	_ =	shalt  }
0x70: {  	_ =	shalt  }
0x71: {  	_ =	shalt  }
0x72: {  	_ =	shalt  }
0x73: {  	_ =	shalt  }
0x74: {  	_ =	shalt  }
0x75: {  	_ =	shalt  }
0x76: {  	_ =	shalt  }
0x77: {  	_ =	shalt  }
0x78: {  	_ =	shalt  }
0x79: {  	_ =	shalt  }
0x7a: {  	_ =	shalt  }
0x7b: {  	_ =	shalt  }
0x7c: {  	_ =	shalt  }
0x7d: {  	_ =	shalt  }
0x7e: {  	_ =	shalt  }
0x7f: {  	_ =	shalt  }
0x80: {  	_ =	shalt  }
0x81: {  	_ =	shalt  }
0x82: {  	_ =	shalt  }
0x83: {  	_ =	shalt  }
0x84: {  	_ =	shalt  }
0x85: {  	_ =	shalt  }
0x86: {  	_ =	shalt  }
0x87: {  	_ =	shalt  }
.Lfunc_end0:
.L_simem_size_0:
called_computation.3_lowered:
.L_overlay_start_0:
0x88: {  	s2 =	sld [smem:$0x3FD9]  }
0x89: {  	s3 =	sld [smem:$0x3FFE];
	_ =	sdelay $0x1  }
0x8a: {  	s1 =	srdreg.scid  }
0x8b: {  	s0 =	sand.u32 $0x1, s1  }
0x8c: {  	s16 =	sshll.u32 s0, $0xA;
	s2 =	sadd.s32 s3, s2  }
0x8d: {  	s2 =	sadd.s32 s2, s16  }
0x8e: {  	[smem:$0x3FBD] =	sst s2  }
0x8f: {  	_ = 	snop  }
0x90: {  	(tm) =	ssettm $0x1  }
0x91: {  	s17 =	sld [smem:$0x3FFB];
	_ =	sdelay $0x3  }
0x92: {  	_ =	strace s17  }
0x93: {  	s2 =	sld [smem:$0x3FFC];
	_ =	sdelay $0x3  }
0x94: {  	_ =	strace s2  }
0x95: {  	s2 =	sld [smem:$0x3FFD];
	_ =	sdelay $0x3  }
0x96: {  	_ =	strace s2  }
0x97: {  	_ =	strace $0x8FFFFFFF  }
0x98: {  	s18 =	sld [smem:$0x3FDB];
	_ =	sdelay $0x1  }
0x99: {  	s19 =	simm.s32 $_scs_section_size  }
0x9a: {  	s4 =	simm.s32 $_size__tile_overlayer_lowered;
	s5 =	simm.s32 $_tile_overlayer_lowered  }
0x9b: {  	s22 =	simm.s32 $0x1BFF;
	s21 =	sshll.u32 s5, $0x1;
	s2 =	sadd.s32 s19, s18  }
0x9c: {  	s6 =	simm.s32 $0x0;
	s20 =	sshll.u32 s4, $0x1;
	s4 =	sadd.s32 s21, s2  }
0x9d: {  	[timem:s6], [sflag:s22] =	dma.local [hbm:s4], s20  }
0x9e: {  	_ =	swait.ge [sflag:s22], s20  }
0x9f: {  	s3 =	ssub.s32 $0x0, s20;
	[sflag:s22] =	ssyncset.done $0x0  }
0xa0: {  	[sflag:s22] =	ssyncadd.s32 s3;
	_ =	sdelay $0x1  }
0xa1: {  	s23 =	simm.s32 $0x1B8B  }
0xa2: {  	_ =	swait.ge [sflag:s23], $0x1  }
0xa3: {  	[sflag:s23] =	ssyncset.done $0x0  }
0xa4: {  	s25 =	simm.s32 $0x1B8E;
	s24 =	sld [smem:$0x3FFE];
	[sflag:s23] =	ssyncadd.s32 $0xFFFFFFFF  }
0xa5: {  	s26 =	simm.s32 $execute0_lowered;
	[smem:$0x3FD2] =	sst s25  }
0xa6: {  	s4 =	sshll.u32 s26, $0x1;
	_ =	strace $0x8000004F;
	[dreg:$0x1] =	wrdreg $0xFFFFFFFF  }
0xa7: {  	s28 =	simm.s32 $_size_execute0_lowered;
	s2 =	sadd.s32 s2, s4;
	[dreg:$0x0] =	wrdreg $0x0  }
0xa8: {  	s4 =	sshll.u32 s28, $0x1;
	[dreg:$0x2] =	wrdreg s2  }
0xa9: {  	[dreg:$0x3] =	wrdreg s4  }
0xaa: {  	[dreg:$0x4] =	wrdreg $0xC0  }
0xab: {  	_ =	task [dreg:s6], $0x5FFFF  }
0xac: {  	[dreg:$0x1] =	wrdreg $0xFFFFFFFF  }
0xad: {  	[dreg:$0x0] =	wrdreg $0x60  }
0xae: {  	[dreg:$0x2] =	wrdreg s24  }
0xaf: {  	[dreg:$0x3] =	wrdreg $0x70000  }
0xb0: {  	[dreg:$0x4] =	wrdreg $0x9  }
0xb1: {  	_ =	task.clear_ibuf [dreg:s6], $0x5FFFF;
	_ =	strace $0x9000004F  }
0xb2: {  	s29 =	simm.s32 $0x9;
	_ =	strace $0x80000051  }
0xb3: {  	_ =	swait.ge [sflag:s29], $0x1  }
0xb4: {  	[sflag:s29] =	ssyncadd.s32 $0xFFFFFFFF  }
0xb5: {  	_ =	strace $0x90000051  }
0xb6: {  	_ =	sfence  }
0xb7: {  	s30 =	sld [smem:$0x0];
	_ =	sdelay $0x2  }
0xb8: {  	s31 =	sshll.u32 s1, $0xD;
	s1 =	sshrl.u32 s1, $0x2  }
0xb9: {  	s3 =	sand.u32 $0x4000, s31;
	s1 =	sadd.s32 s1, s30  }
0xba: {  	s0 =	sor.u32 s3, s0;
	s1 =	sshll.u32 s1, $0x11  }
0xbb: {  	s0 =	sor.u32 s1, s0  }
0xbc: {  	s0 =	sadd.s32 $0x8F2B, s0  }
0xbd: {  	[sflag:s0] =	ssyncadd.remote.s32 $0x1  }
0xbe: {  	_ =	sfence.sel $0xFFFF  }
0xbf: {  	[dreg:$0x0] =	wrdreg $0xFFFFFFFF;
	(pc) =	sbr.abs _section_cstart, $3  }
0xc0: {  	[dreg:$0x1] =	wrdreg $0xFFFFFFFF  }
0xc1: {  	_ =	task.clear_ibuf [dreg:s6], $0x2FFFF;
	_ =	strace $0x9FFFFFFF  }
0xc2: {  	(tm) =	ssettm $0x7FFFFFFF  }
0xc3: {  	_ =	shalt  }
tec
execute0_lowered:
.L_overlay_start_1:
0x0: {  	(tag) =	ssettag $0x1  }
0x1: {  	s0 =	rddreg [dreg:$0x0];
	s1 =	srdreg.scid  }
0x2: {  	s2 =	rddreg [dreg:$0x1];
	s9 =	stileid.u32  }
0x3: {  	s3 =	simm.s32 $0x0;
	s12 =	simm.s32 $0x6;
	s14 =	simm.s32 $0x80  }
0x4: {  	s15 =	simm.s32 $0x5000;
	s16 =	simm.s32 $0x5800;
	s17 =	simm.s32 $0x100  }
0x5: {  	s18 =	simm.s32 $0x6000;
	s19 =	simm.s32 $0x180;
	s20 =	simm.s32 $0x6800  }
0x6: {  	s21 =	simm.s32 $0x1;
	s22 =	simm.s32 $0x2;
	s23 =	simm.s32 $0x3  }
0x7: {  	s24 =	simm.s32 $0x4;
	s25 =	simm.s32 $0x5;
	s28 =	simm.s32 $0x4E80  }
0x8: {  	s29 =	simm.s32 $0x4F00;
	s30 =	simm.s32 $0x4F80;
	s31 =	simm.s32 $0x0  }
0x9: {  	s1 =	sand.u32 $0x1, s1;
	s6 =	smul.u32 $0x5000, s9;
	[smem:$0x7FF] =	sst s3  }
0xa: {  	s4 =	sshll.u32 s1, $0x4;
	s5 =	smul.u32 $0x50000, s1;
	s1 =	ssub.s32 $0x2, s1  }
0xb: {  	_ =	strace $0x80000050;
	s4 =	sor.u32 s9, s4;
	s26 =	sshrl.u32 s1, $0x1  }
0xc: {  	s9 =	sshll.u32 s9, $0x6;
	s4 =	smul.u32 $0x500, s4;
	s5 =	sadd.s32 s6, s5  }
0xd: {  	s6 =	sshrl.u32 s6, $0x1;
	s1 =	ssub.s32 s1, s26;
	s26 =	simm.s32 $0x4E00  }
0xe: {  	s7 =	sshrl.u32 s5, $0x4;
	s5 =	sadd.s32 $0x21800, s0;
	s11 =	sadd.s32 s6, s2  }
0xf: {  	s6 =	sor.u32 $0x1C06, s9;
	s10 =	smax.u32 s1, $0x1;
	s8 =	sadd.s32 s4, s0  }
0x10: {  	s4 =	sadd.s32 $0x16E00, s0;
	s0 =	sadd.s32 s7, s0;
	s11 =	sshrl.u32 s11, $0x3  }
0x11: {  	s7 =	sadd.s32 $0xCE00, s8;
	s8 =	sadd.s32 $0x2E00, s8;
	s9 =	sadd.s32 $0x72400, s0  }
.LBB2_1:
0x12: {  	[spmem:s11], [sflag:s6] =	dma.local [hbm:s5], $0x500  }
0x13: {  	_ =	swait.ge [sflag:s12], $0x500  }
0x14: {  	[sflag:s12] =	ssyncset.done $0x0  }
0x15: {  	[sflag:s12] =	ssyncadd.s32 $0xFFFFFB00  }
0x16: {  	[tilespmem:s3], [sflag:$0x6] =	stream.linear.gather [hbm4b:s7+s3], $0x2800, $0x38;
	[tilespmem:$0x9800] =	vst v63  }
0x17: {  	_ =	swait.ge [sflag:s12], $0x2800  }
0x18: {  	[sflag:s12] =	ssyncset.done $0x0  }
0x19: {  	s0 =	simm.s32 $0x2800;
	[sflag:s12] =	ssyncadd.s32 $0xFFFFD800  }
0x1a: {  	[tilespmem:s0], [sflag:$0x6] =	stream.linear.gather [hbm4b:s8+s3], $0x2800, $0x38;
	[tilespmem:$0x9800] =	vst v63  }
0x1b: {  	_ =	swait.ge [sflag:s12], $0x2800  }
0x1c: {  	[sflag:s12] =	ssyncset.done $0x0  }
0x1d: {  	[sflag:s12] =	ssyncadd.s32 $0xFFFFD800  }
0x1e: {  	[bflag:$0x0] =	sbarrier.arrive $0xFFFF  }
0x1f: {  	[tilespmem:s15], [sflag:$0x1] =	stream.indirect.gather [hbm4b:s4+s14], $0x10, s3, s14, $0xb8;
	[tilespmem:$0x9800] =	vst v63  }
0x20: {  	_ = 	snop  }
0x21: {  	[tilespmem:s16], [sflag:$0x2] =	stream.indirect.gather [hbm4b:s4+s14], $0x10, s14, s14, $0xb8;
	[tilespmem:$0x9800] =	vst v63  }
0x22: {  	_ = 	snop  }
0x23: {  	[tilespmem:s18], [sflag:$0x3] =	stream.indirect.gather [hbm4b:s4+s14], $0x10, s17, s14, $0xb8;
	[tilespmem:$0x9800] =	vst v63  }
0x24: {  	_ = 	snop  }
0x25: {  	[tilespmem:s20], [sflag:$0x4] =	stream.indirect.gather [hbm4b:s4+s14], $0x10, s19, s14, $0xb8;
	[tilespmem:$0x9800] =	vst v63  }
0x26: {  	_ =	swait.ge [sflag:s21], $0x800  }
0x27: {  	[sflag:s21] =	ssyncset.done $0x0  }
0x28: {  	s13 =	simm.s32 $0x2800;
	[sflag:s21] =	ssyncadd.s32 $0xFFFFF800  }
0x29: {  	[spmem:s2] =	stream.indirect.scatter.add.bf16 [tilespmem:s15], [sflag:$0x5], $0x10, s13, s14, $0xb8;
	[tilespmem:$0x9800] =	vst v63  }
0x2a: {  	_ =	swait.ge [sflag:s22], $0x800  }
0x2b: {  	[sflag:s22] =	ssyncset.done $0x0  }
0x2c: {  	s1 =	simm.s32 $0x2880;
	[sflag:s22] =	ssyncadd.s32 $0xFFFFF800  }
0x2d: {  	[spmem:s2] =	stream.indirect.scatter.add.bf16 [tilespmem:s16], [sflag:$0x5], $0x10, s1, s14, $0xb8;
	[tilespmem:$0x9800] =	vst v63  }
0x2e: {  	_ =	swait.ge [sflag:s23], $0x800  }
0x2f: {  	[sflag:s23] =	ssyncset.done $0x0  }
0x30: {  	s13 =	simm.s32 $0x2900;
	[sflag:s23] =	ssyncadd.s32 $0xFFFFF800  }
0x31: {  	[spmem:s2] =	stream.indirect.scatter.add.bf16 [tilespmem:s18], [sflag:$0x5], $0x10, s13, s14, $0xb8;
	[tilespmem:$0x9800] =	vst v63  }
0x32: {  	_ =	swait.ge [sflag:s24], $0x800  }
0x33: {  	[sflag:s24] =	ssyncset.done $0x0  }
0x34: {  	s1 =	simm.s32 $0x2980;
	[sflag:s24] =	ssyncadd.s32 $0xFFFFF800  }
0x35: {  	[spmem:s2] =	stream.indirect.scatter.add.bf16 [tilespmem:s20], [sflag:$0x5], $0x10, s1, s14, $0xb8;
	[tilespmem:$0x9800] =	vst v63  }
0x36: {  	_ =	swait.ge [sflag:s25], $0x800  }
0x37: {  	[sflag:s25] =	ssyncset.done $0x0  }
0x38: {  	s13 =	simm.s32 $0x200;
	[sflag:s25] =	ssyncadd.s32 $0xFFFFF800  }
0x39: {  	[tilespmem:s15], [sflag:$0x1] =	stream.indirect.gather [hbm4b:s4+s14], $0x10, s13, s14, $0xb8;
	[tilespmem:$0x9800] =	vst v63  }
0x3a: {  	_ =	swait.ge [sflag:s25], $0x800  }
0x3b: {  	[sflag:s25] =	ssyncset.done $0x0  }
0x3c: {  	s1 =	simm.s32 $0x280;
	[sflag:s25] =	ssyncadd.s32 $0xFFFFF800  }
0x3d: {  	[tilespmem:s16], [sflag:$0x2] =	stream.indirect.gather [hbm4b:s4+s14], $0x10, s1, s14, $0xb8;
	[tilespmem:$0x9800] =	vst v63  }
0x3e: {  	_ =	swait.ge [sflag:s25], $0x800  }
0x3f: {  	[sflag:s25] =	ssyncset.done $0x0  }
0x40: {  	s13 =	simm.s32 $0x300;
	[sflag:s25] =	ssyncadd.s32 $0xFFFFF800  }
0x41: {  	[tilespmem:s18], [sflag:$0x3] =	stream.indirect.gather [hbm4b:s4+s14], $0x10, s13, s14, $0xb8;
	[tilespmem:$0x9800] =	vst v63  }
0x42: {  	_ =	swait.ge [sflag:s25], $0x800  }
0x43: {  	[sflag:s25] =	ssyncset.done $0x0  }
0x44: {  	s0 =	simm.s32 $0x800;
	s1 =	simm.s32 $0x380;
	[sflag:s25] =	ssyncadd.s32 $0xFFFFF800  }
.LBB2_2:
0x45: {  	[tilespmem:s20], [sflag:$0x4] =	stream.indirect.gather [hbm4b:s4+s14], $0x10, s1, s14, $0xb8;
	[tilespmem:$0x9800] =	vst v63  }
0x46: {  	s1 =	smov.u32 s0  }
0x47: {  	p0 =	sne.s32 s0, $0x9000;
	s0 =	sadd.s32 $0x800, s0;
	_ =	swait.ge [sflag:s21], $0x800  }
0x48: {  	s1 =	sshra.s32 s1, $0x2;
	[sflag:s21] =	ssyncset.done $0x0  }
0x49: {  	s13 =	sadd.s32 $0x2800, s1;
	[sflag:s21] =	ssyncadd.s32 $0xFFFFF800  }
0x4a: {  	[spmem:s2] =	stream.indirect.scatter.add.bf16 [tilespmem:s15], [sflag:$0x5], $0x10, s13, s14, $0xb8;
	[tilespmem:$0x9800] =	vst v63  }
0x4b: {  	_ =	swait.ge [sflag:s22], $0x800  }
0x4c: {  	[sflag:s22] =	ssyncset.done $0x0  }
0x4d: {  	s13 =	sadd.s32 $0x2880, s1;
	[sflag:s22] =	ssyncadd.s32 $0xFFFFF800  }
0x4e: {  	[spmem:s2] =	stream.indirect.scatter.add.bf16 [tilespmem:s16], [sflag:$0x5], $0x10, s13, s14, $0xb8;
	[tilespmem:$0x9800] =	vst v63  }
0x4f: {  	_ =	swait.ge [sflag:s23], $0x800  }
0x50: {  	[sflag:s23] =	ssyncset.done $0x0  }
0x51: {  	s13 =	sadd.s32 $0x2900, s1;
	[sflag:s23] =	ssyncadd.s32 $0xFFFFF800  }
0x52: {  	[spmem:s2] =	stream.indirect.scatter.add.bf16 [tilespmem:s18], [sflag:$0x5], $0x10, s13, s14, $0xb8;
	[tilespmem:$0x9800] =	vst v63  }
0x53: {  	_ =	swait.ge [sflag:s24], $0x800  }
0x54: {  	[sflag:s24] =	ssyncset.done $0x0  }
0x55: {  	s13 =	sadd.s32 $0x2980, s1;
	[sflag:s24] =	ssyncadd.s32 $0xFFFFF800  }
0x56: {  	[spmem:s2] =	stream.indirect.scatter.add.bf16 [tilespmem:s20], [sflag:$0x5], $0x10, s13, s14, $0xb8;
	[tilespmem:$0x9800] =	vst v63  }
0x57: {  	_ =	swait.ge [sflag:s25], $0x800  }
0x58: {  	[sflag:s25] =	ssyncset.done $0x0  }
0x59: {  	s13 =	sadd.s32 $0x200, s1;
	[sflag:s25] =	ssyncadd.s32 $0xFFFFF800  }
0x5a: {  	[tilespmem:s15], [sflag:$0x1] =	stream.indirect.gather [hbm4b:s4+s14], $0x10, s13, s14, $0xb8;
	[tilespmem:$0x9800] =	vst v63  }
0x5b: {  	_ =	swait.ge [sflag:s25], $0x800  }
0x5c: {  	[sflag:s25] =	ssyncset.done $0x0  }
0x5d: {  	s13 =	sadd.s32 $0x280, s1;
	[sflag:s25] =	ssyncadd.s32 $0xFFFFF800  }
0x5e: {  	[tilespmem:s16], [sflag:$0x2] =	stream.indirect.gather [hbm4b:s4+s14], $0x10, s13, s14, $0xb8;
	[tilespmem:$0x9800] =	vst v63  }
0x5f: {  	_ =	swait.ge [sflag:s25], $0x800  }
0x60: {  	[sflag:s25] =	ssyncset.done $0x0  }
.Ltmp0:
0x61: {  	s13 =	sadd.s32 $0x300, s1;
	[sflag:s25] =	ssyncadd.s32 $0xFFFFF800;
	(pc) =	sbr.rel @p0 .LBB2_2-.Ltmp0, $4  }
0x62: {  	[tilespmem:s18], [sflag:$0x3] =	stream.indirect.gather [hbm4b:s4+s14], $0x10, s13, s14, $0xb8;
	[tilespmem:$0x9800] =	vst v63  }
0x63: {  	_ =	swait.ge [sflag:s25], $0x800  }
0x64: {  	[sflag:s25] =	ssyncset.done $0x0  }
0x65: {  	s1 =	sadd.s32 $0x380, s1;
	[sflag:s25] =	ssyncadd.s32 $0xFFFFF800  }
0x66: {  	[tilespmem:s20], [sflag:$0x4] =	stream.indirect.gather [hbm4b:s4+s14], $0x10, s1, s14, $0xb8;
	[tilespmem:$0x9800] =	vst v63  }
0x67: {  	_ =	swait.ge [sflag:s21], $0x800  }
0x68: {  	[sflag:s21] =	ssyncset.done $0x0  }
0x69: {  	[sflag:s21] =	ssyncadd.s32 $0xFFFFF800  }
0x6a: {  	[spmem:s2] =	stream.indirect.scatter.add.bf16 [tilespmem:s15], [sflag:$0x5], $0x10, s26, s14, $0xb8;
	[tilespmem:$0x9800] =	vst v63  }
0x6b: {  	_ =	swait.ge [sflag:s22], $0x800  }
0x6c: {  	[sflag:s22] =	ssyncset.done $0x0  }
0x6d: {  	[sflag:s22] =	ssyncadd.s32 $0xFFFFF800  }
0x6e: {  	[spmem:s2] =	stream.indirect.scatter.add.bf16 [tilespmem:s16], [sflag:$0x5], $0x10, s28, s14, $0xb8;
	[tilespmem:$0x9800] =	vst v63  }
0x6f: {  	_ =	swait.ge [sflag:s23], $0x800  }
0x70: {  	[sflag:s23] =	ssyncset.done $0x0  }
0x71: {  	[sflag:s23] =	ssyncadd.s32 $0xFFFFF800  }
0x72: {  	[spmem:s2] =	stream.indirect.scatter.add.bf16 [tilespmem:s18], [sflag:$0x5], $0x10, s29, s14, $0xb8;
	[tilespmem:$0x9800] =	vst v63  }
0x73: {  	_ =	swait.ge [sflag:s24], $0x800  }
0x74: {  	[sflag:s24] =	ssyncset.done $0x0  }
0x75: {  	[sflag:s24] =	ssyncadd.s32 $0xFFFFF800  }
0x76: {  	[spmem:s2] =	stream.indirect.scatter.add.bf16 [tilespmem:s20], [sflag:$0x5], $0x10, s30, s14, $0xb8;
	[tilespmem:$0x9800] =	vst v63  }
0x77: {  	_ =	swait.ge [sflag:s25], $0x800  }
0x78: {  	[sflag:s25] =	ssyncset.done $0x0  }
0x79: {  	[sflag:s25] =	ssyncadd.s32 $0xFFFFF800  }
0x7a: {  	_ =	swait.ge [sflag:s25], $0x800  }
0x7b: {  	[sflag:s25] =	ssyncset.done $0x0  }
0x7c: {  	[sflag:s25] =	ssyncadd.s32 $0xFFFFF800  }
0x7d: {  	_ =	swait.ge [sflag:s25], $0x800  }
0x7e: {  	[sflag:s25] =	ssyncset.done $0x0  }
0x7f: {  	[sflag:s25] =	ssyncadd.s32 $0xFFFFF800  }
0x80: {  	_ =	swait.ge [sflag:s25], $0x800  }
0x81: {  	s31 =	sadd.s32 $0x1, s31;
	[sflag:s25] =	ssyncset.done $0x0  }
0x82: {  	p0 =	sne.s32 s31, s10;
	[sflag:s25] =	ssyncadd.s32 $0xFFFFF800  }
.Ltmp1:
0x83: {  	[bflag:$0x0] =	sbarrier.arrive $0xFFFF;
	(pc) =	sbr.rel @p0 .LBB2_1-.Ltmp1, $4  }
0x84: {  	[hbm:s9], [sflag:s6] =	dma.local [spmem:s11], $0x500  }
0x85: {  	_ =	swait.ge [sflag:s12], $0x500  }
0x86: {  	[sflag:s12] =	ssyncset.done $0x0  }
0x87: {  	[sflag:s12] =	ssyncadd.s32 $0xFFFFFB00  }
0x88: {  	_ =	sfence.sel $0x180000  }
0x89: {  	[bflag:$0x0] =	sbarrier.arrive $0xFFFF  }
0x8a: {  	_ =	strace $0x90000050  }
0x8b: {  	s0 =	stileid.u32;
	[bflag:$0x2] =	sbarrier.arrive $0xFFFF  }
0x8c: {  	p0 =	sne.s32 s0, $0x0;
	s0 =	rddreg [dreg:$0x2]  }
0x8d: {  	s0 =	sadd.s32 @!p0 $0x100000, s0  }
0x8e: {  	[sflag:s0] =	ssyncadd.tile.s32 @!p0 $0x1;
	_ =	shalt  }
.Lfunc_end2:
_tile_overlayer_lowered:
.L_overlay_start_2:
0x8f: {  	(tag) =	ssettag $0x2  }
0x90: {  	s0 =	rddreg [dreg:$0x0];
	s2 =	stileid.u32  }
0x91: {  	s1 =	rddreg [dreg:$0x1];
	p0 =	sne.s32 s2, $0x0  }
0x92: {  	s3 =	rddreg [dreg:$0x2];
	[bflag:$0x3] =	sbarrier.arrive $0xFFFF;
	s2 =	simm.s32 @!p0 $0x1C06  }
0x93: {  	[timem:s3], [sflag:s2] =	dma.local @!p0 [hbm:s0], s1  }
0x94: {  	s0 =	simm.s32 @!p0 $0x6  }
0x95: {  	_ =	swait.ge @!p0 [sflag:s0], s1  }
0x96: {  	s1 =	ssub.s32 @!p0 $0x0, s1;
	[sflag:s0] =	ssyncset.done @!p0 $0x0  }
0x97: {  	[sflag:s0] =	ssyncadd.s32 @!p0 s1  }
0x98: {  	[bflag:$0x3] =	sbarrier.arrive $0xFFFF  }
0x99: {  	_ =	shalt  }

</sc_bundles>
